<compile_context>
chip_gen: v7x
topology: tpu7x:2x2x1
jax: 0.10.2.dev20260603
libtpu: 0.0.44.dev20260713+nightly
codegen_flags: <defaults>
</compile_context>

<pallas_src>
import functools

import jax
import jax.numpy as jnp
from jax import lax
from jax.experimental import pallas as pl
from jax.experimental.pallas import tpu as pltpu
from jax.experimental.pallas import tpu_sc as plsc

N_NODES = 10000
D = 128
N_EDGES = 320000

NC = 2
NS = 16
NW = NC * NS

CHUNK = 96
KCH = 108
CPW = KCH * CHUNK
E_PAD = NW * CPW
N1 = 10240
ROWS_PT = N1 // NS
DEGW = 128
DCHUNK = 128
DKCH = CPW // DCHUNK

_mesh = plsc.VectorSubcoreMesh(core_axis_name="c", subcore_axis_name="s")


@functools.partial(
    pl.kernel,
    out_type=jax.ShapeDtypeStruct((NC * N1, DEGW), jnp.float32),
    mesh=_mesh,
    scratch_types=[
        pltpu.VMEM((DCHUNK,), jnp.int32),
        pltpu.VMEM((DCHUNK,), jnp.int32),
        pltpu.VMEM((DCHUNK,), jnp.int32),
        pltpu.VMEM((DCHUNK, DEGW), jnp.float32),
        pltpu.VMEM_SHARED((N1, DEGW), jnp.float32),
        pltpu.SemaphoreType.DMA,
        pltpu.SemaphoreType.DMA,
        pltpu.SemaphoreType.DMA,
        pltpu.SemaphoreType.DMA,
        pltpu.SemaphoreType.DMA,
        pltpu.SemaphoreType.DMA,
    ],
)
def _sc_degree(dst_hbm, ones_hbm, zeros_hbm, out_hbm,
               idxd0, idxd1, idxd2, ones_v, deg_sh,
               semi0, semi1, semi2, semsc0, semsc1, semsc2):
    c = lax.axis_index("c")
    s = lax.axis_index("s")
    base = (c * NS + s) * CPW
    idxd = (idxd0, idxd1, idxd2)
    semi = (semi0, semi1, semi2)
    semsc = (semsc0, semsc1, semsc2)

    def idx_load(j, sl):
        pltpu.async_copy(
            dst_hbm.at[pl.ds(base + j * DCHUNK, DCHUNK)], idxd[sl], semi[sl])

    def idx_wait(j, sl):
        pltpu.make_async_copy(
            dst_hbm.at[pl.ds(base + j * DCHUNK, DCHUNK)], idxd[sl], semi[sl]).wait()

    def sc_issue(sl):
        pltpu.async_copy(ones_v, deg_sh.at[idxd[sl]], semsc[sl], add=True)

    def sc_wait(sl):
        pltpu.make_async_copy(ones_v, deg_sh.at[idxd[sl]], semsc[sl]).wait()

    pltpu.sync_copy(ones_hbm, ones_v)
    idx_load(0, 0)
    idx_load(1, 1)
    pltpu.sync_copy(zeros_hbm, deg_sh.at[pl.ds(s * ROWS_PT, ROWS_PT)])
    plsc.subcore_barrier()

    def body(g, carry):
        for k in range(3):
            j = 3 * g + k
            idx_wait(j, k)
            sc_issue(k)

            @pl.when(j >= 1)
            def _():
                sc_wait((k + 2) % 3)

            @pl.when(j + 2 < DKCH)
            def _():
                idx_load(j + 2, (k + 2) % 3)
        return carry

    lax.fori_loop(0, DKCH // 3, body, 0)
    sc_wait(2)
    plsc.subcore_barrier()
    pltpu.sync_copy(
        deg_sh.at[pl.ds(s * ROWS_PT, ROWS_PT)],
        out_hbm.at[pl.ds(c * N1 + s * ROWS_PT, ROWS_PT)],
    )


@functools.partial(
    pl.kernel,
    out_type=jax.ShapeDtypeStruct((NC * N1, D), jnp.float32),
    mesh=_mesh,
    scratch_types=[
        pltpu.VMEM((CHUNK,), jnp.int32),
        pltpu.VMEM((CHUNK,), jnp.int32),
        pltpu.VMEM((CHUNK,), jnp.int32),
        pltpu.VMEM((CHUNK,), jnp.int32),
        pltpu.VMEM((CHUNK,), jnp.int32),
        pltpu.VMEM((CHUNK,), jnp.int32),
        pltpu.VMEM((CHUNK,), jnp.int32),
        pltpu.VMEM((CHUNK,), jnp.int32),
        pltpu.VMEM((CHUNK,), jnp.int32),
        pltpu.VMEM((CHUNK,), jnp.int32),
        pltpu.VMEM((CHUNK,), jnp.int32),
        pltpu.VMEM((CHUNK,), jnp.int32),
        pltpu.VMEM((CHUNK, D), jnp.float32),
        pltpu.VMEM((CHUNK, D), jnp.float32),
        pltpu.VMEM((CHUNK, D), jnp.float32),
        pltpu.VMEM_SHARED((N1, D), jnp.float32),
        pltpu.SemaphoreType.DMA,
        pltpu.SemaphoreType.DMA,
        pltpu.SemaphoreType.DMA,
        pltpu.SemaphoreType.DMA,
        pltpu.SemaphoreType.DMA,
        pltpu.SemaphoreType.DMA,
        pltpu.SemaphoreType.DMA,
        pltpu.SemaphoreType.DMA,
        pltpu.SemaphoreType.DMA,
        pltpu.SemaphoreType.DMA,
        pltpu.SemaphoreType.DMA,
        pltpu.SemaphoreType.DMA,
    ],
)
def _sc_aggregate(g_hbm, src_hbm, dst_hbm, zeros_hbm, out_hbm,
                  idxs0, idxs1, idxs2, idxs3, idxs4, idxs5,
                  idxd0, idxd1, idxd2, idxd3, idxd4, idxd5,
                  rows0, rows1, rows2, agg_sh,
                  semi0, semi1, semi2, semi3, semi4, semi5,
                  semg0, semg1, semg2, semsc0, semsc1, semsc2):
    c = lax.axis_index("c")
    s = lax.axis_index("s")
    base = (c * NS + s) * CPW
    idxs = (idxs0, idxs1, idxs2, idxs3, idxs4, idxs5)
    idxd = (idxd0, idxd1, idxd2, idxd3, idxd4, idxd5)
    rows = (rows0, rows1, rows2)
    semi = (semi0, semi1, semi2, semi3, semi4, semi5)
    semg = (semg0, semg1, semg2)
    semsc = (semsc0, semsc1, semsc2)

    def idx_load(j, sl):
        pltpu.async_copy(
            src_hbm.at[pl.ds(base + j * CHUNK, CHUNK)], idxs[sl], semi[sl])
        pltpu.async_copy(
            dst_hbm.at[pl.ds(base + j * CHUNK, CHUNK)], idxd[sl], semi[sl])

    def idx_wait(j, sl):
        pltpu.make_async_copy(
            src_hbm.at[pl.ds(base + j * CHUNK, CHUNK)], idxs[sl], semi[sl]).wait()
        pltpu.make_async_copy(
            dst_hbm.at[pl.ds(base + j * CHUNK, CHUNK)], idxd[sl], semi[sl]).wait()

    def gather(sl, r):
        pltpu.async_copy(g_hbm.at[idxs[sl]], rows[r], semg[r])

    def gather_wait(sl, r):
        pltpu.make_async_copy(g_hbm.at[idxs[sl]], rows[r], semg[r]).wait()

    def sc_issue(sl, r):
        pltpu.async_copy(rows[r], agg_sh.at[idxd[sl]], semsc[r], add=True)

    def sc_wait(sl, r):
        pltpu.make_async_copy(rows[r], agg_sh.at[idxd[sl]], semsc[r]).wait()

    for k in range(5):
        idx_load(k, k)
    pltpu.sync_copy(zeros_hbm, agg_sh.at[pl.ds(s * ROWS_PT, ROWS_PT)])
    plsc.subcore_barrier()
    idx_wait(0, 0)
    gather(0, 0)
    idx_wait(1, 1)
    gather(1, 1)

    def body(g, carry):
        for k in range(6):
            j = 6 * g + k
            r = k % 3
            rm1 = (k + 2) % 3
            gather_wait(k, r)
            sc_issue(k, r)

            @pl.when(j >= 1)
            def _():
                sc_wait((k + 5) % 6, rm1)

            @pl.when(j + 5 < KCH)
            def _():
                idx_load(j + 5, (k + 5) % 6)

            @pl.when(j + 2 < KCH)
            def _():
                idx_wait(j + 2, (k + 2) % 6)
                gather((k + 2) % 6, rm1)
        return carry

    lax.fori_loop(0, KCH // 6, body, 0)
    sc_wait(5, 2)
    plsc.subcore_barrier()
    pltpu.sync_copy(
        agg_sh.at[pl.ds(s * ROWS_PT, ROWS_PT)],
        out_hbm.at[pl.ds(c * N1 + s * ROWS_PT, ROWS_PT)],
    )


BR = 1024


def _tc1_body(degp0, degp1, x_ref, w_ref, dinv_ref, g_ref):
    deg = degp0[:, :1] + degp1[:, :1] + 1.0
    dinvb = jnp.broadcast_to(lax.rsqrt(deg), (BR, D))
    h = jnp.dot(x_ref[...], w_ref[...], preferred_element_type=jnp.float32)
    dinv_ref[...] = dinvb
    g_ref[...] = dinvb * h


_tc1 = pl.pallas_call(
    _tc1_body,
    grid=(N1 // BR,),
    in_specs=[
        pl.BlockSpec((BR, DEGW), lambda i: (i, 0)),
        pl.BlockSpec((BR, DEGW), lambda i: (i, 0)),
        pl.BlockSpec((BR, D), lambda i: (i, 0)),
        pl.BlockSpec((D, D), lambda i: (0, 0)),
    ],
    out_specs=[
        pl.BlockSpec((BR, D), lambda i: (i, 0)),
        pl.BlockSpec((BR, D), lambda i: (i, 0)),
    ],
    out_shape=[
        jax.ShapeDtypeStruct((N1, D), jnp.float32),
        jax.ShapeDtypeStruct((N1, D), jnp.float32),
    ],
)


def _tc2_body(agg0, agg1, g1, dinv, w_ref, b_ref, g2_ref):
    i = pl.program_id(0)
    t = dinv[...] * (agg0[...] + agg1[...] + g1[...]) + b_ref[...]
    t = jnp.maximum(t, 0.0)
    rows = i * BR + lax.broadcasted_iota(jnp.int32, (BR, D), 0)
    t = jnp.where(rows < N_NODES, t, 0.0)
    g2_ref[...] = dinv[...] * jnp.dot(t, w_ref[...], preferred_element_type=jnp.float32)


_tc2 = pl.pallas_call(
    _tc2_body,
    grid=(N1 // BR,),
    in_specs=[
        pl.BlockSpec((BR, D), lambda i: (i, 0)),
        pl.BlockSpec((BR, D), lambda i: (i, 0)),
        pl.BlockSpec((BR, D), lambda i: (i, 0)),
        pl.BlockSpec((BR, D), lambda i: (i, 0)),
        pl.BlockSpec((D, D), lambda i: (0, 0)),
        pl.BlockSpec((1, D), lambda i: (0, 0)),
    ],
    out_specs=pl.BlockSpec((BR, D), lambda i: (i, 0)),
    out_shape=jax.ShapeDtypeStruct((N1, D), jnp.float32),
)

BR3 = 2000


def _tc3_body(agg0, agg1, g2, dinv, b_ref, out_ref):
    t = dinv[...] * (agg0[...] + agg1[...] + g2[...]) + b_ref[...]
    out_ref[...] = jnp.maximum(t, 0.0)


_tc3 = pl.pallas_call(
    _tc3_body,
    grid=(N_NODES // BR3,),
    in_specs=[
        pl.BlockSpec((BR3, D), lambda i: (i, 0)),
        pl.BlockSpec((BR3, D), lambda i: (i, 0)),
        pl.BlockSpec((BR3, D), lambda i: (i, 0)),
        pl.BlockSpec((BR3, D), lambda i: (i, 0)),
        pl.BlockSpec((1, D), lambda i: (0, 0)),
    ],
    out_specs=pl.BlockSpec((BR3, D), lambda i: (i, 0)),
    out_shape=jax.ShapeDtypeStruct((N_NODES, D), jnp.float32),
)


def kernel(x, edge_index, W1, b1, W2, b2):
    src = edge_index[0].astype(jnp.int32)
    dst = edge_index[1].astype(jnp.int32)
    pad = E_PAD - N_EDGES
    fill = N_NODES + jnp.arange(pad, dtype=jnp.int32) % (N1 - N_NODES)
    src_r = jnp.concatenate([src, fill])
    dst_r = jnp.concatenate([dst, fill])
    x_pad = jnp.pad(x, ((0, N1 - N_NODES), (0, 0)))
    ones_deg = jnp.ones((DCHUNK, DEGW), jnp.float32)
    zeros_deg = jnp.zeros((ROWS_PT, DEGW), jnp.float32)
    zeros_agg = jnp.zeros((ROWS_PT, D), jnp.float32)
    b1r = b1.reshape(1, D)
    b2r = b2.reshape(1, D)

    degp = _sc_degree(dst_r, ones_deg, zeros_deg)
    dinvf, g1 = _tc1(degp[:N1], degp[N1:], x_pad, W1)
    agg1 = _sc_aggregate(g1, src_r, dst_r, zeros_agg)
    g2 = _tc2(agg1[:N1], agg1[N1:], g1, dinvf, W2, b1r)
    agg2 = _sc_aggregate(g2, src_r, dst_r, zeros_agg)
    out = _tc3(agg2[:N1], agg2[N1:], g2, dinvf, b2r)
    return out

# --- scband reference (transcript-rebuilt; emitter-appended) ---
"""Pipeline reference for scband-gcnclient-48936857370858 (READ-ONLY COPY).

The authoritative reference and input builder live on the scoring server;
editing this copy changes nothing except your own understanding.
"""

import jax, jax.numpy as jnp
import numpy as np

N_NODES = 10000
N_EDGES = 320000
D_IN = 128
D_HID = 128


def setup_inputs(seed: int = 0) -> dict:
    key = jax.random.key(seed)
    k1, k2, k3, k4, k5, k6 = jax.random.split(key, 6)
    x = jax.random.normal(k1, (N_NODES, D_IN), dtype=jnp.float32)
    edge_index = jax.random.randint(k2, (2, N_EDGES), 0, N_NODES, dtype=jnp.int64)
    # GCNConv parameters (glorot-style scaling)
    s1 = 1.0 / np.sqrt(D_IN)
    s2 = 1.0 / np.sqrt(D_HID)
    W1 = jax.random.uniform(k3, (D_IN, D_HID), dtype=jnp.float32, minval=-s1, maxval=s1)
    b1 = jnp.zeros((D_HID,), dtype=jnp.float32)
    W2 = jax.random.uniform(k4, (D_HID, D_HID), dtype=jnp.float32, minval=-s2, maxval=s2)
    b2 = jnp.zeros((D_HID,), dtype=jnp.float32)
    return {"x": x, "edge_index": edge_index, "W1": W1, "b1": b1, "W2": W2, "b2": b2}


def _gcn_conv(x, edge_index, W, b):
    # Standard GCNConv: D^{-1/2} (A + I) D^{-1/2} X W + b
    N = x.shape[0]
    loop = jnp.arange(N, dtype=edge_index.dtype)
    src = jnp.concatenate([edge_index[0], loop])
    dst = jnp.concatenate([edge_index[1], loop])
    h = x @ W
    deg = jnp.zeros((N,), dtype=h.dtype).at[dst].add(1.0)
    dinv = jnp.where(deg > 0, jax.lax.rsqrt(jnp.maximum(deg, 1e-12)), 0.0)
    norm = dinv[src] * dinv[dst]
    msg = h[src] * norm[:, None]
    out = jnp.zeros_like(h).at[dst].add(msg)
    return out + b


def reference(x, edge_index, W1, b1, W2, b2):
    # cut == 'c2': two GCN layers, relu after each; dropout is identity in eval mode
    h = _gcn_conv(x, edge_index, W1, b1)
    h = jax.nn.relu(h)
    h = _gcn_conv(h, edge_index, W2, b2)
    h = jax.nn.relu(h)
    return h

if __name__ == "__main__":
    import jax
    _d = setup_inputs()
    print(jax.jit(kernel)(*tuple(_d.values())))

</pallas_src>

<mosaic_0001>
#map = affine_map<(d0, d1) -> (0)>
#map1 = affine_map<(d0, d1) -> (0, 0)>
module attributes {stable_mosaic.version = 14 : i64} {
  func.func @_sc_degree(%arg0: i32, %arg1: i32, %arg2: memref<331776xi32, #tpu.memory_space<hbm>>, %arg3: memref<128x128xf32, #tpu.memory_space<hbm>>, %arg4: memref<640x128xf32, #tpu.memory_space<hbm>>, %arg5: memref<20480x128xf32, #tpu.memory_space<hbm>>, %arg6: memref<128xi32, #tpu.memory_space<vmem>>, %arg7: memref<128xi32, #tpu.memory_space<vmem>>, %arg8: memref<128xi32, #tpu.memory_space<vmem>>, %arg9: memref<128x128xf32, #tpu.memory_space<vmem>>, %arg10: memref<10240x128xf32, #tpu.memory_space<vmem_shared>>, %arg11: memref<!tpu.dma_semaphore, #tpu.memory_space<semaphore_mem>>, %arg12: memref<!tpu.dma_semaphore, #tpu.memory_space<semaphore_mem>>, %arg13: memref<!tpu.dma_semaphore, #tpu.memory_space<semaphore_mem>>, %arg14: memref<!tpu.dma_semaphore, #tpu.memory_space<semaphore_mem>>, %arg15: memref<!tpu.dma_semaphore, #tpu.memory_space<semaphore_mem>>, %arg16: memref<!tpu.dma_semaphore, #tpu.memory_space<semaphore_mem>>) attributes {dimension_semantics = [#tpu.dimension_semantics<core_parallel>, #tpu.dimension_semantics<subcore_parallel>], iteration_bounds = array<i64: 2, 16>, scalar_prefetch = 0 : i64, scratch_operands = 11 : i64, tpu.core_type = #tpu.core_type<sc_vector_subcore>, window_params = [{transform_indices = #map}, {transform_indices = #map1}, {transform_indices = #map1}, {transform_indices = #map1}]} {
    %mul3A = arith.constant 16 : i32
    %mul3A_0 = arith.muli %arg0, %mul3A : i32
    %add3A = arith.addi %mul3A_0, %arg1 : i32
    %mul3A_1 = arith.constant 10368 : i32
    %mul3A_2 = arith.muli %add3A, %mul3A_1 : i32
    "tpu.region"() ({
      %run_scoped3A = tpu.sem_alloc : memref<!tpu.dma_semaphore, #tpu.memory_space<semaphore_mem>>
      tpu.enqueue_dma source(%arg3 : memref<128x128xf32, #tpu.memory_space<hbm>>) target(%arg9 : memref<128x128xf32, #tpu.memory_space<vmem>>) target_semaphore(%run_scoped3A : memref<!tpu.dma_semaphore, #tpu.memory_space<semaphore_mem>>)
      tpu.wait_dma2 semaphore(%run_scoped3A : memref<!tpu.dma_semaphore, #tpu.memory_space<semaphore_mem>>) src(%arg3 : memref<128x128xf32, #tpu.memory_space<hbm>>) dst(%arg9 : memref<128x128xf32, #tpu.memory_space<vmem>>)
      tpu.yield
    }) : () -> ()
    %add3A_3 = arith.constant 0 : i32
    %add3A_4 = arith.addi %mul3A_2, %add3A_3 : i32
    %dma_start3A = tpu.memref_slice %arg2[%add3A_4] : memref<331776xi32, #tpu.memory_space<hbm>> -> memref<128xi32, #tpu.memory_space<hbm>>
    %dma_start3A_5 = tpu.memref_slice %arg2[%add3A_4] : memref<331776xi32, #tpu.memory_space<hbm>> -> memref<128xi32, #tpu.memory_space<hbm>>
    tpu.enqueue_dma source(%dma_start3A_5 : memref<128xi32, #tpu.memory_space<hbm>>) target(%arg6 : memref<128xi32, #tpu.memory_space<vmem>>) target_semaphore(%arg11 : memref<!tpu.dma_semaphore, #tpu.memory_space<semaphore_mem>>)
    %add3A_6 = arith.constant 128 : i32
    %add3A_7 = arith.addi %mul3A_2, %add3A_6 : i32
    %dma_start3A_8 = tpu.memref_slice %arg2[%add3A_7] : memref<331776xi32, #tpu.memory_space<hbm>> -> memref<128xi32, #tpu.memory_space<hbm>>
    %dma_start3A_9 = tpu.memref_slice %arg2[%add3A_7] : memref<331776xi32, #tpu.memory_space<hbm>> -> memref<128xi32, #tpu.memory_space<hbm>>
    tpu.enqueue_dma source(%dma_start3A_9 : memref<128xi32, #tpu.memory_space<hbm>>) target(%arg7 : memref<128xi32, #tpu.memory_space<vmem>>) target_semaphore(%arg12 : memref<!tpu.dma_semaphore, #tpu.memory_space<semaphore_mem>>)
    %mul3A_10 = arith.constant 640 : i32
    %mul3A_11 = arith.muli %arg1, %mul3A_10 : i32
    "tpu.region"() ({
      %run_scoped3A = tpu.sem_alloc : memref<!tpu.dma_semaphore, #tpu.memory_space<semaphore_mem>>
      %dma_start3A_27 = arith.constant 0 : i32
      %dma_start3A_28 = tpu.memref_slice %arg10[%mul3A_11, %dma_start3A_27] : memref<10240x128xf32, #tpu.memory_space<vmem_shared>> -> memref<640x128xf32, #tpu.memory_space<vmem_shared>>
      tpu.enqueue_dma source(%arg4 : memref<640x128xf32, #tpu.memory_space<hbm>>) target(%dma_start3A_28 : memref<640x128xf32, #tpu.memory_space<vmem_shared>>) target_semaphore(%run_scoped3A : memref<!tpu.dma_semaphore, #tpu.memory_space<semaphore_mem>>)
      %dma_wait3A_29 = arith.constant 0 : i32
      %dma_wait3A_30 = tpu.memref_slice %arg10[%mul3A_11, %dma_wait3A_29] : memref<10240x128xf32, #tpu.memory_space<vmem_shared>> -> memref<640x128xf32, #tpu.memory_space<vmem_shared>>
      tpu.wait_dma2 semaphore(%run_scoped3A : memref<!tpu.dma_semaphore, #tpu.memory_space<semaphore_mem>>) src(%arg4 : memref<640x128xf32, #tpu.memory_space<hbm>>) dst(%dma_wait3A_30 : memref<640x128xf32, #tpu.memory_space<vmem_shared>>)
      tpu.yield
    }) : () -> ()
    %barrier3A = arith.constant 0 : index
    tpu.barrier barrier_id(%barrier3A)
    %scan3A = arith.constant 0 : i32
    %scan3A_12 = arith.constant 0 : i32
    %scan3A_13 = arith.constant 27 : i32
    %scan3A_14 = arith.addi %scan3A_12, %scan3A_13 : i32
    %scan3A_15 = arith.constant 1 : i32
    scf.for %scan3A_27 = %scan3A_12 to %scan3A_14 step %scan3A_15  : i32 {
      %mul3A_28 = arith.constant 3 : i32
      %mul3A_29 = arith.muli %mul3A_28, %scan3A_27 : i32
      %add3A_30 = arith.constant 0 : i32
      %add3A_31 = arith.addi %mul3A_29, %add3A_30 : i32
      %mul3A_32 = arith.constant 128 : i32
      %mul3A_33 = arith.muli %add3A_31, %mul3A_32 : i32
      %add3A_34 = arith.addi %mul3A_2, %mul3A_33 : i32
      %dma_wait3A_35 = tpu.memref_slice %arg2[%add3A_34] : memref<331776xi32, #tpu.memory_space<hbm>> -> memref<128xi32, #tpu.memory_space<hbm>>
      %dma_wait3A_36 = tpu.memref_slice %arg2[%add3A_34] : memref<331776xi32, #tpu.memory_space<hbm>> -> memref<128xi32, #tpu.memory_space<hbm>>
      tpu.wait_dma2 semaphore(%arg11 : memref<!tpu.dma_semaphore, #tpu.memory_space<semaphore_mem>>) src(%dma_wait3A_36 : memref<128xi32, #tpu.memory_space<hbm>>) dst(%arg6 : memref<128xi32, #tpu.memory_space<vmem>>)
      %dma_start3A_37 = arith.constant 0 : i32
      %dma_start3A_38 = arith.constant 0 : i32
      %dma_start3A_39 = tpu.memref_slice %arg10[%dma_start3A_37, %dma_start3A_38] : memref<10240x128xf32, #tpu.memory_space<vmem_shared>> -> memref<10240x128xf32, #tpu.memory_space<vmem_shared>>
      tpu.enqueue_indirect_dma source(%arg9 : memref<128x128xf32, #tpu.memory_space<vmem>>) target(%dma_start3A_39 : memref<10240x128xf32, #tpu.memory_space<vmem_shared>>) offsets(%arg6 : memref<128xi32, #tpu.memory_space<vmem>>) semaphore(%arg14 : memref<!tpu.dma_semaphore, #tpu.memory_space<semaphore_mem>>) {add = true}
      %ge3A = arith.constant 1 : i32
      %ge3A_40 = arith.cmpi sge, %add3A_31, %ge3A : i32
      %convert_element_type3A = arith.extui %ge3A_40 : i1 to i32
      %cond3A = arith.constant 0 : i32
      %cond3A_41 = arith.cmpi ne, %convert_element_type3A, %cond3A : i32
      scf.if %cond3A_41 {
        %dma_wait3A_96 = arith.constant 0 : i32
        %dma_wait3A_97 = arith.constant 0 : i32
        %dma_wait3A_98 = tpu.memref_slice %arg10[%dma_wait3A_96, %dma_wait3A_97] : memref<10240x128xf32, #tpu.memory_space<vmem_shared>> -> memref<10240x128xf32, #tpu.memory_space<vmem_shared>>
        tpu.wait_indirect_dma semaphore(%arg16 : memref<!tpu.dma_semaphore, #tpu.memory_space<semaphore_mem>>) src(%arg9 : memref<128x128xf32, #tpu.memory_space<vmem>>) dst(%dma_wait3A_98 : memref<10240x128xf32, #tpu.memory_space<vmem_shared>>)
      } else {
      }
      %add3A_42 = arith.constant 2 : i32
      %add3A_43 = arith.addi %add3A_31, %add3A_42 : i32
      %lt3A = arith.constant 81 : i32
      %lt3A_44 = arith.cmpi slt, %add3A_43, %lt3A : i32
      %convert_element_type3A_45 = arith.extui %lt3A_44 : i1 to i32
      %cond3A_46 = arith.constant 0 : i32
      %cond3A_47 = arith.cmpi ne, %convert_element_type3A_45, %cond3A_46 : i32
      scf.if %cond3A_47 {
        %add3A_96 = arith.constant 2 : i32
        %add3A_97 = arith.addi %add3A_31, %add3A_96 : i32
        %mul3A_98 = arith.constant 128 : i32
        %mul3A_99 = arith.muli %add3A_97, %mul3A_98 : i32
        %add3A_100 = arith.addi %mul3A_2, %mul3A_99 : i32
        %dma_start3A_101 = tpu.memref_slice %arg2[%add3A_100] : memref<331776xi32, #tpu.memory_space<hbm>> -> memref<128xi32, #tpu.memory_space<hbm>>
        %dma_start3A_102 = tpu.memref_slice %arg2[%add3A_100] : memref<331776xi32, #tpu.memory_space<hbm>> -> memref<128xi32, #tpu.memory_space<hbm>>
        tpu.enqueue_dma source(%dma_start3A_102 : memref<128xi32, #tpu.memory_space<hbm>>) target(%arg8 : memref<128xi32, #tpu.memory_space<vmem>>) target_semaphore(%arg13 : memref<!tpu.dma_semaphore, #tpu.memory_space<semaphore_mem>>)
      } else {
      }
      %mul3A_48 = arith.constant 3 : i32
      %mul3A_49 = arith.muli %mul3A_48, %scan3A_27 : i32
      %add3A_50 = arith.constant 1 : i32
      %add3A_51 = arith.addi %mul3A_49, %add3A_50 : i32
      %mul3A_52 = arith.constant 128 : i32
      %mul3A_53 = arith.muli %add3A_51, %mul3A_52 : i32
      %add3A_54 = arith.addi %mul3A_2, %mul3A_53 : i32
      %dma_wait3A_55 = tpu.memref_slice %arg2[%add3A_54] : memref<331776xi32, #tpu.memory_space<hbm>> -> memref<128xi32, #tpu.memory_space<hbm>>
      %dma_wait3A_56 = tpu.memref_slice %arg2[%add3A_54] : memref<331776xi32, #tpu.memory_space<hbm>> -> memref<128xi32, #tpu.memory_space<hbm>>
      tpu.wait_dma2 semaphore(%arg12 : memref<!tpu.dma_semaphore, #tpu.memory_space<semaphore_mem>>) src(%dma_wait3A_56 : memref<128xi32, #tpu.memory_space<hbm>>) dst(%arg7 : memref<128xi32, #tpu.memory_space<vmem>>)
      %dma_start3A_57 = arith.constant 0 : i32
      %dma_start3A_58 = arith.constant 0 : i32
      %dma_start3A_59 = tpu.memref_slice %arg10[%dma_start3A_57, %dma_start3A_58] : memref<10240x128xf32, #tpu.memory_space<vmem_shared>> -> memref<10240x128xf32, #tpu.memory_space<vmem_shared>>
      tpu.enqueue_indirect_dma source(%arg9 : memref<128x128xf32, #tpu.memory_space<vmem>>) target(%dma_start3A_59 : memref<10240x128xf32, #tpu.memory_space<vmem_shared>>) offsets(%arg7 : memref<128xi32, #tpu.memory_space<vmem>>) semaphore(%arg15 : memref<!tpu.dma_semaphore, #tpu.memory_space<semaphore_mem>>) {add = true}
      %ge3A_60 = arith.constant 1 : i32
      %ge3A_61 = arith.cmpi sge, %add3A_51, %ge3A_60 : i32
      %convert_element_type3A_62 = arith.extui %ge3A_61 : i1 to i32
      %cond3A_63 = arith.constant 0 : i32
      %cond3A_64 = arith.cmpi ne, %convert_element_type3A_62, %cond3A_63 : i32
      scf.if %cond3A_64 {
        %dma_wait3A_96 = arith.constant 0 : i32
        %dma_wait3A_97 = arith.constant 0 : i32
        %dma_wait3A_98 = tpu.memref_slice %arg10[%dma_wait3A_96, %dma_wait3A_97] : memref<10240x128xf32, #tpu.memory_space<vmem_shared>> -> memref<10240x128xf32, #tpu.memory_space<vmem_shared>>
        tpu.wait_indirect_dma semaphore(%arg14 : memref<!tpu.dma_semaphore, #tpu.memory_space<semaphore_mem>>) src(%arg9 : memref<128x128xf32, #tpu.memory_space<vmem>>) dst(%dma_wait3A_98 : memref<10240x128xf32, #tpu.memory_space<vmem_shared>>)
      } else {
      }
      %add3A_65 = arith.constant 2 : i32
      %add3A_66 = arith.addi %add3A_51, %add3A_65 : i32
      %lt3A_67 = arith.constant 81 : i32
      %lt3A_68 = arith.cmpi slt, %add3A_66, %lt3A_67 : i32
      %convert_element_type3A_69 = arith.extui %lt3A_68 : i1 to i32
      %cond3A_70 = arith.constant 0 : i32
      %cond3A_71 = arith.cmpi ne, %convert_element_type3A_69, %cond3A_70 : i32
      scf.if %cond3A_71 {
        %add3A_96 = arith.constant 2 : i32
        %add3A_97 = arith.addi %add3A_51, %add3A_96 : i32
        %mul3A_98 = arith.constant 128 : i32
        %mul3A_99 = arith.muli %add3A_97, %mul3A_98 : i32
        %add3A_100 = arith.addi %mul3A_2, %mul3A_99 : i32
        %dma_start3A_101 = tpu.memref_slice %arg2[%add3A_100] : memref<331776xi32, #tpu.memory_space<hbm>> -> memref<128xi32, #tpu.memory_space<hbm>>
        %dma_start3A_102 = tpu.memref_slice %arg2[%add3A_100] : memref<331776xi32, #tpu.memory_space<hbm>> -> memref<128xi32, #tpu.memory_space<hbm>>
        tpu.enqueue_dma source(%dma_start3A_102 : memref<128xi32, #tpu.memory_space<hbm>>) target(%arg6 : memref<128xi32, #tpu.memory_space<vmem>>) target_semaphore(%arg11 : memref<!tpu.dma_semaphore, #tpu.memory_space<semaphore_mem>>)
      } else {
      }
      %mul3A_72 = arith.constant 3 : i32
      %mul3A_73 = arith.muli %mul3A_72, %scan3A_27 : i32
      %add3A_74 = arith.constant 2 : i32
      %add3A_75 = arith.addi %mul3A_73, %add3A_74 : i32
      %mul3A_76 = arith.constant 128 : i32
      %mul3A_77 = arith.muli %add3A_75, %mul3A_76 : i32
      %add3A_78 = arith.addi %mul3A_2, %mul3A_77 : i32
      %dma_wait3A_79 = tpu.memref_slice %arg2[%add3A_78] : memref<331776xi32, #tpu.memory_space<hbm>> -> memref<128xi32, #tpu.memory_space<hbm>>
      %dma_wait3A_80 = tpu.memref_slice %arg2[%add3A_78] : memref<331776xi32, #tpu.memory_space<hbm>> -> memref<128xi32, #tpu.memory_space<hbm>>
      tpu.wait_dma2 semaphore(%arg13 : memref<!tpu.dma_semaphore, #tpu.memory_space<semaphore_mem>>) src(%dma_wait3A_80 : memref<128xi32, #tpu.memory_space<hbm>>) dst(%arg8 : memref<128xi32, #tpu.memory_space<vmem>>)
      %dma_start3A_81 = arith.constant 0 : i32
      %dma_start3A_82 = arith.constant 0 : i32
      %dma_start3A_83 = tpu.memref_slice %arg10[%dma_start3A_81, %dma_start3A_82] : memref<10240x128xf32, #tpu.memory_space<vmem_shared>> -> memref<10240x128xf32, #tpu.memory_space<vmem_shared>>
      tpu.enqueue_indirect_dma source(%arg9 : memref<128x128xf32, #tpu.memory_space<vmem>>) target(%dma_start3A_83 : memref<10240x128xf32, #tpu.memory_space<vmem_shared>>) offsets(%arg8 : memref<128xi32, #tpu.memory_space<vmem>>) semaphore(%arg16 : memref<!tpu.dma_semaphore, #tpu.memory_space<semaphore_mem>>) {add = true}
      %ge3A_84 = arith.constant 1 : i32
      %ge3A_85 = arith.cmpi sge, %add3A_75, %ge3A_84 : i32
      %convert_element_type3A_86 = arith.extui %ge3A_85 : i1 to i32
      %cond3A_87 = arith.constant 0 : i32
      %cond3A_88 = arith.cmpi ne, %convert_element_type3A_86, %cond3A_87 : i32
      scf.if %cond3A_88 {
        %dma_wait3A_96 = arith.constant 0 : i32
        %dma_wait3A_97 = arith.constant 0 : i32
        %dma_wait3A_98 = tpu.memref_slice %arg10[%dma_wait3A_96, %dma_wait3A_97] : memref<10240x128xf32, #tpu.memory_space<vmem_shared>> -> memref<10240x128xf32, #tpu.memory_space<vmem_shared>>
        tpu.wait_indirect_dma semaphore(%arg15 : memref<!tpu.dma_semaphore, #tpu.memory_space<semaphore_mem>>) src(%arg9 : memref<128x128xf32, #tpu.memory_space<vmem>>) dst(%dma_wait3A_98 : memref<10240x128xf32, #tpu.memory_space<vmem_shared>>)
      } else {
      }
      %add3A_89 = arith.constant 2 : i32
      %add3A_90 = arith.addi %add3A_75, %add3A_89 : i32
      %lt3A_91 = arith.constant 81 : i32
      %lt3A_92 = arith.cmpi slt, %add3A_90, %lt3A_91 : i32
      %convert_element_type3A_93 = arith.extui %lt3A_92 : i1 to i32
      %cond3A_94 = arith.constant 0 : i32
      %cond3A_95 = arith.cmpi ne, %convert_element_type3A_93, %cond3A_94 : i32
      scf.if %cond3A_95 {
        %add3A_96 = arith.constant 2 : i32
        %add3A_97 = arith.addi %add3A_75, %add3A_96 : i32
        %mul3A_98 = arith.constant 128 : i32
        %mul3A_99 = arith.muli %add3A_97, %mul3A_98 : i32
        %add3A_100 = arith.addi %mul3A_2, %mul3A_99 : i32
        %dma_start3A_101 = tpu.memref_slice %arg2[%add3A_100] : memref<331776xi32, #tpu.memory_space<hbm>> -> memref<128xi32, #tpu.memory_space<hbm>>
        %dma_start3A_102 = tpu.memref_slice %arg2[%add3A_100] : memref<331776xi32, #tpu.memory_space<hbm>> -> memref<128xi32, #tpu.memory_space<hbm>>
        tpu.enqueue_dma source(%dma_start3A_102 : memref<128xi32, #tpu.memory_space<hbm>>) target(%arg7 : memref<128xi32, #tpu.memory_space<vmem>>) target_semaphore(%arg12 : memref<!tpu.dma_semaphore, #tpu.memory_space<semaphore_mem>>)
      } else {
      }
    }
    %scan3A_16 = arith.constant 27 : i32
    %dma_wait3A = arith.constant 0 : i32
    %dma_wait3A_17 = arith.constant 0 : i32
    %dma_wait3A_18 = tpu.memref_slice %arg10[%dma_wait3A, %dma_wait3A_17] : memref<10240x128xf32, #tpu.memory_space<vmem_shared>> -> memref<10240x128xf32, #tpu.memory_space<vmem_shared>>
    tpu.wait_indirect_dma semaphore(%arg16 : memref<!tpu.dma_semaphore, #tpu.memory_space<semaphore_mem>>) src(%arg9 : memref<128x128xf32, #tpu.memory_space<vmem>>) dst(%dma_wait3A_18 : memref<10240x128xf32, #tpu.memory_space<vmem_shared>>)
    %barrier3A_19 = arith.constant 0 : index
    tpu.barrier barrier_id(%barrier3A_19)
    %mul3A_20 = arith.constant 640 : i32
    %mul3A_21 = arith.muli %arg1, %mul3A_20 : i32
    %mul3A_22 = arith.constant 10240 : i32
    %mul3A_23 = arith.muli %arg0, %mul3A_22 : i32
    %mul3A_24 = arith.constant 640 : i32
    %mul3A_25 = arith.muli %arg1, %mul3A_24 : i32
    %add3A_26 = arith.addi %mul3A_23, %mul3A_25 : i32
    "tpu.region"() ({
      %run_scoped3A = tpu.sem_alloc : memref<!tpu.dma_semaphore, #tpu.memory_space<semaphore_mem>>
      %dma_start3A_27 = arith.constant 0 : i32
      %dma_start3A_28 = tpu.memref_slice %arg5[%add3A_26, %dma_start3A_27] : memref<20480x128xf32, #tpu.memory_space<hbm>> -> memref<640x128xf32, #tpu.memory_space<hbm>>
      %dma_start3A_29 = arith.constant 0 : i32
      %dma_start3A_30 = tpu.memref_slice %arg10[%mul3A_21, %dma_start3A_29] : memref<10240x128xf32, #tpu.memory_space<vmem_shared>> -> memref<640x128xf32, #tpu.memory_space<vmem_shared>>
      tpu.enqueue_dma source(%dma_start3A_30 : memref<640x128xf32, #tpu.memory_space<vmem_shared>>) target(%dma_start3A_28 : memref<640x128xf32, #tpu.memory_space<hbm>>) target_semaphore(%run_scoped3A : memref<!tpu.dma_semaphore, #tpu.memory_space<semaphore_mem>>)
      %dma_wait3A_31 = arith.constant 0 : i32
      %dma_wait3A_32 = tpu.memref_slice %arg5[%add3A_26, %dma_wait3A_31] : memref<20480x128xf32, #tpu.memory_space<hbm>> -> memref<640x128xf32, #tpu.memory_space<hbm>>
      %dma_wait3A_33 = arith.constant 0 : i32
      %dma_wait3A_34 = tpu.memref_slice %arg10[%mul3A_21, %dma_wait3A_33] : memref<10240x128xf32, #tpu.memory_space<vmem_shared>> -> memref<640x128xf32, #tpu.memory_space<vmem_shared>>
      tpu.wait_dma2 semaphore(%run_scoped3A : memref<!tpu.dma_semaphore, #tpu.memory_space<semaphore_mem>>) src(%dma_wait3A_34 : memref<640x128xf32, #tpu.memory_space<vmem_shared>>) dst(%dma_wait3A_32 : memref<640x128xf32, #tpu.memory_space<hbm>>)
      tpu.yield
    }) : () -> ()
    return
  }
}

#map = affine_map<(d0, d1) -> (0, 0)>
#map1 = affine_map<(d0, d1) -> (0)>
module attributes {stable_mosaic.version = 14 : i64} {
  func.func @_sc_aggregate(%arg0: i32, %arg1: i32, %arg2: memref<10240x128xf32, #tpu.memory_space<hbm>>, %arg3: memref<331776xi32, #tpu.memory_space<hbm>>, %arg4: memref<331776xi32, #tpu.memory_space<hbm>>, %arg5: memref<640x128xf32, #tpu.memory_space<hbm>>, %arg6: memref<20480x128xf32, #tpu.memory_space<hbm>>, %arg7: memref<96xi32, #tpu.memory_space<vmem>>, %arg8: memref<96xi32, #tpu.memory_space<vmem>>, %arg9: memref<96xi32, #tpu.memory_space<vmem>>, %arg10: memref<96xi32, #tpu.memory_space<vmem>>, %arg11: memref<96xi32, #tpu.memory_space<vmem>>, %arg12: memref<96xi32, #tpu.memory_space<vmem>>, %arg13: memref<96xi32, #tpu.memory_space<vmem>>, %arg14: memref<96xi32, #tpu.memory_space<vmem>>, %arg15: memref<96xi32, #tpu.memory_space<vmem>>, %arg16: memref<96xi32, #tpu.memory_space<vmem>>, %arg17: memref<96xi32, #tpu.memory_space<vmem>>, %arg18: memref<96xi32, #tpu.memory_space<vmem>>, %arg19: memref<96x128xf32, #tpu.memory_space<vmem>>, %arg20: memref<96x128xf32, #tpu.memory_space<vmem>>, %arg21: memref<96x128xf32, #tpu.memory_space<vmem>>, %arg22: memref<10240x128xf32, #tpu.memory_space<vmem_shared>>, %arg23: memref<!tpu.dma_semaphore, #tpu.memory_space<semaphore_mem>>, %arg24: memref<!tpu.dma_semaphore, #tpu.memory_space<semaphore_mem>>, %arg25: memref<!tpu.dma_semaphore, #tpu.memory_space<semaphore_mem>>, %arg26: memref<!tpu.dma_semaphore, #tpu.memory_space<semaphore_mem>>, %arg27: memref<!tpu.dma_semaphore, #tpu.memory_space<semaphore_mem>>, %arg28: memref<!tpu.dma_semaphore, #tpu.memory_space<semaphore_mem>>, %arg29: memref<!tpu.dma_semaphore, #tpu.memory_space<semaphore_mem>>, %arg30: memref<!tpu.dma_semaphore, #tpu.memory_space<semaphore_mem>>, %arg31: memref<!tpu.dma_semaphore, #tpu.memory_space<semaphore_mem>>, %arg32: memref<!tpu.dma_semaphore, #tpu.memory_space<semaphore_mem>>, %arg33: memref<!tpu.dma_semaphore, #tpu.memory_space<semaphore_mem>>, %arg34: memref<!tpu.dma_semaphore, #tpu.memory_space<semaphore_mem>>) attributes {dimension_semantics = [#tpu.dimension_semantics<core_parallel>, #tpu.dimension_semantics<subcore_parallel>], iteration_bounds = array<i64: 2, 16>, scalar_prefetch = 0 : i64, scratch_operands = 28 : i64, tpu.core_type = #tpu.core_type<sc_vector_subcore>, window_params = [{transform_indices = #map}, {transform_indices = #map1}, {transform_indices = #map1}, {transform_indices = #map}, {transform_indices = #map}]} {
    %mul3A = arith.constant 16 : i32
    %mul3A_0 = arith.muli %arg0, %mul3A : i32
    %add3A = arith.addi %mul3A_0, %arg1 : i32
    %mul3A_1 = arith.constant 10368 : i32
    %mul3A_2 = arith.muli %add3A, %mul3A_1 : i32
    %add3A_3 = arith.constant 0 : i32
    %add3A_4 = arith.addi %mul3A_2, %add3A_3 : i32
    %dma_start3A = tpu.memref_slice %arg3[%add3A_4] : memref<331776xi32, #tpu.memory_space<hbm>> -> memref<96xi32, #tpu.memory_space<hbm>>
    %dma_start3A_5 = tpu.memref_slice %arg3[%add3A_4] : memref<331776xi32, #tpu.memory_space<hbm>> -> memref<96xi32, #tpu.memory_space<hbm>>
    tpu.enqueue_dma source(%dma_start3A_5 : memref<96xi32, #tpu.memory_space<hbm>>) target(%arg7 : memref<96xi32, #tpu.memory_space<vmem>>) target_semaphore(%arg23 : memref<!tpu.dma_semaphore, #tpu.memory_space<semaphore_mem>>)
    %add3A_6 = arith.constant 0 : i32
    %add3A_7 = arith.addi %mul3A_2, %add3A_6 : i32
    %dma_start3A_8 = tpu.memref_slice %arg4[%add3A_7] : memref<331776xi32, #tpu.memory_space<hbm>> -> memref<96xi32, #tpu.memory_space<hbm>>
    %dma_start3A_9 = tpu.memref_slice %arg4[%add3A_7] : memref<331776xi32, #tpu.memory_space<hbm>> -> memref<96xi32, #tpu.memory_space<hbm>>
    tpu.enqueue_dma source(%dma_start3A_9 : memref<96xi32, #tpu.memory_space<hbm>>) target(%arg13 : memref<96xi32, #tpu.memory_space<vmem>>) target_semaphore(%arg23 : memref<!tpu.dma_semaphore, #tpu.memory_space<semaphore_mem>>)
    %add3A_10 = arith.constant 96 : i32
    %add3A_11 = arith.addi %mul3A_2, %add3A_10 : i32
    %dma_start3A_12 = tpu.memref_slice %arg3[%add3A_11] : memref<331776xi32, #tpu.memory_space<hbm>> -> memref<96xi32, #tpu.memory_space<hbm>>
    %dma_start3A_13 = tpu.memref_slice %arg3[%add3A_11] : memref<331776xi32, #tpu.memory_space<hbm>> -> memref<96xi32, #tpu.memory_space<hbm>>
    tpu.enqueue_dma source(%dma_start3A_13 : memref<96xi32, #tpu.memory_space<hbm>>) target(%arg8 : memref<96xi32, #tpu.memory_space<vmem>>) target_semaphore(%arg24 : memref<!tpu.dma_semaphore, #tpu.memory_space<semaphore_mem>>)
    %add3A_14 = arith.constant 96 : i32
    %add3A_15 = arith.addi %mul3A_2, %add3A_14 : i32
    %dma_start3A_16 = tpu.memref_slice %arg4[%add3A_15] : memref<331776xi32, #tpu.memory_space<hbm>> -> memref<96xi32, #tpu.memory_space<hbm>>
    %dma_start3A_17 = tpu.memref_slice %arg4[%add3A_15] : memref<331776xi32, #tpu.memory_space<hbm>> -> memref<96xi32, #tpu.memory_space<hbm>>
    tpu.enqueue_dma source(%dma_start3A_17 : memref<96xi32, #tpu.memory_space<hbm>>) target(%arg14 : memref<96xi32, #tpu.memory_space<vmem>>) target_semaphore(%arg24 : memref<!tpu.dma_semaphore, #tpu.memory_space<semaphore_mem>>)
    %add3A_18 = arith.constant 192 : i32
    %add3A_19 = arith.addi %mul3A_2, %add3A_18 : i32
    %dma_start3A_20 = tpu.memref_slice %arg3[%add3A_19] : memref<331776xi32, #tpu.memory_space<hbm>> -> memref<96xi32, #tpu.memory_space<hbm>>
    %dma_start3A_21 = tpu.memref_slice %arg3[%add3A_19] : memref<331776xi32, #tpu.memory_space<hbm>> -> memref<96xi32, #tpu.memory_space<hbm>>
    tpu.enqueue_dma source(%dma_start3A_21 : memref<96xi32, #tpu.memory_space<hbm>>) target(%arg9 : memref<96xi32, #tpu.memory_space<vmem>>) target_semaphore(%arg25 : memref<!tpu.dma_semaphore, #tpu.memory_space<semaphore_mem>>)
    %add3A_22 = arith.constant 192 : i32
    %add3A_23 = arith.addi %mul3A_2, %add3A_22 : i32
    %dma_start3A_24 = tpu.memref_slice %arg4[%add3A_23] : memref<331776xi32, #tpu.memory_space<hbm>> -> memref<96xi32, #tpu.memory_space<hbm>>
    %dma_start3A_25 = tpu.memref_slice %arg4[%add3A_23] : memref<331776xi32, #tpu.memory_space<hbm>> -> memref<96xi32, #tpu.memory_space<hbm>>
    tpu.enqueue_dma source(%dma_start3A_25 : memref<96xi32, #tpu.memory_space<hbm>>) target(%arg15 : memref<96xi32, #tpu.memory_space<vmem>>) target_semaphore(%arg25 : memref<!tpu.dma_semaphore, #tpu.memory_space<semaphore_mem>>)
    %add3A_26 = arith.constant 288 : i32
    %add3A_27 = arith.addi %mul3A_2, %add3A_26 : i32
    %dma_start3A_28 = tpu.memref_slice %arg3[%add3A_27] : memref<331776xi32, #tpu.memory_space<hbm>> -> memref<96xi32, #tpu.memory_space<hbm>>
    %dma_start3A_29 = tpu.memref_slice %arg3[%add3A_27] : memref<331776xi32, #tpu.memory_space<hbm>> -> memref<96xi32, #tpu.memory_space<hbm>>
    tpu.enqueue_dma source(%dma_start3A_29 : memref<96xi32, #tpu.memory_space<hbm>>) target(%arg10 : memref<96xi32, #tpu.memory_space<vmem>>) target_semaphore(%arg26 : memref<!tpu.dma_semaphore, #tpu.memory_space<semaphore_mem>>)
    %add3A_30 = arith.constant 288 : i32
    %add3A_31 = arith.addi %mul3A_2, %add3A_30 : i32
    %dma_start3A_32 = tpu.memref_slice %arg4[%add3A_31] : memref<331776xi32, #tpu.memory_space<hbm>> -> memref<96xi32, #tpu.memory_space<hbm>>
    %dma_start3A_33 = tpu.memref_slice %arg4[%add3A_31] : memref<331776xi32, #tpu.memory_space<hbm>> -> memref<96xi32, #tpu.memory_space<hbm>>
    tpu.enqueue_dma source(%dma_start3A_33 : memref<96xi32, #tpu.memory_space<hbm>>) target(%arg16 : memref<96xi32, #tpu.memory_space<vmem>>) target_semaphore(%arg26 : memref<!tpu.dma_semaphore, #tpu.memory_space<semaphore_mem>>)
    %add3A_34 = arith.constant 384 : i32
    %add3A_35 = arith.addi %mul3A_2, %add3A_34 : i32
    %dma_start3A_36 = tpu.memref_slice %arg3[%add3A_35] : memref<331776xi32, #tpu.memory_space<hbm>> -> memref<96xi32, #tpu.memory_space<hbm>>
    %dma_start3A_37 = tpu.memref_slice %arg3[%add3A_35] : memref<331776xi32, #tpu.memory_space<hbm>> -> memref<96xi32, #tpu.memory_space<hbm>>
    tpu.enqueue_dma source(%dma_start3A_37 : memref<96xi32, #tpu.memory_space<hbm>>) target(%arg11 : memref<96xi32, #tpu.memory_space<vmem>>) target_semaphore(%arg27 : memref<!tpu.dma_semaphore, #tpu.memory_space<semaphore_mem>>)
    %add3A_38 = arith.constant 384 : i32
    %add3A_39 = arith.addi %mul3A_2, %add3A_38 : i32
    %dma_start3A_40 = tpu.memref_slice %arg4[%add3A_39] : memref<331776xi32, #tpu.memory_space<hbm>> -> memref<96xi32, #tpu.memory_space<hbm>>
    %dma_start3A_41 = tpu.memref_slice %arg4[%add3A_39] : memref<331776xi32, #tpu.memory_space<hbm>> -> memref<96xi32, #tpu.memory_space<hbm>>
    tpu.enqueue_dma source(%dma_start3A_41 : memref<96xi32, #tpu.memory_space<hbm>>) target(%arg17 : memref<96xi32, #tpu.memory_space<vmem>>) target_semaphore(%arg27 : memref<!tpu.dma_semaphore, #tpu.memory_space<semaphore_mem>>)
    %mul3A_42 = arith.constant 640 : i32
    %mul3A_43 = arith.muli %arg1, %mul3A_42 : i32
    "tpu.region"() ({
      %run_scoped3A = tpu.sem_alloc : memref<!tpu.dma_semaphore, #tpu.memory_space<semaphore_mem>>
      %dma_start3A_81 = arith.constant 0 : i32
      %dma_start3A_82 = tpu.memref_slice %arg22[%mul3A_43, %dma_start3A_81] : memref<10240x128xf32, #tpu.memory_space<vmem_shared>> -> memref<640x128xf32, #tpu.memory_space<vmem_shared>>
      tpu.enqueue_dma source(%arg5 : memref<640x128xf32, #tpu.memory_space<hbm>>) target(%dma_start3A_82 : memref<640x128xf32, #tpu.memory_space<vmem_shared>>) target_semaphore(%run_scoped3A : memref<!tpu.dma_semaphore, #tpu.memory_space<semaphore_mem>>)
      %dma_wait3A_83 = arith.constant 0 : i32
      %dma_wait3A_84 = tpu.memref_slice %arg22[%mul3A_43, %dma_wait3A_83] : memref<10240x128xf32, #tpu.memory_space<vmem_shared>> -> memref<640x128xf32, #tpu.memory_space<vmem_shared>>
      tpu.wait_dma2 semaphore(%run_scoped3A : memref<!tpu.dma_semaphore, #tpu.memory_space<semaphore_mem>>) src(%arg5 : memref<640x128xf32, #tpu.memory_space<hbm>>) dst(%dma_wait3A_84 : memref<640x128xf32, #tpu.memory_space<vmem_shared>>)
      tpu.yield
    }) : () -> ()
    %barrier3A = arith.constant 0 : index
    tpu.barrier barrier_id(%barrier3A)
    %add3A_44 = arith.constant 0 : i32
    %add3A_45 = arith.addi %mul3A_2, %add3A_44 : i32
    %dma_wait3A = tpu.memref_slice %arg3[%add3A_45] : memref<331776xi32, #tpu.memory_space<hbm>> -> memref<96xi32, #tpu.memory_space<hbm>>
    %dma_wait3A_46 = tpu.memref_slice %arg3[%add3A_45] : memref<331776xi32, #tpu.memory_space<hbm>> -> memref<96xi32, #tpu.memory_space<hbm>>
    tpu.wait_dma2 semaphore(%arg23 : memref<!tpu.dma_semaphore, #tpu.memory_space<semaphore_mem>>) src(%dma_wait3A_46 : memref<96xi32, #tpu.memory_space<hbm>>) dst(%arg7 : memref<96xi32, #tpu.memory_space<vmem>>)
    %add3A_47 = arith.constant 0 : i32
    %add3A_48 = arith.addi %mul3A_2, %add3A_47 : i32
    %dma_wait3A_49 = tpu.memref_slice %arg4[%add3A_48] : memref<331776xi32, #tpu.memory_space<hbm>> -> memref<96xi32, #tpu.memory_space<hbm>>
    %dma_wait3A_50 = tpu.memref_slice %arg4[%add3A_48] : memref<331776xi32, #tpu.memory_space<hbm>> -> memref<96xi32, #tpu.memory_space<hbm>>
    tpu.wait_dma2 semaphore(%arg23 : memref<!tpu.dma_semaphore, #tpu.memory_space<semaphore_mem>>) src(%dma_wait3A_50 : memref<96xi32, #tpu.memory_space<hbm>>) dst(%arg13 : memref<96xi32, #tpu.memory_space<vmem>>)
    %dma_start3A_51 = arith.constant 0 : i32
    %dma_start3A_52 = arith.constant 0 : i32
    %dma_start3A_53 = tpu.memref_slice %arg2[%dma_start3A_51, %dma_start3A_52] : memref<10240x128xf32, #tpu.memory_space<hbm>> -> memref<10240x128xf32, #tpu.memory_space<hbm>>
    tpu.enqueue_indirect_dma source(%dma_start3A_53 : memref<10240x128xf32, #tpu.memory_space<hbm>>) target(%arg19 : memref<96x128xf32, #tpu.memory_space<vmem>>) offsets(%arg7 : memref<96xi32, #tpu.memory_space<vmem>>) semaphore(%arg29 : memref<!tpu.dma_semaphore, #tpu.memory_space<semaphore_mem>>)
    %add3A_54 = arith.constant 96 : i32
    %add3A_55 = arith.addi %mul3A_2, %add3A_54 : i32
    %dma_wait3A_56 = tpu.memref_slice %arg3[%add3A_55] : memref<331776xi32, #tpu.memory_space<hbm>> -> memref<96xi32, #tpu.memory_space<hbm>>
    %dma_wait3A_57 = tpu.memref_slice %arg3[%add3A_55] : memref<331776xi32, #tpu.memory_space<hbm>> -> memref<96xi32, #tpu.memory_space<hbm>>
    tpu.wait_dma2 semaphore(%arg24 : memref<!tpu.dma_semaphore, #tpu.memory_space<semaphore_mem>>) src(%dma_wait3A_57 : memref<96xi32, #tpu.memory_space<hbm>>) dst(%arg8 : memref<96xi32, #tpu.memory_space<vmem>>)
    %add3A_58 = arith.constant 96 : i32
    %add3A_59 = arith.addi %mul3A_2, %add3A_58 : i32
    %dma_wait3A_60 = tpu.memref_slice %arg4[%add3A_59] : memref<331776xi32, #tpu.memory_space<hbm>> -> memref<96xi32, #tpu.memory_space<hbm>>
    %dma_wait3A_61 = tpu.memref_slice %arg4[%add3A_59] : memref<331776xi32, #tpu.memory_space<hbm>> -> memref<96xi32, #tpu.memory_space<hbm>>
    tpu.wait_dma2 semaphore(%arg24 : memref<!tpu.dma_semaphore, #tpu.memory_space<semaphore_mem>>) src(%dma_wait3A_61 : memref<96xi32, #tpu.memory_space<hbm>>) dst(%arg14 : memref<96xi32, #tpu.memory_space<vmem>>)
    %dma_start3A_62 = arith.constant 0 : i32
    %dma_start3A_63 = arith.constant 0 : i32
    %dma_start3A_64 = tpu.memref_slice %arg2[%dma_start3A_62, %dma_start3A_63] : memref<10240x128xf32, #tpu.memory_space<hbm>> -> memref<10240x128xf32, #tpu.memory_space<hbm>>
    tpu.enqueue_indirect_dma source(%dma_start3A_64 : memref<10240x128xf32, #tpu.memory_space<hbm>>) target(%arg20 : memref<96x128xf32, #tpu.memory_space<vmem>>) offsets(%arg8 : memref<96xi32, #tpu.memory_space<vmem>>) semaphore(%arg30 : memref<!tpu.dma_semaphore, #tpu.memory_space<semaphore_mem>>)
    %scan3A = arith.constant 0 : i32
    %scan3A_65 = arith.constant 0 : i32
    %scan3A_66 = arith.constant 18 : i32
    %scan3A_67 = arith.addi %scan3A_65, %scan3A_66 : i32
    %scan3A_68 = arith.constant 1 : i32
    scf.for %scan3A_81 = %scan3A_65 to %scan3A_67 step %scan3A_68  : i32 {
      %mul3A_82 = arith.constant 6 : i32
      %mul3A_83 = arith.muli %mul3A_82, %scan3A_81 : i32
      %add3A_84 = arith.constant 0 : i32
      %add3A_85 = arith.addi %mul3A_83, %add3A_84 : i32
      %dma_wait3A_86 = arith.constant 0 : i32
      %dma_wait3A_87 = arith.constant 0 : i32
      %dma_wait3A_88 = tpu.memref_slice %arg2[%dma_wait3A_86, %dma_wait3A_87] : memref<10240x128xf32, #tpu.memory_space<hbm>> -> memref<10240x128xf32, #tpu.memory_space<hbm>>
      tpu.wait_indirect_dma semaphore(%arg29 : memref<!tpu.dma_semaphore, #tpu.memory_space<semaphore_mem>>) src(%dma_wait3A_88 : memref<10240x128xf32, #tpu.memory_space<hbm>>) dst(%arg19 : memref<96x128xf32, #tpu.memory_space<vmem>>)
      %dma_start3A_89 = arith.constant 0 : i32
      %dma_start3A_90 = arith.constant 0 : i32
      %dma_start3A_91 = tpu.memref_slice %arg22[%dma_start3A_89, %dma_start3A_90] : memref<10240x128xf32, #tpu.memory_space<vmem_shared>> -> memref<10240x128xf32, #tpu.memory_space<vmem_shared>>
      tpu.enqueue_indirect_dma source(%arg19 : memref<96x128xf32, #tpu.memory_space<vmem>>) target(%dma_start3A_91 : memref<10240x128xf32, #tpu.memory_space<vmem_shared>>) offsets(%arg13 : memref<96xi32, #tpu.memory_space<vmem>>) semaphore(%arg32 : memref<!tpu.dma_semaphore, #tpu.memory_space<semaphore_mem>>) {add = true}
      %ge3A = arith.constant 1 : i32
      %ge3A_92 = arith.cmpi sge, %add3A_85, %ge3A : i32
      %convert_element_type3A = arith.extui %ge3A_92 : i1 to i32
      %cond3A = arith.constant 0 : i32
      %cond3A_93 = arith.cmpi ne, %convert_element_type3A, %cond3A : i32
      scf.if %cond3A_93 {
        %dma_wait3A_252 = arith.constant 0 : i32
        %dma_wait3A_253 = arith.constant 0 : i32
        %dma_wait3A_254 = tpu.memref_slice %arg22[%dma_wait3A_252, %dma_wait3A_253] : memref<10240x128xf32, #tpu.memory_space<vmem_shared>> -> memref<10240x128xf32, #tpu.memory_space<vmem_shared>>
        tpu.wait_indirect_dma semaphore(%arg34 : memref<!tpu.dma_semaphore, #tpu.memory_space<semaphore_mem>>) src(%arg21 : memref<96x128xf32, #tpu.memory_space<vmem>>) dst(%dma_wait3A_254 : memref<10240x128xf32, #tpu.memory_space<vmem_shared>>)
      } else {
      }
      %add3A_94 = arith.constant 5 : i32
      %add3A_95 = arith.addi %add3A_85, %add3A_94 : i32
      %lt3A = arith.constant 108 : i32
      %lt3A_96 = arith.cmpi slt, %add3A_95, %lt3A : i32
      %convert_element_type3A_97 = arith.extui %lt3A_96 : i1 to i32
      %cond3A_98 = arith.constant 0 : i32
      %cond3A_99 = arith.cmpi ne, %convert_element_type3A_97, %cond3A_98 : i32
      scf.if %cond3A_99 {
        %add3A_252 = arith.constant 5 : i32
        %add3A_253 = arith.addi %add3A_85, %add3A_252 : i32
        %mul3A_254 = arith.constant 96 : i32
        %mul3A_255 = arith.muli %add3A_253, %mul3A_254 : i32
        %add3A_256 = arith.addi %mul3A_2, %mul3A_255 : i32
        %dma_start3A_257 = tpu.memref_slice %arg3[%add3A_256] : memref<331776xi32, #tpu.memory_space<hbm>> -> memref<96xi32, #tpu.memory_space<hbm>>
        %dma_start3A_258 = tpu.memref_slice %arg3[%add3A_256] : memref<331776xi32, #tpu.memory_space<hbm>> -> memref<96xi32, #tpu.memory_space<hbm>>
        tpu.enqueue_dma source(%dma_start3A_258 : memref<96xi32, #tpu.memory_space<hbm>>) target(%arg12 : memref<96xi32, #tpu.memory_space<vmem>>) target_semaphore(%arg28 : memref<!tpu.dma_semaphore, #tpu.memory_space<semaphore_mem>>)
        %mul3A_259 = arith.constant 96 : i32
        %mul3A_260 = arith.muli %add3A_253, %mul3A_259 : i32
        %add3A_261 = arith.addi %mul3A_2, %mul3A_260 : i32
        %dma_start3A_262 = tpu.memref_slice %arg4[%add3A_261] : memref<331776xi32, #tpu.memory_space<hbm>> -> memref<96xi32, #tpu.memory_space<hbm>>
        %dma_start3A_263 = tpu.memref_slice %arg4[%add3A_261] : memref<331776xi32, #tpu.memory_space<hbm>> -> memref<96xi32, #tpu.memory_space<hbm>>
        tpu.enqueue_dma source(%dma_start3A_263 : memref<96xi32, #tpu.memory_space<hbm>>) target(%arg18 : memref<96xi32, #tpu.memory_space<vmem>>) target_semaphore(%arg28 : memref<!tpu.dma_semaphore, #tpu.memory_space<semaphore_mem>>)
      } else {
      }
      %add3A_100 = arith.constant 2 : i32
      %add3A_101 = arith.addi %add3A_85, %add3A_100 : i32
      %lt3A_102 = arith.constant 108 : i32
      %lt3A_103 = arith.cmpi slt, %add3A_101, %lt3A_102 : i32
      %convert_element_type3A_104 = arith.extui %lt3A_103 : i1 to i32
      %cond3A_105 = arith.constant 0 : i32
      %cond3A_106 = arith.cmpi ne, %convert_element_type3A_104, %cond3A_105 : i32
      scf.if %cond3A_106 {
        %add3A_252 = arith.constant 2 : i32
        %add3A_253 = arith.addi %add3A_85, %add3A_252 : i32
        %mul3A_254 = arith.constant 96 : i32
        %mul3A_255 = arith.muli %add3A_253, %mul3A_254 : i32
        %add3A_256 = arith.addi %mul3A_2, %mul3A_255 : i32
        %dma_wait3A_257 = tpu.memref_slice %arg3[%add3A_256] : memref<331776xi32, #tpu.memory_space<hbm>> -> memref<96xi32, #tpu.memory_space<hbm>>
        %dma_wait3A_258 = tpu.memref_slice %arg3[%add3A_256] : memref<331776xi32, #tpu.memory_space<hbm>> -> memref<96xi32, #tpu.memory_space<hbm>>
        tpu.wait_dma2 semaphore(%arg25 : memref<!tpu.dma_semaphore, #tpu.memory_space<semaphore_mem>>) src(%dma_wait3A_258 : memref<96xi32, #tpu.memory_space<hbm>>) dst(%arg9 : memref<96xi32, #tpu.memory_space<vmem>>)
        %mul3A_259 = arith.constant 96 : i32
        %mul3A_260 = arith.muli %add3A_253, %mul3A_259 : i32
        %add3A_261 = arith.addi %mul3A_2, %mul3A_260 : i32
        %dma_wait3A_262 = tpu.memref_slice %arg4[%add3A_261] : memref<331776xi32, #tpu.memory_space<hbm>> -> memref<96xi32, #tpu.memory_space<hbm>>
        %dma_wait3A_263 = tpu.memref_slice %arg4[%add3A_261] : memref<331776xi32, #tpu.memory_space<hbm>> -> memref<96xi32, #tpu.memory_space<hbm>>
        tpu.wait_dma2 semaphore(%arg25 : memref<!tpu.dma_semaphore, #tpu.memory_space<semaphore_mem>>) src(%dma_wait3A_263 : memref<96xi32, #tpu.memory_space<hbm>>) dst(%arg15 : memref<96xi32, #tpu.memory_space<vmem>>)
        %dma_start3A_264 = arith.constant 0 : i32
        %dma_start3A_265 = arith.constant 0 : i32
        %dma_start3A_266 = tpu.memref_slice %arg2[%dma_start3A_264, %dma_start3A_265] : memref<10240x128xf32, #tpu.memory_space<hbm>> -> memref<10240x128xf32, #tpu.memory_space<hbm>>
        tpu.enqueue_indirect_dma source(%dma_start3A_266 : memref<10240x128xf32, #tpu.memory_space<hbm>>) target(%arg21 : memref<96x128xf32, #tpu.memory_space<vmem>>) offsets(%arg9 : memref<96xi32, #tpu.memory_space<vmem>>) semaphore(%arg31 : memref<!tpu.dma_semaphore, #tpu.memory_space<semaphore_mem>>)
      } else {
      }
      %mul3A_107 = arith.constant 6 : i32
      %mul3A_108 = arith.muli %mul3A_107, %scan3A_81 : i32
      %add3A_109 = arith.constant 1 : i32
      %add3A_110 = arith.addi %mul3A_108, %add3A_109 : i32
      %dma_wait3A_111 = arith.constant 0 : i32
      %dma_wait3A_112 = arith.constant 0 : i32
      %dma_wait3A_113 = tpu.memref_slice %arg2[%dma_wait3A_111, %dma_wait3A_112] : memref<10240x128xf32, #tpu.memory_space<hbm>> -> memref<10240x128xf32, #tpu.memory_space<hbm>>
      tpu.wait_indirect_dma semaphore(%arg30 : memref<!tpu.dma_semaphore, #tpu.memory_space<semaphore_mem>>) src(%dma_wait3A_113 : memref<10240x128xf32, #tpu.memory_space<hbm>>) dst(%arg20 : memref<96x128xf32, #tpu.memory_space<vmem>>)
      %dma_start3A_114 = arith.constant 0 : i32
      %dma_start3A_115 = arith.constant 0 : i32
      %dma_start3A_116 = tpu.memref_slice %arg22[%dma_start3A_114, %dma_start3A_115] : memref<10240x128xf32, #tpu.memory_space<vmem_shared>> -> memref<10240x128xf32, #tpu.memory_space<vmem_shared>>
      tpu.enqueue_indirect_dma source(%arg20 : memref<96x128xf32, #tpu.memory_space<vmem>>) target(%dma_start3A_116 : memref<10240x128xf32, #tpu.memory_space<vmem_shared>>) offsets(%arg14 : memref<96xi32, #tpu.memory_space<vmem>>) semaphore(%arg33 : memref<!tpu.dma_semaphore, #tpu.memory_space<semaphore_mem>>) {add = true}
      %ge3A_117 = arith.constant 1 : i32
      %ge3A_118 = arith.cmpi sge, %add3A_110, %ge3A_117 : i32
      %convert_element_type3A_119 = arith.extui %ge3A_118 : i1 to i32
      %cond3A_120 = arith.constant 0 : i32
      %cond3A_121 = arith.cmpi ne, %convert_element_type3A_119, %cond3A_120 : i32
      scf.if %cond3A_121 {
        %dma_wait3A_252 = arith.constant 0 : i32
        %dma_wait3A_253 = arith.constant 0 : i32
        %dma_wait3A_254 = tpu.memref_slice %arg22[%dma_wait3A_252, %dma_wait3A_253] : memref<10240x128xf32, #tpu.memory_space<vmem_shared>> -> memref<10240x128xf32, #tpu.memory_space<vmem_shared>>
        tpu.wait_indirect_dma semaphore(%arg32 : memref<!tpu.dma_semaphore, #tpu.memory_space<semaphore_mem>>) src(%arg19 : memref<96x128xf32, #tpu.memory_space<vmem>>) dst(%dma_wait3A_254 : memref<10240x128xf32, #tpu.memory_space<vmem_shared>>)
      } else {
      }
      %add3A_122 = arith.constant 5 : i32
      %add3A_123 = arith.addi %add3A_110, %add3A_122 : i32
      %lt3A_124 = arith.constant 108 : i32
      %lt3A_125 = arith.cmpi slt, %add3A_123, %lt3A_124 : i32
      %convert_element_type3A_126 = arith.extui %lt3A_125 : i1 to i32
      %cond3A_127 = arith.constant 0 : i32
      %cond3A_128 = arith.cmpi ne, %convert_element_type3A_126, %cond3A_127 : i32
      scf.if %cond3A_128 {
        %add3A_252 = arith.constant 5 : i32
        %add3A_253 = arith.addi %add3A_110, %add3A_252 : i32
        %mul3A_254 = arith.constant 96 : i32
        %mul3A_255 = arith.muli %add3A_253, %mul3A_254 : i32
        %add3A_256 = arith.addi %mul3A_2, %mul3A_255 : i32
        %dma_start3A_257 = tpu.memref_slice %arg3[%add3A_256] : memref<331776xi32, #tpu.memory_space<hbm>> -> memref<96xi32, #tpu.memory_space<hbm>>
        %dma_start3A_258 = tpu.memref_slice %arg3[%add3A_256] : memref<331776xi32, #tpu.memory_space<hbm>> -> memref<96xi32, #tpu.memory_space<hbm>>
        tpu.enqueue_dma source(%dma_start3A_258 : memref<96xi32, #tpu.memory_space<hbm>>) target(%arg7 : memref<96xi32, #tpu.memory_space<vmem>>) target_semaphore(%arg23 : memref<!tpu.dma_semaphore, #tpu.memory_space<semaphore_mem>>)
        %mul3A_259 = arith.constant 96 : i32
        %mul3A_260 = arith.muli %add3A_253, %mul3A_259 : i32
        %add3A_261 = arith.addi %mul3A_2, %mul3A_260 : i32
        %dma_start3A_262 = tpu.memref_slice %arg4[%add3A_261] : memref<331776xi32, #tpu.memory_space<hbm>> -> memref<96xi32, #tpu.memory_space<hbm>>
        %dma_start3A_263 = tpu.memref_slice %arg4[%add3A_261] : memref<331776xi32, #tpu.memory_space<hbm>> -> memref<96xi32, #tpu.memory_space<hbm>>
        tpu.enqueue_dma source(%dma_start3A_263 : memref<96xi32, #tpu.memory_space<hbm>>) target(%arg13 : memref<96xi32, #tpu.memory_space<vmem>>) target_semaphore(%arg23 : memref<!tpu.dma_semaphore, #tpu.memory_space<semaphore_mem>>)
      } else {
      }
      %add3A_129 = arith.constant 2 : i32
      %add3A_130 = arith.addi %add3A_110, %add3A_129 : i32
      %lt3A_131 = arith.constant 108 : i32
      %lt3A_132 = arith.cmpi slt, %add3A_130, %lt3A_131 : i32
      %convert_element_type3A_133 = arith.extui %lt3A_132 : i1 to i32
      %cond3A_134 = arith.constant 0 : i32
      %cond3A_135 = arith.cmpi ne, %convert_element_type3A_133, %cond3A_134 : i32
      scf.if %cond3A_135 {
        %add3A_252 = arith.constant 2 : i32
        %add3A_253 = arith.addi %add3A_110, %add3A_252 : i32
        %mul3A_254 = arith.constant 96 : i32
        %mul3A_255 = arith.muli %add3A_253, %mul3A_254 : i32
        %add3A_256 = arith.addi %mul3A_2, %mul3A_255 : i32
        %dma_wait3A_257 = tpu.memref_slice %arg3[%add3A_256] : memref<331776xi32, #tpu.memory_space<hbm>> -> memref<96xi32, #tpu.memory_space<hbm>>
        %dma_wait3A_258 = tpu.memref_slice %arg3[%add3A_256] : memref<331776xi32, #tpu.memory_space<hbm>> -> memref<96xi32, #tpu.memory_space<hbm>>
        tpu.wait_dma2 semaphore(%arg26 : memref<!tpu.dma_semaphore, #tpu.memory_space<semaphore_mem>>) src(%dma_wait3A_258 : memref<96xi32, #tpu.memory_space<hbm>>) dst(%arg10 : memref<96xi32, #tpu.memory_space<vmem>>)
        %mul3A_259 = arith.constant 96 : i32
        %mul3A_260 = arith.muli %add3A_253, %mul3A_259 : i32
        %add3A_261 = arith.addi %mul3A_2, %mul3A_260 : i32
        %dma_wait3A_262 = tpu.memref_slice %arg4[%add3A_261] : memref<331776xi32, #tpu.memory_space<hbm>> -> memref<96xi32, #tpu.memory_space<hbm>>
        %dma_wait3A_263 = tpu.memref_slice %arg4[%add3A_261] : memref<331776xi32, #tpu.memory_space<hbm>> -> memref<96xi32, #tpu.memory_space<hbm>>
        tpu.wait_dma2 semaphore(%arg26 : memref<!tpu.dma_semaphore, #tpu.memory_space<semaphore_mem>>) src(%dma_wait3A_263 : memref<96xi32, #tpu.memory_space<hbm>>) dst(%arg16 : memref<96xi32, #tpu.memory_space<vmem>>)
        %dma_start3A_264 = arith.constant 0 : i32
        %dma_start3A_265 = arith.constant 0 : i32
        %dma_start3A_266 = tpu.memref_slice %arg2[%dma_start3A_264, %dma_start3A_265] : memref<10240x128xf32, #tpu.memory_space<hbm>> -> memref<10240x128xf32, #tpu.memory_space<hbm>>
        tpu.enqueue_indirect_dma source(%dma_start3A_266 : memref<10240x128xf32, #tpu.memory_space<hbm>>) target(%arg19 : memref<96x128xf32, #tpu.memory_space<vmem>>) offsets(%arg10 : memref<96xi32, #tpu.memory_space<vmem>>) semaphore(%arg29 : memref<!tpu.dma_semaphore, #tpu.memory_space<semaphore_mem>>)
      } else {
      }
      %mul3A_136 = arith.constant 6 : i32
      %mul3A_137 = arith.muli %mul3A_136, %scan3A_81 : i32
      %add3A_138 = arith.constant 2 : i32
      %add3A_139 = arith.addi %mul3A_137, %add3A_138 : i32
      %dma_wait3A_140 = arith.constant 0 : i32
      %dma_wait3A_141 = arith.constant 0 : i32
      %dma_wait3A_142 = tpu.memref_slice %arg2[%dma_wait3A_140, %dma_wait3A_141] : memref<10240x128xf32, #tpu.memory_space<hbm>> -> memref<10240x128xf32, #tpu.memory_space<hbm>>
      tpu.wait_indirect_dma semaphore(%arg31 : memref<!tpu.dma_semaphore, #tpu.memory_space<semaphore_mem>>) src(%dma_wait3A_142 : memref<10240x128xf32, #tpu.memory_space<hbm>>) dst(%arg21 : memref<96x128xf32, #tpu.memory_space<vmem>>)
      %dma_start3A_143 = arith.constant 0 : i32
      %dma_start3A_144 = arith.constant 0 : i32
      %dma_start3A_145 = tpu.memref_slice %arg22[%dma_start3A_143, %dma_start3A_144] : memref<10240x128xf32, #tpu.memory_space<vmem_shared>> -> memref<10240x128xf32, #tpu.memory_space<vmem_shared>>
      tpu.enqueue_indirect_dma source(%arg21 : memref<96x128xf32, #tpu.memory_space<vmem>>) target(%dma_start3A_145 : memref<10240x128xf32, #tpu.memory_space<vmem_shared>>) offsets(%arg15 : memref<96xi32, #tpu.memory_space<vmem>>) semaphore(%arg34 : memref<!tpu.dma_semaphore, #tpu.memory_space<semaphore_mem>>) {add = true}
      %ge3A_146 = arith.constant 1 : i32
      %ge3A_147 = arith.cmpi sge, %add3A_139, %ge3A_146 : i32
      %convert_element_type3A_148 = arith.extui %ge3A_147 : i1 to i32
      %cond3A_149 = arith.constant 0 : i32
      %cond3A_150 = arith.cmpi ne, %convert_element_type3A_148, %cond3A_149 : i32
      scf.if %cond3A_150 {
        %dma_wait3A_252 = arith.constant 0 : i32
        %dma_wait3A_253 = arith.constant 0 : i32
        %dma_wait3A_254 = tpu.memref_slice %arg22[%dma_wait3A_252, %dma_wait3A_253] : memref<10240x128xf32, #tpu.memory_space<vmem_shared>> -> memref<10240x128xf32, #tpu.memory_space<vmem_shared>>
        tpu.wait_indirect_dma semaphore(%arg33 : memref<!tpu.dma_semaphore, #tpu.memory_space<semaphore_mem>>) src(%arg20 : memref<96x128xf32, #tpu.memory_space<vmem>>) dst(%dma_wait3A_254 : memref<10240x128xf32, #tpu.memory_space<vmem_shared>>)
      } else {
      }
      %add3A_151 = arith.constant 5 : i32
      %add3A_152 = arith.addi %add3A_139, %add3A_151 : i32
      %lt3A_153 = arith.constant 108 : i32
      %lt3A_154 = arith.cmpi slt, %add3A_152, %lt3A_153 : i32
      %convert_element_type3A_155 = arith.extui %lt3A_154 : i1 to i32
      %cond3A_156 = arith.constant 0 : i32
      %cond3A_157 = arith.cmpi ne, %convert_element_type3A_155, %cond3A_156 : i32
      scf.if %cond3A_157 {
        %add3A_252 = arith.constant 5 : i32
        %add3A_253 = arith.addi %add3A_139, %add3A_252 : i32
        %mul3A_254 = arith.constant 96 : i32
        %mul3A_255 = arith.muli %add3A_253, %mul3A_254 : i32
        %add3A_256 = arith.addi %mul3A_2, %mul3A_255 : i32
        %dma_start3A_257 = tpu.memref_slice %arg3[%add3A_256] : memref<331776xi32, #tpu.memory_space<hbm>> -> memref<96xi32, #tpu.memory_space<hbm>>
        %dma_start3A_258 = tpu.memref_slice %arg3[%add3A_256] : memref<331776xi32, #tpu.memory_space<hbm>> -> memref<96xi32, #tpu.memory_space<hbm>>
        tpu.enqueue_dma source(%dma_start3A_258 : memref<96xi32, #tpu.memory_space<hbm>>) target(%arg8 : memref<96xi32, #tpu.memory_space<vmem>>) target_semaphore(%arg24 : memref<!tpu.dma_semaphore, #tpu.memory_space<semaphore_mem>>)
        %mul3A_259 = arith.constant 96 : i32
        %mul3A_260 = arith.muli %add3A_253, %mul3A_259 : i32
        %add3A_261 = arith.addi %mul3A_2, %mul3A_260 : i32
        %dma_start3A_262 = tpu.memref_slice %arg4[%add3A_261] : memref<331776xi32, #tpu.memory_space<hbm>> -> memref<96xi32, #tpu.memory_space<hbm>>
        %dma_start3A_263 = tpu.memref_slice %arg4[%add3A_261] : memref<331776xi32, #tpu.memory_space<hbm>> -> memref<96xi32, #tpu.memory_space<hbm>>
        tpu.enqueue_dma source(%dma_start3A_263 : memref<96xi32, #tpu.memory_space<hbm>>) target(%arg14 : memref<96xi32, #tpu.memory_space<vmem>>) target_semaphore(%arg24 : memref<!tpu.dma_semaphore, #tpu.memory_space<semaphore_mem>>)
      } else {
      }
      %add3A_158 = arith.constant 2 : i32
      %add3A_159 = arith.addi %add3A_139, %add3A_158 : i32
      %lt3A_160 = arith.constant 108 : i32
      %lt3A_161 = arith.cmpi slt, %add3A_159, %lt3A_160 : i32
      %convert_element_type3A_162 = arith.extui %lt3A_161 : i1 to i32
      %cond3A_163 = arith.constant 0 : i32
      %cond3A_164 = arith.cmpi ne, %convert_element_type3A_162, %cond3A_163 : i32
      scf.if %cond3A_164 {
        %add3A_252 = arith.constant 2 : i32
        %add3A_253 = arith.addi %add3A_139, %add3A_252 : i32
        %mul3A_254 = arith.constant 96 : i32
        %mul3A_255 = arith.muli %add3A_253, %mul3A_254 : i32
        %add3A_256 = arith.addi %mul3A_2, %mul3A_255 : i32
        %dma_wait3A_257 = tpu.memref_slice %arg3[%add3A_256] : memref<331776xi32, #tpu.memory_space<hbm>> -> memref<96xi32, #tpu.memory_space<hbm>>
        %dma_wait3A_258 = tpu.memref_slice %arg3[%add3A_256] : memref<331776xi32, #tpu.memory_space<hbm>> -> memref<96xi32, #tpu.memory_space<hbm>>
        tpu.wait_dma2 semaphore(%arg27 : memref<!tpu.dma_semaphore, #tpu.memory_space<semaphore_mem>>) src(%dma_wait3A_258 : memref<96xi32, #tpu.memory_space<hbm>>) dst(%arg11 : memref<96xi32, #tpu.memory_space<vmem>>)
        %mul3A_259 = arith.constant 96 : i32
        %mul3A_260 = arith.muli %add3A_253, %mul3A_259 : i32
        %add3A_261 = arith.addi %mul3A_2, %mul3A_260 : i32
        %dma_wait3A_262 = tpu.memref_slice %arg4[%add3A_261] : memref<331776xi32, #tpu.memory_space<hbm>> -> memref<96xi32, #tpu.memory_space<hbm>>
        %dma_wait3A_263 = tpu.memref_slice %arg4[%add3A_261] : memref<331776xi32, #tpu.memory_space<hbm>> -> memref<96xi32, #tpu.memory_space<hbm>>
        tpu.wait_dma2 semaphore(%arg27 : memref<!tpu.dma_semaphore, #tpu.memory_space<semaphore_mem>>) src(%dma_wait3A_263 : memref<96xi32, #tpu.memory_space<hbm>>) dst(%arg17 : memref<96xi32, #tpu.memory_space<vmem>>)
        %dma_start3A_264 = arith.constant 0 : i32
        %dma_start3A_265 = arith.constant 0 : i32
        %dma_start3A_266 = tpu.memref_slice %arg2[%dma_start3A_264, %dma_start3A_265] : memref<10240x128xf32, #tpu.memory_space<hbm>> -> memref<10240x128xf32, #tpu.memory_space<hbm>>
        tpu.enqueue_indirect_dma source(%dma_start3A_266 : memref<10240x128xf32, #tpu.memory_space<hbm>>) target(%arg20 : memref<96x128xf32, #tpu.memory_space<vmem>>) offsets(%arg11 : memref<96xi32, #tpu.memory_space<vmem>>) semaphore(%arg30 : memref<!tpu.dma_semaphore, #tpu.memory_space<semaphore_mem>>)
      } else {
      }
      %mul3A_165 = arith.constant 6 : i32
      %mul3A_166 = arith.muli %mul3A_165, %scan3A_81 : i32
      %add3A_167 = arith.constant 3 : i32
      %add3A_168 = arith.addi %mul3A_166, %add3A_167 : i32
      %dma_wait3A_169 = arith.constant 0 : i32
      %dma_wait3A_170 = arith.constant 0 : i32
      %dma_wait3A_171 = tpu.memref_slice %arg2[%dma_wait3A_169, %dma_wait3A_170] : memref<10240x128xf32, #tpu.memory_space<hbm>> -> memref<10240x128xf32, #tpu.memory_space<hbm>>
      tpu.wait_indirect_dma semaphore(%arg29 : memref<!tpu.dma_semaphore, #tpu.memory_space<semaphore_mem>>) src(%dma_wait3A_171 : memref<10240x128xf32, #tpu.memory_space<hbm>>) dst(%arg19 : memref<96x128xf32, #tpu.memory_space<vmem>>)
      %dma_start3A_172 = arith.constant 0 : i32
      %dma_start3A_173 = arith.constant 0 : i32
      %dma_start3A_174 = tpu.memref_slice %arg22[%dma_start3A_172, %dma_start3A_173] : memref<10240x128xf32, #tpu.memory_space<vmem_shared>> -> memref<10240x128xf32, #tpu.memory_space<vmem_shared>>
      tpu.enqueue_indirect_dma source(%arg19 : memref<96x128xf32, #tpu.memory_space<vmem>>) target(%dma_start3A_174 : memref<10240x128xf32, #tpu.memory_space<vmem_shared>>) offsets(%arg16 : memref<96xi32, #tpu.memory_space<vmem>>) semaphore(%arg32 : memref<!tpu.dma_semaphore, #tpu.memory_space<semaphore_mem>>) {add = true}
      %ge3A_175 = arith.constant 1 : i32
      %ge3A_176 = arith.cmpi sge, %add3A_168, %ge3A_175 : i32
      %convert_element_type3A_177 = arith.extui %ge3A_176 : i1 to i32
      %cond3A_178 = arith.constant 0 : i32
      %cond3A_179 = arith.cmpi ne, %convert_element_type3A_177, %cond3A_178 : i32
      scf.if %cond3A_179 {
        %dma_wait3A_252 = arith.constant 0 : i32
        %dma_wait3A_253 = arith.constant 0 : i32
        %dma_wait3A_254 = tpu.memref_slice %arg22[%dma_wait3A_252, %dma_wait3A_253] : memref<10240x128xf32, #tpu.memory_space<vmem_shared>> -> memref<10240x128xf32, #tpu.memory_space<vmem_shared>>
        tpu.wait_indirect_dma semaphore(%arg34 : memref<!tpu.dma_semaphore, #tpu.memory_space<semaphore_mem>>) src(%arg21 : memref<96x128xf32, #tpu.memory_space<vmem>>) dst(%dma_wait3A_254 : memref<10240x128xf32, #tpu.memory_space<vmem_shared>>)
      } else {
      }
      %add3A_180 = arith.constant 5 : i32
      %add3A_181 = arith.addi %add3A_168, %add3A_180 : i32
      %lt3A_182 = arith.constant 108 : i32
      %lt3A_183 = arith.cmpi slt, %add3A_181, %lt3A_182 : i32
      %convert_element_type3A_184 = arith.extui %lt3A_183 : i1 to i32
      %cond3A_185 = arith.constant 0 : i32
      %cond3A_186 = arith.cmpi ne, %convert_element_type3A_184, %cond3A_185 : i32
      scf.if %cond3A_186 {
        %add3A_252 = arith.constant 5 : i32
        %add3A_253 = arith.addi %add3A_168, %add3A_252 : i32
        %mul3A_254 = arith.constant 96 : i32
        %mul3A_255 = arith.muli %add3A_253, %mul3A_254 : i32
        %add3A_256 = arith.addi %mul3A_2, %mul3A_255 : i32
        %dma_start3A_257 = tpu.memref_slice %arg3[%add3A_256] : memref<331776xi32, #tpu.memory_space<hbm>> -> memref<96xi32, #tpu.memory_space<hbm>>
        %dma_start3A_258 = tpu.memref_slice %arg3[%add3A_256] : memref<331776xi32, #tpu.memory_space<hbm>> -> memref<96xi32, #tpu.memory_space<hbm>>
        tpu.enqueue_dma source(%dma_start3A_258 : memref<96xi32, #tpu.memory_space<hbm>>) target(%arg9 : memref<96xi32, #tpu.memory_space<vmem>>) target_semaphore(%arg25 : memref<!tpu.dma_semaphore, #tpu.memory_space<semaphore_mem>>)
        %mul3A_259 = arith.constant 96 : i32
        %mul3A_260 = arith.muli %add3A_253, %mul3A_259 : i32
        %add3A_261 = arith.addi %mul3A_2, %mul3A_260 : i32
        %dma_start3A_262 = tpu.memref_slice %arg4[%add3A_261] : memref<331776xi32, #tpu.memory_space<hbm>> -> memref<96xi32, #tpu.memory_space<hbm>>
        %dma_start3A_263 = tpu.memref_slice %arg4[%add3A_261] : memref<331776xi32, #tpu.memory_space<hbm>> -> memref<96xi32, #tpu.memory_space<hbm>>
        tpu.enqueue_dma source(%dma_start3A_263 : memref<96xi32, #tpu.memory_space<hbm>>) target(%arg15 : memref<96xi32, #tpu.memory_space<vmem>>) target_semaphore(%arg25 : memref<!tpu.dma_semaphore, #tpu.memory_space<semaphore_mem>>)
      } else {
      }
      %add3A_187 = arith.constant 2 : i32
      %add3A_188 = arith.addi %add3A_168, %add3A_187 : i32
      %lt3A_189 = arith.constant 108 : i32
      %lt3A_190 = arith.cmpi slt, %add3A_188, %lt3A_189 : i32
      %convert_element_type3A_191 = arith.extui %lt3A_190 : i1 to i32
      %cond3A_192 = arith.constant 0 : i32
      %cond3A_193 = arith.cmpi ne, %convert_element_type3A_191, %cond3A_192 : i32
      scf.if %cond3A_193 {
        %add3A_252 = arith.constant 2 : i32
        %add3A_253 = arith.addi %add3A_168, %add3A_252 : i32
        %mul3A_254 = arith.constant 96 : i32
        %mul3A_255 = arith.muli %add3A_253, %mul3A_254 : i32
        %add3A_256 = arith.addi %mul3A_2, %mul3A_255 : i32
        %dma_wait3A_257 = tpu.memref_slice %arg3[%add3A_256] : memref<331776xi32, #tpu.memory_space<hbm>> -> memref<96xi32, #tpu.memory_space<hbm>>
        %dma_wait3A_258 = tpu.memref_slice %arg3[%add3A_256] : memref<331776xi32, #tpu.memory_space<hbm>> -> memref<96xi32, #tpu.memory_space<hbm>>
        tpu.wait_dma2 semaphore(%arg28 : memref<!tpu.dma_semaphore, #tpu.memory_space<semaphore_mem>>) src(%dma_wait3A_258 : memref<96xi32, #tpu.memory_space<hbm>>) dst(%arg12 : memref<96xi32, #tpu.memory_space<vmem>>)
        %mul3A_259 = arith.constant 96 : i32
        %mul3A_260 = arith.muli %add3A_253, %mul3A_259 : i32
        %add3A_261 = arith.addi %mul3A_2, %mul3A_260 : i32
        %dma_wait3A_262 = tpu.memref_slice %arg4[%add3A_261] : memref<331776xi32, #tpu.memory_space<hbm>> -> memref<96xi32, #tpu.memory_space<hbm>>
        %dma_wait3A_263 = tpu.memref_slice %arg4[%add3A_261] : memref<331776xi32, #tpu.memory_space<hbm>> -> memref<96xi32, #tpu.memory_space<hbm>>
        tpu.wait_dma2 semaphore(%arg28 : memref<!tpu.dma_semaphore, #tpu.memory_space<semaphore_mem>>) src(%dma_wait3A_263 : memref<96xi32, #tpu.memory_space<hbm>>) dst(%arg18 : memref<96xi32, #tpu.memory_space<vmem>>)
        %dma_start3A_264 = arith.constant 0 : i32
        %dma_start3A_265 = arith.constant 0 : i32
        %dma_start3A_266 = tpu.memref_slice %arg2[%dma_start3A_264, %dma_start3A_265] : memref<10240x128xf32, #tpu.memory_space<hbm>> -> memref<10240x128xf32, #tpu.memory_space<hbm>>
        tpu.enqueue_indirect_dma source(%dma_start3A_266 : memref<10240x128xf32, #tpu.memory_space<hbm>>) target(%arg21 : memref<96x128xf32, #tpu.memory_space<vmem>>) offsets(%arg12 : memref<96xi32, #tpu.memory_space<vmem>>) semaphore(%arg31 : memref<!tpu.dma_semaphore, #tpu.memory_space<semaphore_mem>>)
      } else {
      }
      %mul3A_194 = arith.constant 6 : i32
      %mul3A_195 = arith.muli %mul3A_194, %scan3A_81 : i32
      %add3A_196 = arith.constant 4 : i32
      %add3A_197 = arith.addi %mul3A_195, %add3A_196 : i32
      %dma_wait3A_198 = arith.constant 0 : i32
      %dma_wait3A_199 = arith.constant 0 : i32
      %dma_wait3A_200 = tpu.memref_slice %arg2[%dma_wait3A_198, %dma_wait3A_199] : memref<10240x128xf32, #tpu.memory_space<hbm>> -> memref<10240x128xf32, #tpu.memory_space<hbm>>
      tpu.wait_indirect_dma semaphore(%arg30 : memref<!tpu.dma_semaphore, #tpu.memory_space<semaphore_mem>>) src(%dma_wait3A_200 : memref<10240x128xf32, #tpu.memory_space<hbm>>) dst(%arg20 : memref<96x128xf32, #tpu.memory_space<vmem>>)
      %dma_start3A_201 = arith.constant 0 : i32
      %dma_start3A_202 = arith.constant 0 : i32
      %dma_start3A_203 = tpu.memref_slice %arg22[%dma_start3A_201, %dma_start3A_202] : memref<10240x128xf32, #tpu.memory_space<vmem_shared>> -> memref<10240x128xf32, #tpu.memory_space<vmem_shared>>
      tpu.enqueue_indirect_dma source(%arg20 : memref<96x128xf32, #tpu.memory_space<vmem>>) target(%dma_start3A_203 : memref<10240x128xf32, #tpu.memory_space<vmem_shared>>) offsets(%arg17 : memref<96xi32, #tpu.memory_space<vmem>>) semaphore(%arg33 : memref<!tpu.dma_semaphore, #tpu.memory_space<semaphore_mem>>) {add = true}
      %ge3A_204 = arith.constant 1 : i32
      %ge3A_205 = arith.cmpi sge, %add3A_197, %ge3A_204 : i32
      %convert_element_type3A_206 = arith.extui %ge3A_205 : i1 to i32
      %cond3A_207 = arith.constant 0 : i32
      %cond3A_208 = arith.cmpi ne, %convert_element_type3A_206, %cond3A_207 : i32
      scf.if %cond3A_208 {
        %dma_wait3A_252 = arith.constant 0 : i32
        %dma_wait3A_253 = arith.constant 0 : i32
        %dma_wait3A_254 = tpu.memref_slice %arg22[%dma_wait3A_252, %dma_wait3A_253] : memref<10240x128xf32, #tpu.memory_space<vmem_shared>> -> memref<10240x128xf32, #tpu.memory_space<vmem_shared>>
        tpu.wait_indirect_dma semaphore(%arg32 : memref<!tpu.dma_semaphore, #tpu.memory_space<semaphore_mem>>) src(%arg19 : memref<96x128xf32, #tpu.memory_space<vmem>>) dst(%dma_wait3A_254 : memref<10240x128xf32, #tpu.memory_space<vmem_shared>>)
      } else {
      }
      %add3A_209 = arith.constant 5 : i32
      %add3A_210 = arith.addi %add3A_197, %add3A_209 : i32
      %lt3A_211 = arith.constant 108 : i32
      %lt3A_212 = arith.cmpi slt, %add3A_210, %lt3A_211 : i32
      %convert_element_type3A_213 = arith.extui %lt3A_212 : i1 to i32
      %cond3A_214 = arith.constant 0 : i32
      %cond3A_215 = arith.cmpi ne, %convert_element_type3A_213, %cond3A_214 : i32
      scf.if %cond3A_215 {
        %add3A_252 = arith.constant 5 : i32
        %add3A_253 = arith.addi %add3A_197, %add3A_252 : i32
        %mul3A_254 = arith.constant 96 : i32
        %mul3A_255 = arith.muli %add3A_253, %mul3A_254 : i32
        %add3A_256 = arith.addi %mul3A_2, %mul3A_255 : i32
        %dma_start3A_257 = tpu.memref_slice %arg3[%add3A_256] : memref<331776xi32, #tpu.memory_space<hbm>> -> memref<96xi32, #tpu.memory_space<hbm>>
        %dma_start3A_258 = tpu.memref_slice %arg3[%add3A_256] : memref<331776xi32, #tpu.memory_space<hbm>> -> memref<96xi32, #tpu.memory_space<hbm>>
        tpu.enqueue_dma source(%dma_start3A_258 : memref<96xi32, #tpu.memory_space<hbm>>) target(%arg10 : memref<96xi32, #tpu.memory_space<vmem>>) target_semaphore(%arg26 : memref<!tpu.dma_semaphore, #tpu.memory_space<semaphore_mem>>)
        %mul3A_259 = arith.constant 96 : i32
        %mul3A_260 = arith.muli %add3A_253, %mul3A_259 : i32
        %add3A_261 = arith.addi %mul3A_2, %mul3A_260 : i32
        %dma_start3A_262 = tpu.memref_slice %arg4[%add3A_261] : memref<331776xi32, #tpu.memory_space<hbm>> -> memref<96xi32, #tpu.memory_space<hbm>>
        %dma_start3A_263 = tpu.memref_slice %arg4[%add3A_261] : memref<331776xi32, #tpu.memory_space<hbm>> -> memref<96xi32, #tpu.memory_space<hbm>>
        tpu.enqueue_dma source(%dma_start3A_263 : memref<96xi32, #tpu.memory_space<hbm>>) target(%arg16 : memref<96xi32, #tpu.memory_space<vmem>>) target_semaphore(%arg26 : memref<!tpu.dma_semaphore, #tpu.memory_space<semaphore_mem>>)
      } else {
      }
      %add3A_216 = arith.constant 2 : i32
      %add3A_217 = arith.addi %add3A_197, %add3A_216 : i32
      %lt3A_218 = arith.constant 108 : i32
      %lt3A_219 = arith.cmpi slt, %add3A_217, %lt3A_218 : i32
      %convert_element_type3A_220 = arith.extui %lt3A_219 : i1 to i32
      %cond3A_221 = arith.constant 0 : i32
      %cond3A_222 = arith.cmpi ne, %convert_element_type3A_220, %cond3A_221 : i32
      scf.if %cond3A_222 {
        %add3A_252 = arith.constant 2 : i32
        %add3A_253 = arith.addi %add3A_197, %add3A_252 : i32
        %mul3A_254 = arith.constant 96 : i32
        %mul3A_255 = arith.muli %add3A_253, %mul3A_254 : i32
        %add3A_256 = arith.addi %mul3A_2, %mul3A_255 : i32
        %dma_wait3A_257 = tpu.memref_slice %arg3[%add3A_256] : memref<331776xi32, #tpu.memory_space<hbm>> -> memref<96xi32, #tpu.memory_space<hbm>>
        %dma_wait3A_258 = tpu.memref_slice %arg3[%add3A_256] : memref<331776xi32, #tpu.memory_space<hbm>> -> memref<96xi32, #tpu.memory_space<hbm>>
        tpu.wait_dma2 semaphore(%arg23 : memref<!tpu.dma_semaphore, #tpu.memory_space<semaphore_mem>>) src(%dma_wait3A_258 : memref<96xi32, #tpu.memory_space<hbm>>) dst(%arg7 : memref<96xi32, #tpu.memory_space<vmem>>)
        %mul3A_259 = arith.constant 96 : i32
        %mul3A_260 = arith.muli %add3A_253, %mul3A_259 : i32
        %add3A_261 = arith.addi %mul3A_2, %mul3A_260 : i32
        %dma_wait3A_262 = tpu.memref_slice %arg4[%add3A_261] : memref<331776xi32, #tpu.memory_space<hbm>> -> memref<96xi32, #tpu.memory_space<hbm>>
        %dma_wait3A_263 = tpu.memref_slice %arg4[%add3A_261] : memref<331776xi32, #tpu.memory_space<hbm>> -> memref<96xi32, #tpu.memory_space<hbm>>
        tpu.wait_dma2 semaphore(%arg23 : memref<!tpu.dma_semaphore, #tpu.memory_space<semaphore_mem>>) src(%dma_wait3A_263 : memref<96xi32, #tpu.memory_space<hbm>>) dst(%arg13 : memref<96xi32, #tpu.memory_space<vmem>>)
        %dma_start3A_264 = arith.constant 0 : i32
        %dma_start3A_265 = arith.constant 0 : i32
        %dma_start3A_266 = tpu.memref_slice %arg2[%dma_start3A_264, %dma_start3A_265] : memref<10240x128xf32, #tpu.memory_space<hbm>> -> memref<10240x128xf32, #tpu.memory_space<hbm>>
        tpu.enqueue_indirect_dma source(%dma_start3A_266 : memref<10240x128xf32, #tpu.memory_space<hbm>>) target(%arg19 : memref<96x128xf32, #tpu.memory_space<vmem>>) offsets(%arg7 : memref<96xi32, #tpu.memory_space<vmem>>) semaphore(%arg29 : memref<!tpu.dma_semaphore, #tpu.memory_space<semaphore_mem>>)
      } else {
      }
      %mul3A_223 = arith.constant 6 : i32
      %mul3A_224 = arith.muli %mul3A_223, %scan3A_81 : i32
      %add3A_225 = arith.constant 5 : i32
      %add3A_226 = arith.addi %mul3A_224, %add3A_225 : i32
      %dma_wait3A_227 = arith.constant 0 : i32
      %dma_wait3A_228 = arith.constant 0 : i32
      %dma_wait3A_229 = tpu.memref_slice %arg2[%dma_wait3A_227, %dma_wait3A_228] : memref<10240x128xf32, #tpu.memory_space<hbm>> -> memref<10240x128xf32, #tpu.memory_space<hbm>>
      tpu.wait_indirect_dma semaphore(%arg31 : memref<!tpu.dma_semaphore, #tpu.memory_space<semaphore_mem>>) src(%dma_wait3A_229 : memref<10240x128xf32, #tpu.memory_space<hbm>>) dst(%arg21 : memref<96x128xf32, #tpu.memory_space<vmem>>)
      %dma_start3A_230 = arith.constant 0 : i32
      %dma_start3A_231 = arith.constant 0 : i32
      %dma_start3A_232 = tpu.memref_slice %arg22[%dma_start3A_230, %dma_start3A_231] : memref<10240x128xf32, #tpu.memory_space<vmem_shared>> -> memref<10240x128xf32, #tpu.memory_space<vmem_shared>>
      tpu.enqueue_indirect_dma source(%arg21 : memref<96x128xf32, #tpu.memory_space<vmem>>) target(%dma_start3A_232 : memref<10240x128xf32, #tpu.memory_space<vmem_shared>>) offsets(%arg18 : memref<96xi32, #tpu.memory_space<vmem>>) semaphore(%arg34 : memref<!tpu.dma_semaphore, #tpu.memory_space<semaphore_mem>>) {add = true}
      %ge3A_233 = arith.constant 1 : i32
      %ge3A_234 = arith.cmpi sge, %add3A_226, %ge3A_233 : i32
      %convert_element_type3A_235 = arith.extui %ge3A_234 : i1 to i32
      %cond3A_236 = arith.constant 0 : i32
      %cond3A_237 = arith.cmpi ne, %convert_element_type3A_235, %cond3A_236 : i32
      scf.if %cond3A_237 {
        %dma_wait3A_252 = arith.constant 0 : i32
        %dma_wait3A_253 = arith.constant 0 : i32
        %dma_wait3A_254 = tpu.memref_slice %arg22[%dma_wait3A_252, %dma_wait3A_253] : memref<10240x128xf32, #tpu.memory_space<vmem_shared>> -> memref<10240x128xf32, #tpu.memory_space<vmem_shared>>
        tpu.wait_indirect_dma semaphore(%arg33 : memref<!tpu.dma_semaphore, #tpu.memory_space<semaphore_mem>>) src(%arg20 : memref<96x128xf32, #tpu.memory_space<vmem>>) dst(%dma_wait3A_254 : memref<10240x128xf32, #tpu.memory_space<vmem_shared>>)
      } else {
      }
      %add3A_238 = arith.constant 5 : i32
      %add3A_239 = arith.addi %add3A_226, %add3A_238 : i32
      %lt3A_240 = arith.constant 108 : i32
      %lt3A_241 = arith.cmpi slt, %add3A_239, %lt3A_240 : i32
      %convert_element_type3A_242 = arith.extui %lt3A_241 : i1 to i32
      %cond3A_243 = arith.constant 0 : i32
      %cond3A_244 = arith.cmpi ne, %convert_element_type3A_242, %cond3A_243 : i32
      scf.if %cond3A_244 {
        %add3A_252 = arith.constant 5 : i32
        %add3A_253 = arith.addi %add3A_226, %add3A_252 : i32
        %mul3A_254 = arith.constant 96 : i32
        %mul3A_255 = arith.muli %add3A_253, %mul3A_254 : i32
        %add3A_256 = arith.addi %mul3A_2, %mul3A_255 : i32
        %dma_start3A_257 = tpu.memref_slice %arg3[%add3A_256] : memref<331776xi32, #tpu.memory_space<hbm>> -> memref<96xi32, #tpu.memory_space<hbm>>
        %dma_start3A_258 = tpu.memref_slice %arg3[%add3A_256] : memref<331776xi32, #tpu.memory_space<hbm>> -> memref<96xi32, #tpu.memory_space<hbm>>
        tpu.enqueue_dma source(%dma_start3A_258 : memref<96xi32, #tpu.memory_space<hbm>>) target(%arg11 : memref<96xi32, #tpu.memory_space<vmem>>) target_semaphore(%arg27 : memref<!tpu.dma_semaphore, #tpu.memory_space<semaphore_mem>>)
        %mul3A_259 = arith.constant 96 : i32
        %mul3A_260 = arith.muli %add3A_253, %mul3A_259 : i32
        %add3A_261 = arith.addi %mul3A_2, %mul3A_260 : i32
        %dma_start3A_262 = tpu.memref_slice %arg4[%add3A_261] : memref<331776xi32, #tpu.memory_space<hbm>> -> memref<96xi32, #tpu.memory_space<hbm>>
        %dma_start3A_263 = tpu.memref_slice %arg4[%add3A_261] : memref<331776xi32, #tpu.memory_space<hbm>> -> memref<96xi32, #tpu.memory_space<hbm>>
        tpu.enqueue_dma source(%dma_start3A_263 : memref<96xi32, #tpu.memory_space<hbm>>) target(%arg17 : memref<96xi32, #tpu.memory_space<vmem>>) target_semaphore(%arg27 : memref<!tpu.dma_semaphore, #tpu.memory_space<semaphore_mem>>)
      } else {
      }
      %add3A_245 = arith.constant 2 : i32
      %add3A_246 = arith.addi %add3A_226, %add3A_245 : i32
      %lt3A_247 = arith.constant 108 : i32
      %lt3A_248 = arith.cmpi slt, %add3A_246, %lt3A_247 : i32
      %convert_element_type3A_249 = arith.extui %lt3A_248 : i1 to i32
      %cond3A_250 = arith.constant 0 : i32
      %cond3A_251 = arith.cmpi ne, %convert_element_type3A_249, %cond3A_250 : i32
      scf.if %cond3A_251 {
        %add3A_252 = arith.constant 2 : i32
        %add3A_253 = arith.addi %add3A_226, %add3A_252 : i32
        %mul3A_254 = arith.constant 96 : i32
        %mul3A_255 = arith.muli %add3A_253, %mul3A_254 : i32
        %add3A_256 = arith.addi %mul3A_2, %mul3A_255 : i32
        %dma_wait3A_257 = tpu.memref_slice %arg3[%add3A_256] : memref<331776xi32, #tpu.memory_space<hbm>> -> memref<96xi32, #tpu.memory_space<hbm>>
        %dma_wait3A_258 = tpu.memref_slice %arg3[%add3A_256] : memref<331776xi32, #tpu.memory_space<hbm>> -> memref<96xi32, #tpu.memory_space<hbm>>
        tpu.wait_dma2 semaphore(%arg24 : memref<!tpu.dma_semaphore, #tpu.memory_space<semaphore_mem>>) src(%dma_wait3A_258 : memref<96xi32, #tpu.memory_space<hbm>>) dst(%arg8 : memref<96xi32, #tpu.memory_space<vmem>>)
        %mul3A_259 = arith.constant 96 : i32
        %mul3A_260 = arith.muli %add3A_253, %mul3A_259 : i32
        %add3A_261 = arith.addi %mul3A_2, %mul3A_260 : i32
        %dma_wait3A_262 = tpu.memref_slice %arg4[%add3A_261] : memref<331776xi32, #tpu.memory_space<hbm>> -> memref<96xi32, #tpu.memory_space<hbm>>
        %dma_wait3A_263 = tpu.memref_slice %arg4[%add3A_261] : memref<331776xi32, #tpu.memory_space<hbm>> -> memref<96xi32, #tpu.memory_space<hbm>>
        tpu.wait_dma2 semaphore(%arg24 : memref<!tpu.dma_semaphore, #tpu.memory_space<semaphore_mem>>) src(%dma_wait3A_263 : memref<96xi32, #tpu.memory_space<hbm>>) dst(%arg14 : memref<96xi32, #tpu.memory_space<vmem>>)
        %dma_start3A_264 = arith.constant 0 : i32
        %dma_start3A_265 = arith.constant 0 : i32
        %dma_start3A_266 = tpu.memref_slice %arg2[%dma_start3A_264, %dma_start3A_265] : memref<10240x128xf32, #tpu.memory_space<hbm>> -> memref<10240x128xf32, #tpu.memory_space<hbm>>
        tpu.enqueue_indirect_dma source(%dma_start3A_266 : memref<10240x128xf32, #tpu.memory_space<hbm>>) target(%arg20 : memref<96x128xf32, #tpu.memory_space<vmem>>) offsets(%arg8 : memref<96xi32, #tpu.memory_space<vmem>>) semaphore(%arg30 : memref<!tpu.dma_semaphore, #tpu.memory_space<semaphore_mem>>)
      } else {
      }
    }
    %scan3A_69 = arith.constant 18 : i32
    %dma_wait3A_70 = arith.constant 0 : i32
    %dma_wait3A_71 = arith.constant 0 : i32
    %dma_wait3A_72 = tpu.memref_slice %arg22[%dma_wait3A_70, %dma_wait3A_71] : memref<10240x128xf32, #tpu.memory_space<vmem_shared>> -> memref<10240x128xf32, #tpu.memory_space<vmem_shared>>
    tpu.wait_indirect_dma semaphore(%arg34 : memref<!tpu.dma_semaphore, #tpu.memory_space<semaphore_mem>>) src(%arg21 : memref<96x128xf32, #tpu.memory_space<vmem>>) dst(%dma_wait3A_72 : memref<10240x128xf32, #tpu.memory_space<vmem_shared>>)
    %barrier3A_73 = arith.constant 0 : index
    tpu.barrier barrier_id(%barrier3A_73)
    %mul3A_74 = arith.constant 640 : i32
    %mul3A_75 = arith.muli %arg1, %mul3A_74 : i32
    %mul3A_76 = arith.constant 10240 : i32
    %mul3A_77 = arith.muli %arg0, %mul3A_76 : i32
    %mul3A_78 = arith.constant 640 : i32
    %mul3A_79 = arith.muli %arg1, %mul3A_78 : i32
    %add3A_80 = arith.addi %mul3A_77, %mul3A_79 : i32
    "tpu.region"() ({
      %run_scoped3A = tpu.sem_alloc : memref<!tpu.dma_semaphore, #tpu.memory_space<semaphore_mem>>
      %dma_start3A_81 = arith.constant 0 : i32
      %dma_start3A_82 = tpu.memref_slice %arg6[%add3A_80, %dma_start3A_81] : memref<20480x128xf32, #tpu.memory_space<hbm>> -> memref<640x128xf32, #tpu.memory_space<hbm>>
      %dma_start3A_83 = arith.constant 0 : i32
      %dma_start3A_84 = tpu.memref_slice %arg22[%mul3A_75, %dma_start3A_83] : memref<10240x128xf32, #tpu.memory_space<vmem_shared>> -> memref<640x128xf32, #tpu.memory_space<vmem_shared>>
      tpu.enqueue_dma source(%dma_start3A_84 : memref<640x128xf32, #tpu.memory_space<vmem_shared>>) target(%dma_start3A_82 : memref<640x128xf32, #tpu.memory_space<hbm>>) target_semaphore(%run_scoped3A : memref<!tpu.dma_semaphore, #tpu.memory_space<semaphore_mem>>)
      %dma_wait3A_85 = arith.constant 0 : i32
      %dma_wait3A_86 = tpu.memref_slice %arg6[%add3A_80, %dma_wait3A_85] : memref<20480x128xf32, #tpu.memory_space<hbm>> -> memref<640x128xf32, #tpu.memory_space<hbm>>
      %dma_wait3A_87 = arith.constant 0 : i32
      %dma_wait3A_88 = tpu.memref_slice %arg22[%mul3A_75, %dma_wait3A_87] : memref<10240x128xf32, #tpu.memory_space<vmem_shared>> -> memref<640x128xf32, #tpu.memory_space<vmem_shared>>
      tpu.wait_dma2 semaphore(%run_scoped3A : memref<!tpu.dma_semaphore, #tpu.memory_space<semaphore_mem>>) src(%dma_wait3A_88 : memref<640x128xf32, #tpu.memory_space<vmem_shared>>) dst(%dma_wait3A_86 : memref<640x128xf32, #tpu.memory_space<hbm>>)
      tpu.yield
    }) : () -> ()
    return
  }
}

#map = affine_map<(d0, d1) -> (0, 0)>
#map1 = affine_map<(d0, d1) -> (0)>
module attributes {stable_mosaic.version = 14 : i64} {
  func.func @_sc_aggregate(%arg0: i32, %arg1: i32, %arg2: memref<10240x128xf32, #tpu.memory_space<hbm>>, %arg3: memref<331776xi32, #tpu.memory_space<hbm>>, %arg4: memref<331776xi32, #tpu.memory_space<hbm>>, %arg5: memref<640x128xf32, #tpu.memory_space<hbm>>, %arg6: memref<20480x128xf32, #tpu.memory_space<hbm>>, %arg7: memref<96xi32, #tpu.memory_space<vmem>>, %arg8: memref<96xi32, #tpu.memory_space<vmem>>, %arg9: memref<96xi32, #tpu.memory_space<vmem>>, %arg10: memref<96xi32, #tpu.memory_space<vmem>>, %arg11: memref<96xi32, #tpu.memory_space<vmem>>, %arg12: memref<96xi32, #tpu.memory_space<vmem>>, %arg13: memref<96xi32, #tpu.memory_space<vmem>>, %arg14: memref<96xi32, #tpu.memory_space<vmem>>, %arg15: memref<96xi32, #tpu.memory_space<vmem>>, %arg16: memref<96xi32, #tpu.memory_space<vmem>>, %arg17: memref<96xi32, #tpu.memory_space<vmem>>, %arg18: memref<96xi32, #tpu.memory_space<vmem>>, %arg19: memref<96x128xf32, #tpu.memory_space<vmem>>, %arg20: memref<96x128xf32, #tpu.memory_space<vmem>>, %arg21: memref<96x128xf32, #tpu.memory_space<vmem>>, %arg22: memref<10240x128xf32, #tpu.memory_space<vmem_shared>>, %arg23: memref<!tpu.dma_semaphore, #tpu.memory_space<semaphore_mem>>, %arg24: memref<!tpu.dma_semaphore, #tpu.memory_space<semaphore_mem>>, %arg25: memref<!tpu.dma_semaphore, #tpu.memory_space<semaphore_mem>>, %arg26: memref<!tpu.dma_semaphore, #tpu.memory_space<semaphore_mem>>, %arg27: memref<!tpu.dma_semaphore, #tpu.memory_space<semaphore_mem>>, %arg28: memref<!tpu.dma_semaphore, #tpu.memory_space<semaphore_mem>>, %arg29: memref<!tpu.dma_semaphore, #tpu.memory_space<semaphore_mem>>, %arg30: memref<!tpu.dma_semaphore, #tpu.memory_space<semaphore_mem>>, %arg31: memref<!tpu.dma_semaphore, #tpu.memory_space<semaphore_mem>>, %arg32: memref<!tpu.dma_semaphore, #tpu.memory_space<semaphore_mem>>, %arg33: memref<!tpu.dma_semaphore, #tpu.memory_space<semaphore_mem>>, %arg34: memref<!tpu.dma_semaphore, #tpu.memory_space<semaphore_mem>>) attributes {dimension_semantics = [#tpu.dimension_semantics<core_parallel>, #tpu.dimension_semantics<subcore_parallel>], iteration_bounds = array<i64: 2, 16>, scalar_prefetch = 0 : i64, scratch_operands = 28 : i64, tpu.core_type = #tpu.core_type<sc_vector_subcore>, window_params = [{transform_indices = #map}, {transform_indices = #map1}, {transform_indices = #map1}, {transform_indices = #map}, {transform_indices = #map}]} {
    %mul3A = arith.constant 16 : i32
    %mul3A_0 = arith.muli %arg0, %mul3A : i32
    %add3A = arith.addi %mul3A_0, %arg1 : i32
    %mul3A_1 = arith.constant 10368 : i32
    %mul3A_2 = arith.muli %add3A, %mul3A_1 : i32
    %add3A_3 = arith.constant 0 : i32
    %add3A_4 = arith.addi %mul3A_2, %add3A_3 : i32
    %dma_start3A = tpu.memref_slice %arg3[%add3A_4] : memref<331776xi32, #tpu.memory_space<hbm>> -> memref<96xi32, #tpu.memory_space<hbm>>
    %dma_start3A_5 = tpu.memref_slice %arg3[%add3A_4] : memref<331776xi32, #tpu.memory_space<hbm>> -> memref<96xi32, #tpu.memory_space<hbm>>
    tpu.enqueue_dma source(%dma_start3A_5 : memref<96xi32, #tpu.memory_space<hbm>>) target(%arg7 : memref<96xi32, #tpu.memory_space<vmem>>) target_semaphore(%arg23 : memref<!tpu.dma_semaphore, #tpu.memory_space<semaphore_mem>>)
    %add3A_6 = arith.constant 0 : i32
    %add3A_7 = arith.addi %mul3A_2, %add3A_6 : i32
    %dma_start3A_8 = tpu.memref_slice %arg4[%add3A_7] : memref<331776xi32, #tpu.memory_space<hbm>> -> memref<96xi32, #tpu.memory_space<hbm>>
    %dma_start3A_9 = tpu.memref_slice %arg4[%add3A_7] : memref<331776xi32, #tpu.memory_space<hbm>> -> memref<96xi32, #tpu.memory_space<hbm>>
    tpu.enqueue_dma source(%dma_start3A_9 : memref<96xi32, #tpu.memory_space<hbm>>) target(%arg13 : memref<96xi32, #tpu.memory_space<vmem>>) target_semaphore(%arg23 : memref<!tpu.dma_semaphore, #tpu.memory_space<semaphore_mem>>)
    %add3A_10 = arith.constant 96 : i32
    %add3A_11 = arith.addi %mul3A_2, %add3A_10 : i32
    %dma_start3A_12 = tpu.memref_slice %arg3[%add3A_11] : memref<331776xi32, #tpu.memory_space<hbm>> -> memref<96xi32, #tpu.memory_space<hbm>>
    %dma_start3A_13 = tpu.memref_slice %arg3[%add3A_11] : memref<331776xi32, #tpu.memory_space<hbm>> -> memref<96xi32, #tpu.memory_space<hbm>>
    tpu.enqueue_dma source(%dma_start3A_13 : memref<96xi32, #tpu.memory_space<hbm>>) target(%arg8 : memref<96xi32, #tpu.memory_space<vmem>>) target_semaphore(%arg24 : memref<!tpu.dma_semaphore, #tpu.memory_space<semaphore_mem>>)
    %add3A_14 = arith.constant 96 : i32
    %add3A_15 = arith.addi %mul3A_2, %add3A_14 : i32
    %dma_start3A_16 = tpu.memref_slice %arg4[%add3A_15] : memref<331776xi32, #tpu.memory_space<hbm>> -> memref<96xi32, #tpu.memory_space<hbm>>
    %dma_start3A_17 = tpu.memref_slice %arg4[%add3A_15] : memref<331776xi32, #tpu.memory_space<hbm>> -> memref<96xi32, #tpu.memory_space<hbm>>
    tpu.enqueue_dma source(%dma_start3A_17 : memref<96xi32, #tpu.memory_space<hbm>>) target(%arg14 : memref<96xi32, #tpu.memory_space<vmem>>) target_semaphore(%arg24 : memref<!tpu.dma_semaphore, #tpu.memory_space<semaphore_mem>>)
    %add3A_18 = arith.constant 192 : i32
    %add3A_19 = arith.addi %mul3A_2, %add3A_18 : i32
    %dma_start3A_20 = tpu.memref_slice %arg3[%add3A_19] : memref<331776xi32, #tpu.memory_space<hbm>> -> memref<96xi32, #tpu.memory_space<hbm>>
    %dma_start3A_21 = tpu.memref_slice %arg3[%add3A_19] : memref<331776xi32, #tpu.memory_space<hbm>> -> memref<96xi32, #tpu.memory_space<hbm>>
    tpu.enqueue_dma source(%dma_start3A_21 : memref<96xi32, #tpu.memory_space<hbm>>) target(%arg9 : memref<96xi32, #tpu.memory_space<vmem>>) target_semaphore(%arg25 : memref<!tpu.dma_semaphore, #tpu.memory_space<semaphore_mem>>)
    %add3A_22 = arith.constant 192 : i32
    %add3A_23 = arith.addi %mul3A_2, %add3A_22 : i32
    %dma_start3A_24 = tpu.memref_slice %arg4[%add3A_23] : memref<331776xi32, #tpu.memory_space<hbm>> -> memref<96xi32, #tpu.memory_space<hbm>>
    %dma_start3A_25 = tpu.memref_slice %arg4[%add3A_23] : memref<331776xi32, #tpu.memory_space<hbm>> -> memref<96xi32, #tpu.memory_space<hbm>>
    tpu.enqueue_dma source(%dma_start3A_25 : memref<96xi32, #tpu.memory_space<hbm>>) target(%arg15 : memref<96xi32, #tpu.memory_space<vmem>>) target_semaphore(%arg25 : memref<!tpu.dma_semaphore, #tpu.memory_space<semaphore_mem>>)
    %add3A_26 = arith.constant 288 : i32
    %add3A_27 = arith.addi %mul3A_2, %add3A_26 : i32
    %dma_start3A_28 = tpu.memref_slice %arg3[%add3A_27] : memref<331776xi32, #tpu.memory_space<hbm>> -> memref<96xi32, #tpu.memory_space<hbm>>
    %dma_start3A_29 = tpu.memref_slice %arg3[%add3A_27] : memref<331776xi32, #tpu.memory_space<hbm>> -> memref<96xi32, #tpu.memory_space<hbm>>
    tpu.enqueue_dma source(%dma_start3A_29 : memref<96xi32, #tpu.memory_space<hbm>>) target(%arg10 : memref<96xi32, #tpu.memory_space<vmem>>) target_semaphore(%arg26 : memref<!tpu.dma_semaphore, #tpu.memory_space<semaphore_mem>>)
    %add3A_30 = arith.constant 288 : i32
    %add3A_31 = arith.addi %mul3A_2, %add3A_30 : i32
    %dma_start3A_32 = tpu.memref_slice %arg4[%add3A_31] : memref<331776xi32, #tpu.memory_space<hbm>> -> memref<96xi32, #tpu.memory_space<hbm>>
    %dma_start3A_33 = tpu.memref_slice %arg4[%add3A_31] : memref<331776xi32, #tpu.memory_space<hbm>> -> memref<96xi32, #tpu.memory_space<hbm>>
    tpu.enqueue_dma source(%dma_start3A_33 : memref<96xi32, #tpu.memory_space<hbm>>) target(%arg16 : memref<96xi32, #tpu.memory_space<vmem>>) target_semaphore(%arg26 : memref<!tpu.dma_semaphore, #tpu.memory_space<semaphore_mem>>)
    %add3A_34 = arith.constant 384 : i32
    %add3A_35 = arith.addi %mul3A_2, %add3A_34 : i32
    %dma_start3A_36 = tpu.memref_slice %arg3[%add3A_35] : memref<331776xi32, #tpu.memory_space<hbm>> -> memref<96xi32, #tpu.memory_space<hbm>>
    %dma_start3A_37 = tpu.memref_slice %arg3[%add3A_35] : memref<331776xi32, #tpu.memory_space<hbm>> -> memref<96xi32, #tpu.memory_space<hbm>>
    tpu.enqueue_dma source(%dma_start3A_37 : memref<96xi32, #tpu.memory_space<hbm>>) target(%arg11 : memref<96xi32, #tpu.memory_space<vmem>>) target_semaphore(%arg27 : memref<!tpu.dma_semaphore, #tpu.memory_space<semaphore_mem>>)
    %add3A_38 = arith.constant 384 : i32
    %add3A_39 = arith.addi %mul3A_2, %add3A_38 : i32
    %dma_start3A_40 = tpu.memref_slice %arg4[%add3A_39] : memref<331776xi32, #tpu.memory_space<hbm>> -> memref<96xi32, #tpu.memory_space<hbm>>
    %dma_start3A_41 = tpu.memref_slice %arg4[%add3A_39] : memref<331776xi32, #tpu.memory_space<hbm>> -> memref<96xi32, #tpu.memory_space<hbm>>
    tpu.enqueue_dma source(%dma_start3A_41 : memref<96xi32, #tpu.memory_space<hbm>>) target(%arg17 : memref<96xi32, #tpu.memory_space<vmem>>) target_semaphore(%arg27 : memref<!tpu.dma_semaphore, #tpu.memory_space<semaphore_mem>>)
    %mul3A_42 = arith.constant 640 : i32
    %mul3A_43 = arith.muli %arg1, %mul3A_42 : i32
    "tpu.region"() ({
      %run_scoped3A = tpu.sem_alloc : memref<!tpu.dma_semaphore, #tpu.memory_space<semaphore_mem>>
      %dma_start3A_81 = arith.constant 0 : i32
      %dma_start3A_82 = tpu.memref_slice %arg22[%mul3A_43, %dma_start3A_81] : memref<10240x128xf32, #tpu.memory_space<vmem_shared>> -> memref<640x128xf32, #tpu.memory_space<vmem_shared>>
      tpu.enqueue_dma source(%arg5 : memref<640x128xf32, #tpu.memory_space<hbm>>) target(%dma_start3A_82 : memref<640x128xf32, #tpu.memory_space<vmem_shared>>) target_semaphore(%run_scoped3A : memref<!tpu.dma_semaphore, #tpu.memory_space<semaphore_mem>>)
      %dma_wait3A_83 = arith.constant 0 : i32
      %dma_wait3A_84 = tpu.memref_slice %arg22[%mul3A_43, %dma_wait3A_83] : memref<10240x128xf32, #tpu.memory_space<vmem_shared>> -> memref<640x128xf32, #tpu.memory_space<vmem_shared>>
      tpu.wait_dma2 semaphore(%run_scoped3A : memref<!tpu.dma_semaphore, #tpu.memory_space<semaphore_mem>>) src(%arg5 : memref<640x128xf32, #tpu.memory_space<hbm>>) dst(%dma_wait3A_84 : memref<640x128xf32, #tpu.memory_space<vmem_shared>>)
      tpu.yield
    }) : () -> ()
    %barrier3A = arith.constant 0 : index
    tpu.barrier barrier_id(%barrier3A)
    %add3A_44 = arith.constant 0 : i32
    %add3A_45 = arith.addi %mul3A_2, %add3A_44 : i32
    %dma_wait3A = tpu.memref_slice %arg3[%add3A_45] : memref<331776xi32, #tpu.memory_space<hbm>> -> memref<96xi32, #tpu.memory_space<hbm>>
    %dma_wait3A_46 = tpu.memref_slice %arg3[%add3A_45] : memref<331776xi32, #tpu.memory_space<hbm>> -> memref<96xi32, #tpu.memory_space<hbm>>
    tpu.wait_dma2 semaphore(%arg23 : memref<!tpu.dma_semaphore, #tpu.memory_space<semaphore_mem>>) src(%dma_wait3A_46 : memref<96xi32, #tpu.memory_space<hbm>>) dst(%arg7 : memref<96xi32, #tpu.memory_space<vmem>>)
    %add3A_47 = arith.constant 0 : i32
    %add3A_48 = arith.addi %mul3A_2, %add3A_47 : i32
    %dma_wait3A_49 = tpu.memref_slice %arg4[%add3A_48] : memref<331776xi32, #tpu.memory_space<hbm>> -> memref<96xi32, #tpu.memory_space<hbm>>
    %dma_wait3A_50 = tpu.memref_slice %arg4[%add3A_48] : memref<331776xi32, #tpu.memory_space<hbm>> -> memref<96xi32, #tpu.memory_space<hbm>>
    tpu.wait_dma2 semaphore(%arg23 : memref<!tpu.dma_semaphore, #tpu.memory_space<semaphore_mem>>) src(%dma_wait3A_50 : memref<96xi32, #tpu.memory_space<hbm>>) dst(%arg13 : memref<96xi32, #tpu.memory_space<vmem>>)
    %dma_start3A_51 = arith.constant 0 : i32
    %dma_start3A_52 = arith.constant 0 : i32
    %dma_start3A_53 = tpu.memref_slice %arg2[%dma_start3A_51, %dma_start3A_52] : memref<10240x128xf32, #tpu.memory_space<hbm>> -> memref<10240x128xf32, #tpu.memory_space<hbm>>
    tpu.enqueue_indirect_dma source(%dma_start3A_53 : memref<10240x128xf32, #tpu.memory_space<hbm>>) target(%arg19 : memref<96x128xf32, #tpu.memory_space<vmem>>) offsets(%arg7 : memref<96xi32, #tpu.memory_space<vmem>>) semaphore(%arg29 : memref<!tpu.dma_semaphore, #tpu.memory_space<semaphore_mem>>)
    %add3A_54 = arith.constant 96 : i32
    %add3A_55 = arith.addi %mul3A_2, %add3A_54 : i32
    %dma_wait3A_56 = tpu.memref_slice %arg3[%add3A_55] : memref<331776xi32, #tpu.memory_space<hbm>> -> memref<96xi32, #tpu.memory_space<hbm>>
    %dma_wait3A_57 = tpu.memref_slice %arg3[%add3A_55] : memref<331776xi32, #tpu.memory_space<hbm>> -> memref<96xi32, #tpu.memory_space<hbm>>
    tpu.wait_dma2 semaphore(%arg24 : memref<!tpu.dma_semaphore, #tpu.memory_space<semaphore_mem>>) src(%dma_wait3A_57 : memref<96xi32, #tpu.memory_space<hbm>>) dst(%arg8 : memref<96xi32, #tpu.memory_space<vmem>>)
    %add3A_58 = arith.constant 96 : i32
    %add3A_59 = arith.addi %mul3A_2, %add3A_58 : i32
    %dma_wait3A_60 = tpu.memref_slice %arg4[%add3A_59] : memref<331776xi32, #tpu.memory_space<hbm>> -> memref<96xi32, #tpu.memory_space<hbm>>
    %dma_wait3A_61 = tpu.memref_slice %arg4[%add3A_59] : memref<331776xi32, #tpu.memory_space<hbm>> -> memref<96xi32, #tpu.memory_space<hbm>>
    tpu.wait_dma2 semaphore(%arg24 : memref<!tpu.dma_semaphore, #tpu.memory_space<semaphore_mem>>) src(%dma_wait3A_61 : memref<96xi32, #tpu.memory_space<hbm>>) dst(%arg14 : memref<96xi32, #tpu.memory_space<vmem>>)
    %dma_start3A_62 = arith.constant 0 : i32
    %dma_start3A_63 = arith.constant 0 : i32
    %dma_start3A_64 = tpu.memref_slice %arg2[%dma_start3A_62, %dma_start3A_63] : memref<10240x128xf32, #tpu.memory_space<hbm>> -> memref<10240x128xf32, #tpu.memory_space<hbm>>
    tpu.enqueue_indirect_dma source(%dma_start3A_64 : memref<10240x128xf32, #tpu.memory_space<hbm>>) target(%arg20 : memref<96x128xf32, #tpu.memory_space<vmem>>) offsets(%arg8 : memref<96xi32, #tpu.memory_space<vmem>>) semaphore(%arg30 : memref<!tpu.dma_semaphore, #tpu.memory_space<semaphore_mem>>)
    %scan3A = arith.constant 0 : i32
    %scan3A_65 = arith.constant 0 : i32
    %scan3A_66 = arith.constant 18 : i32
    %scan3A_67 = arith.addi %scan3A_65, %scan3A_66 : i32
    %scan3A_68 = arith.constant 1 : i32
    scf.for %scan3A_81 = %scan3A_65 to %scan3A_67 step %scan3A_68  : i32 {
      %mul3A_82 = arith.constant 6 : i32
      %mul3A_83 = arith.muli %mul3A_82, %scan3A_81 : i32
      %add3A_84 = arith.constant 0 : i32
      %add3A_85 = arith.addi %mul3A_83, %add3A_84 : i32
      %dma_wait3A_86 = arith.constant 0 : i32
      %dma_wait3A_87 = arith.constant 0 : i32
      %dma_wait3A_88 = tpu.memref_slice %arg2[%dma_wait3A_86, %dma_wait3A_87] : memref<10240x128xf32, #tpu.memory_space<hbm>> -> memref<10240x128xf32, #tpu.memory_space<hbm>>
      tpu.wait_indirect_dma semaphore(%arg29 : memref<!tpu.dma_semaphore, #tpu.memory_space<semaphore_mem>>) src(%dma_wait3A_88 : memref<10240x128xf32, #tpu.memory_space<hbm>>) dst(%arg19 : memref<96x128xf32, #tpu.memory_space<vmem>>)
      %dma_start3A_89 = arith.constant 0 : i32
      %dma_start3A_90 = arith.constant 0 : i32
      %dma_start3A_91 = tpu.memref_slice %arg22[%dma_start3A_89, %dma_start3A_90] : memref<10240x128xf32, #tpu.memory_space<vmem_shared>> -> memref<10240x128xf32, #tpu.memory_space<vmem_shared>>
      tpu.enqueue_indirect_dma source(%arg19 : memref<96x128xf32, #tpu.memory_space<vmem>>) target(%dma_start3A_91 : memref<10240x128xf32, #tpu.memory_space<vmem_shared>>) offsets(%arg13 : memref<96xi32, #tpu.memory_space<vmem>>) semaphore(%arg32 : memref<!tpu.dma_semaphore, #tpu.memory_space<semaphore_mem>>) {add = true}
      %ge3A = arith.constant 1 : i32
      %ge3A_92 = arith.cmpi sge, %add3A_85, %ge3A : i32
      %convert_element_type3A = arith.extui %ge3A_92 : i1 to i32
      %cond3A = arith.constant 0 : i32
      %cond3A_93 = arith.cmpi ne, %convert_element_type3A, %cond3A : i32
      scf.if %cond3A_93 {
        %dma_wait3A_252 = arith.constant 0 : i32
        %dma_wait3A_253 = arith.constant 0 : i32
        %dma_wait3A_254 = tpu.memref_slice %arg22[%dma_wait3A_252, %dma_wait3A_253] : memref<10240x128xf32, #tpu.memory_space<vmem_shared>> -> memref<10240x128xf32, #tpu.memory_space<vmem_shared>>
        tpu.wait_indirect_dma semaphore(%arg34 : memref<!tpu.dma_semaphore, #tpu.memory_space<semaphore_mem>>) src(%arg21 : memref<96x128xf32, #tpu.memory_space<vmem>>) dst(%dma_wait3A_254 : memref<10240x128xf32, #tpu.memory_space<vmem_shared>>)
      } else {
      }
      %add3A_94 = arith.constant 5 : i32
      %add3A_95 = arith.addi %add3A_85, %add3A_94 : i32
      %lt3A = arith.constant 108 : i32
      %lt3A_96 = arith.cmpi slt, %add3A_95, %lt3A : i32
      %convert_element_type3A_97 = arith.extui %lt3A_96 : i1 to i32
      %cond3A_98 = arith.constant 0 : i32
      %cond3A_99 = arith.cmpi ne, %convert_element_type3A_97, %cond3A_98 : i32
      scf.if %cond3A_99 {
        %add3A_252 = arith.constant 5 : i32
        %add3A_253 = arith.addi %add3A_85, %add3A_252 : i32
        %mul3A_254 = arith.constant 96 : i32
        %mul3A_255 = arith.muli %add3A_253, %mul3A_254 : i32
        %add3A_256 = arith.addi %mul3A_2, %mul3A_255 : i32
        %dma_start3A_257 = tpu.memref_slice %arg3[%add3A_256] : memref<331776xi32, #tpu.memory_space<hbm>> -> memref<96xi32, #tpu.memory_space<hbm>>
        %dma_start3A_258 = tpu.memref_slice %arg3[%add3A_256] : memref<331776xi32, #tpu.memory_space<hbm>> -> memref<96xi32, #tpu.memory_space<hbm>>
        tpu.enqueue_dma source(%dma_start3A_258 : memref<96xi32, #tpu.memory_space<hbm>>) target(%arg12 : memref<96xi32, #tpu.memory_space<vmem>>) target_semaphore(%arg28 : memref<!tpu.dma_semaphore, #tpu.memory_space<semaphore_mem>>)
        %mul3A_259 = arith.constant 96 : i32
        %mul3A_260 = arith.muli %add3A_253, %mul3A_259 : i32
        %add3A_261 = arith.addi %mul3A_2, %mul3A_260 : i32
        %dma_start3A_262 = tpu.memref_slice %arg4[%add3A_261] : memref<331776xi32, #tpu.memory_space<hbm>> -> memref<96xi32, #tpu.memory_space<hbm>>
        %dma_start3A_263 = tpu.memref_slice %arg4[%add3A_261] : memref<331776xi32, #tpu.memory_space<hbm>> -> memref<96xi32, #tpu.memory_space<hbm>>
        tpu.enqueue_dma source(%dma_start3A_263 : memref<96xi32, #tpu.memory_space<hbm>>) target(%arg18 : memref<96xi32, #tpu.memory_space<vmem>>) target_semaphore(%arg28 : memref<!tpu.dma_semaphore, #tpu.memory_space<semaphore_mem>>)
      } else {
      }
      %add3A_100 = arith.constant 2 : i32
      %add3A_101 = arith.addi %add3A_85, %add3A_100 : i32
      %lt3A_102 = arith.constant 108 : i32
      %lt3A_103 = arith.cmpi slt, %add3A_101, %lt3A_102 : i32
      %convert_element_type3A_104 = arith.extui %lt3A_103 : i1 to i32
      %cond3A_105 = arith.constant 0 : i32
      %cond3A_106 = arith.cmpi ne, %convert_element_type3A_104, %cond3A_105 : i32
      scf.if %cond3A_106 {
        %add3A_252 = arith.constant 2 : i32
        %add3A_253 = arith.addi %add3A_85, %add3A_252 : i32
        %mul3A_254 = arith.constant 96 : i32
        %mul3A_255 = arith.muli %add3A_253, %mul3A_254 : i32
        %add3A_256 = arith.addi %mul3A_2, %mul3A_255 : i32
        %dma_wait3A_257 = tpu.memref_slice %arg3[%add3A_256] : memref<331776xi32, #tpu.memory_space<hbm>> -> memref<96xi32, #tpu.memory_space<hbm>>
        %dma_wait3A_258 = tpu.memref_slice %arg3[%add3A_256] : memref<331776xi32, #tpu.memory_space<hbm>> -> memref<96xi32, #tpu.memory_space<hbm>>
        tpu.wait_dma2 semaphore(%arg25 : memref<!tpu.dma_semaphore, #tpu.memory_space<semaphore_mem>>) src(%dma_wait3A_258 : memref<96xi32, #tpu.memory_space<hbm>>) dst(%arg9 : memref<96xi32, #tpu.memory_space<vmem>>)
        %mul3A_259 = arith.constant 96 : i32
        %mul3A_260 = arith.muli %add3A_253, %mul3A_259 : i32
        %add3A_261 = arith.addi %mul3A_2, %mul3A_260 : i32
        %dma_wait3A_262 = tpu.memref_slice %arg4[%add3A_261] : memref<331776xi32, #tpu.memory_space<hbm>> -> memref<96xi32, #tpu.memory_space<hbm>>
        %dma_wait3A_263 = tpu.memref_slice %arg4[%add3A_261] : memref<331776xi32, #tpu.memory_space<hbm>> -> memref<96xi32, #tpu.memory_space<hbm>>
        tpu.wait_dma2 semaphore(%arg25 : memref<!tpu.dma_semaphore, #tpu.memory_space<semaphore_mem>>) src(%dma_wait3A_263 : memref<96xi32, #tpu.memory_space<hbm>>) dst(%arg15 : memref<96xi32, #tpu.memory_space<vmem>>)
        %dma_start3A_264 = arith.constant 0 : i32
        %dma_start3A_265 = arith.constant 0 : i32
        %dma_start3A_266 = tpu.memref_slice %arg2[%dma_start3A_264, %dma_start3A_265] : memref<10240x128xf32, #tpu.memory_space<hbm>> -> memref<10240x128xf32, #tpu.memory_space<hbm>>
        tpu.enqueue_indirect_dma source(%dma_start3A_266 : memref<10240x128xf32, #tpu.memory_space<hbm>>) target(%arg21 : memref<96x128xf32, #tpu.memory_space<vmem>>) offsets(%arg9 : memref<96xi32, #tpu.memory_space<vmem>>) semaphore(%arg31 : memref<!tpu.dma_semaphore, #tpu.memory_space<semaphore_mem>>)
      } else {
      }
      %mul3A_107 = arith.constant 6 : i32
      %mul3A_108 = arith.muli %mul3A_107, %scan3A_81 : i32
      %add3A_109 = arith.constant 1 : i32
      %add3A_110 = arith.addi %mul3A_108, %add3A_109 : i32
      %dma_wait3A_111 = arith.constant 0 : i32
      %dma_wait3A_112 = arith.constant 0 : i32
      %dma_wait3A_113 = tpu.memref_slice %arg2[%dma_wait3A_111, %dma_wait3A_112] : memref<10240x128xf32, #tpu.memory_space<hbm>> -> memref<10240x128xf32, #tpu.memory_space<hbm>>
      tpu.wait_indirect_dma semaphore(%arg30 : memref<!tpu.dma_semaphore, #tpu.memory_space<semaphore_mem>>) src(%dma_wait3A_113 : memref<10240x128xf32, #tpu.memory_space<hbm>>) dst(%arg20 : memref<96x128xf32, #tpu.memory_space<vmem>>)
      %dma_start3A_114 = arith.constant 0 : i32
      %dma_start3A_115 = arith.constant 0 : i32
      %dma_start3A_116 = tpu.memref_slice %arg22[%dma_start3A_114, %dma_start3A_115] : memref<10240x128xf32, #tpu.memory_space<vmem_shared>> -> memref<10240x128xf32, #tpu.memory_space<vmem_shared>>
      tpu.enqueue_indirect_dma source(%arg20 : memref<96x128xf32, #tpu.memory_space<vmem>>) target(%dma_start3A_116 : memref<10240x128xf32, #tpu.memory_space<vmem_shared>>) offsets(%arg14 : memref<96xi32, #tpu.memory_space<vmem>>) semaphore(%arg33 : memref<!tpu.dma_semaphore, #tpu.memory_space<semaphore_mem>>) {add = true}
      %ge3A_117 = arith.constant 1 : i32
      %ge3A_118 = arith.cmpi sge, %add3A_110, %ge3A_117 : i32
      %convert_element_type3A_119 = arith.extui %ge3A_118 : i1 to i32
      %cond3A_120 = arith.constant 0 : i32
      %cond3A_121 = arith.cmpi ne, %convert_element_type3A_119, %cond3A_120 : i32
      scf.if %cond3A_121 {
        %dma_wait3A_252 = arith.constant 0 : i32
        %dma_wait3A_253 = arith.constant 0 : i32
        %dma_wait3A_254 = tpu.memref_slice %arg22[%dma_wait3A_252, %dma_wait3A_253] : memref<10240x128xf32, #tpu.memory_space<vmem_shared>> -> memref<10240x128xf32, #tpu.memory_space<vmem_shared>>
        tpu.wait_indirect_dma semaphore(%arg32 : memref<!tpu.dma_semaphore, #tpu.memory_space<semaphore_mem>>) src(%arg19 : memref<96x128xf32, #tpu.memory_space<vmem>>) dst(%dma_wait3A_254 : memref<10240x128xf32, #tpu.memory_space<vmem_shared>>)
      } else {
      }
      %add3A_122 = arith.constant 5 : i32
      %add3A_123 = arith.addi %add3A_110, %add3A_122 : i32
      %lt3A_124 = arith.constant 108 : i32
      %lt3A_125 = arith.cmpi slt, %add3A_123, %lt3A_124 : i32
      %convert_element_type3A_126 = arith.extui %lt3A_125 : i1 to i32
      %cond3A_127 = arith.constant 0 : i32
      %cond3A_128 = arith.cmpi ne, %convert_element_type3A_126, %cond3A_127 : i32
      scf.if %cond3A_128 {
        %add3A_252 = arith.constant 5 : i32
        %add3A_253 = arith.addi %add3A_110, %add3A_252 : i32
        %mul3A_254 = arith.constant 96 : i32
        %mul3A_255 = arith.muli %add3A_253, %mul3A_254 : i32
        %add3A_256 = arith.addi %mul3A_2, %mul3A_255 : i32
        %dma_start3A_257 = tpu.memref_slice %arg3[%add3A_256] : memref<331776xi32, #tpu.memory_space<hbm>> -> memref<96xi32, #tpu.memory_space<hbm>>
        %dma_start3A_258 = tpu.memref_slice %arg3[%add3A_256] : memref<331776xi32, #tpu.memory_space<hbm>> -> memref<96xi32, #tpu.memory_space<hbm>>
        tpu.enqueue_dma source(%dma_start3A_258 : memref<96xi32, #tpu.memory_space<hbm>>) target(%arg7 : memref<96xi32, #tpu.memory_space<vmem>>) target_semaphore(%arg23 : memref<!tpu.dma_semaphore, #tpu.memory_space<semaphore_mem>>)
        %mul3A_259 = arith.constant 96 : i32
        %mul3A_260 = arith.muli %add3A_253, %mul3A_259 : i32
        %add3A_261 = arith.addi %mul3A_2, %mul3A_260 : i32
        %dma_start3A_262 = tpu.memref_slice %arg4[%add3A_261] : memref<331776xi32, #tpu.memory_space<hbm>> -> memref<96xi32, #tpu.memory_space<hbm>>
        %dma_start3A_263 = tpu.memref_slice %arg4[%add3A_261] : memref<331776xi32, #tpu.memory_space<hbm>> -> memref<96xi32, #tpu.memory_space<hbm>>
        tpu.enqueue_dma source(%dma_start3A_263 : memref<96xi32, #tpu.memory_space<hbm>>) target(%arg13 : memref<96xi32, #tpu.memory_space<vmem>>) target_semaphore(%arg23 : memref<!tpu.dma_semaphore, #tpu.memory_space<semaphore_mem>>)
      } else {
      }
      %add3A_129 = arith.constant 2 : i32
      %add3A_130 = arith.addi %add3A_110, %add3A_129 : i32
      %lt3A_131 = arith.constant 108 : i32
      %lt3A_132 = arith.cmpi slt, %add3A_130, %lt3A_131 : i32
      %convert_element_type3A_133 = arith.extui %lt3A_132 : i1 to i32
      %cond3A_134 = arith.constant 0 : i32
      %cond3A_135 = arith.cmpi ne, %convert_element_type3A_133, %cond3A_134 : i32
      scf.if %cond3A_135 {
        %add3A_252 = arith.constant 2 : i32
        %add3A_253 = arith.addi %add3A_110, %add3A_252 : i32
        %mul3A_254 = arith.constant 96 : i32
        %mul3A_255 = arith.muli %add3A_253, %mul3A_254 : i32
        %add3A_256 = arith.addi %mul3A_2, %mul3A_255 : i32
        %dma_wait3A_257 = tpu.memref_slice %arg3[%add3A_256] : memref<331776xi32, #tpu.memory_space<hbm>> -> memref<96xi32, #tpu.memory_space<hbm>>
        %dma_wait3A_258 = tpu.memref_slice %arg3[%add3A_256] : memref<331776xi32, #tpu.memory_space<hbm>> -> memref<96xi32, #tpu.memory_space<hbm>>
        tpu.wait_dma2 semaphore(%arg26 : memref<!tpu.dma_semaphore, #tpu.memory_space<semaphore_mem>>) src(%dma_wait3A_258 : memref<96xi32, #tpu.memory_space<hbm>>) dst(%arg10 : memref<96xi32, #tpu.memory_space<vmem>>)
        %mul3A_259 = arith.constant 96 : i32
        %mul3A_260 = arith.muli %add3A_253, %mul3A_259 : i32
        %add3A_261 = arith.addi %mul3A_2, %mul3A_260 : i32
        %dma_wait3A_262 = tpu.memref_slice %arg4[%add3A_261] : memref<331776xi32, #tpu.memory_space<hbm>> -> memref<96xi32, #tpu.memory_space<hbm>>
        %dma_wait3A_263 = tpu.memref_slice %arg4[%add3A_261] : memref<331776xi32, #tpu.memory_space<hbm>> -> memref<96xi32, #tpu.memory_space<hbm>>
        tpu.wait_dma2 semaphore(%arg26 : memref<!tpu.dma_semaphore, #tpu.memory_space<semaphore_mem>>) src(%dma_wait3A_263 : memref<96xi32, #tpu.memory_space<hbm>>) dst(%arg16 : memref<96xi32, #tpu.memory_space<vmem>>)
        %dma_start3A_264 = arith.constant 0 : i32
        %dma_start3A_265 = arith.constant 0 : i32
        %dma_start3A_266 = tpu.memref_slice %arg2[%dma_start3A_264, %dma_start3A_265] : memref<10240x128xf32, #tpu.memory_space<hbm>> -> memref<10240x128xf32, #tpu.memory_space<hbm>>
        tpu.enqueue_indirect_dma source(%dma_start3A_266 : memref<10240x128xf32, #tpu.memory_space<hbm>>) target(%arg19 : memref<96x128xf32, #tpu.memory_space<vmem>>) offsets(%arg10 : memref<96xi32, #tpu.memory_space<vmem>>) semaphore(%arg29 : memref<!tpu.dma_semaphore, #tpu.memory_space<semaphore_mem>>)
      } else {
      }
      %mul3A_136 = arith.constant 6 : i32
      %mul3A_137 = arith.muli %mul3A_136, %scan3A_81 : i32
      %add3A_138 = arith.constant 2 : i32
      %add3A_139 = arith.addi %mul3A_137, %add3A_138 : i32
      %dma_wait3A_140 = arith.constant 0 : i32
      %dma_wait3A_141 = arith.constant 0 : i32
      %dma_wait3A_142 = tpu.memref_slice %arg2[%dma_wait3A_140, %dma_wait3A_141] : memref<10240x128xf32, #tpu.memory_space<hbm>> -> memref<10240x128xf32, #tpu.memory_space<hbm>>
      tpu.wait_indirect_dma semaphore(%arg31 : memref<!tpu.dma_semaphore, #tpu.memory_space<semaphore_mem>>) src(%dma_wait3A_142 : memref<10240x128xf32, #tpu.memory_space<hbm>>) dst(%arg21 : memref<96x128xf32, #tpu.memory_space<vmem>>)
      %dma_start3A_143 = arith.constant 0 : i32
      %dma_start3A_144 = arith.constant 0 : i32
      %dma_start3A_145 = tpu.memref_slice %arg22[%dma_start3A_143, %dma_start3A_144] : memref<10240x128xf32, #tpu.memory_space<vmem_shared>> -> memref<10240x128xf32, #tpu.memory_space<vmem_shared>>
      tpu.enqueue_indirect_dma source(%arg21 : memref<96x128xf32, #tpu.memory_space<vmem>>) target(%dma_start3A_145 : memref<10240x128xf32, #tpu.memory_space<vmem_shared>>) offsets(%arg15 : memref<96xi32, #tpu.memory_space<vmem>>) semaphore(%arg34 : memref<!tpu.dma_semaphore, #tpu.memory_space<semaphore_mem>>) {add = true}
      %ge3A_146 = arith.constant 1 : i32
      %ge3A_147 = arith.cmpi sge, %add3A_139, %ge3A_146 : i32
      %convert_element_type3A_148 = arith.extui %ge3A_147 : i1 to i32
      %cond3A_149 = arith.constant 0 : i32
      %cond3A_150 = arith.cmpi ne, %convert_element_type3A_148, %cond3A_149 : i32
      scf.if %cond3A_150 {
        %dma_wait3A_252 = arith.constant 0 : i32
        %dma_wait3A_253 = arith.constant 0 : i32
        %dma_wait3A_254 = tpu.memref_slice %arg22[%dma_wait3A_252, %dma_wait3A_253] : memref<10240x128xf32, #tpu.memory_space<vmem_shared>> -> memref<10240x128xf32, #tpu.memory_space<vmem_shared>>
        tpu.wait_indirect_dma semaphore(%arg33 : memref<!tpu.dma_semaphore, #tpu.memory_space<semaphore_mem>>) src(%arg20 : memref<96x128xf32, #tpu.memory_space<vmem>>) dst(%dma_wait3A_254 : memref<10240x128xf32, #tpu.memory_space<vmem_shared>>)
      } else {
      }
      %add3A_151 = arith.constant 5 : i32
      %add3A_152 = arith.addi %add3A_139, %add3A_151 : i32
      %lt3A_153 = arith.constant 108 : i32
      %lt3A_154 = arith.cmpi slt, %add3A_152, %lt3A_153 : i32
      %convert_element_type3A_155 = arith.extui %lt3A_154 : i1 to i32
      %cond3A_156 = arith.constant 0 : i32
      %cond3A_157 = arith.cmpi ne, %convert_element_type3A_155, %cond3A_156 : i32
      scf.if %cond3A_157 {
        %add3A_252 = arith.constant 5 : i32
        %add3A_253 = arith.addi %add3A_139, %add3A_252 : i32
        %mul3A_254 = arith.constant 96 : i32
        %mul3A_255 = arith.muli %add3A_253, %mul3A_254 : i32
        %add3A_256 = arith.addi %mul3A_2, %mul3A_255 : i32
        %dma_start3A_257 = tpu.memref_slice %arg3[%add3A_256] : memref<331776xi32, #tpu.memory_space<hbm>> -> memref<96xi32, #tpu.memory_space<hbm>>
        %dma_start3A_258 = tpu.memref_slice %arg3[%add3A_256] : memref<331776xi32, #tpu.memory_space<hbm>> -> memref<96xi32, #tpu.memory_space<hbm>>
        tpu.enqueue_dma source(%dma_start3A_258 : memref<96xi32, #tpu.memory_space<hbm>>) target(%arg8 : memref<96xi32, #tpu.memory_space<vmem>>) target_semaphore(%arg24 : memref<!tpu.dma_semaphore, #tpu.memory_space<semaphore_mem>>)
        %mul3A_259 = arith.constant 96 : i32
        %mul3A_260 = arith.muli %add3A_253, %mul3A_259 : i32
        %add3A_261 = arith.addi %mul3A_2, %mul3A_260 : i32
        %dma_start3A_262 = tpu.memref_slice %arg4[%add3A_261] : memref<331776xi32, #tpu.memory_space<hbm>> -> memref<96xi32, #tpu.memory_space<hbm>>
        %dma_start3A_263 = tpu.memref_slice %arg4[%add3A_261] : memref<331776xi32, #tpu.memory_space<hbm>> -> memref<96xi32, #tpu.memory_space<hbm>>
        tpu.enqueue_dma source(%dma_start3A_263 : memref<96xi32, #tpu.memory_space<hbm>>) target(%arg14 : memref<96xi32, #tpu.memory_space<vmem>>) target_semaphore(%arg24 : memref<!tpu.dma_semaphore, #tpu.memory_space<semaphore_mem>>)
      } else {
      }
      %add3A_158 = arith.constant 2 : i32
      %add3A_159 = arith.addi %add3A_139, %add3A_158 : i32
      %lt3A_160 = arith.constant 108 : i32
      %lt3A_161 = arith.cmpi slt, %add3A_159, %lt3A_160 : i32
      %convert_element_type3A_162 = arith.extui %lt3A_161 : i1 to i32
      %cond3A_163 = arith.constant 0 : i32
      %cond3A_164 = arith.cmpi ne, %convert_element_type3A_162, %cond3A_163 : i32
      scf.if %cond3A_164 {
        %add3A_252 = arith.constant 2 : i32
        %add3A_253 = arith.addi %add3A_139, %add3A_252 : i32
        %mul3A_254 = arith.constant 96 : i32
        %mul3A_255 = arith.muli %add3A_253, %mul3A_254 : i32
        %add3A_256 = arith.addi %mul3A_2, %mul3A_255 : i32
        %dma_wait3A_257 = tpu.memref_slice %arg3[%add3A_256] : memref<331776xi32, #tpu.memory_space<hbm>> -> memref<96xi32, #tpu.memory_space<hbm>>
        %dma_wait3A_258 = tpu.memref_slice %arg3[%add3A_256] : memref<331776xi32, #tpu.memory_space<hbm>> -> memref<96xi32, #tpu.memory_space<hbm>>
        tpu.wait_dma2 semaphore(%arg27 : memref<!tpu.dma_semaphore, #tpu.memory_space<semaphore_mem>>) src(%dma_wait3A_258 : memref<96xi32, #tpu.memory_space<hbm>>) dst(%arg11 : memref<96xi32, #tpu.memory_space<vmem>>)
        %mul3A_259 = arith.constant 96 : i32
        %mul3A_260 = arith.muli %add3A_253, %mul3A_259 : i32
        %add3A_261 = arith.addi %mul3A_2, %mul3A_260 : i32
        %dma_wait3A_262 = tpu.memref_slice %arg4[%add3A_261] : memref<331776xi32, #tpu.memory_space<hbm>> -> memref<96xi32, #tpu.memory_space<hbm>>
        %dma_wait3A_263 = tpu.memref_slice %arg4[%add3A_261] : memref<331776xi32, #tpu.memory_space<hbm>> -> memref<96xi32, #tpu.memory_space<hbm>>
        tpu.wait_dma2 semaphore(%arg27 : memref<!tpu.dma_semaphore, #tpu.memory_space<semaphore_mem>>) src(%dma_wait3A_263 : memref<96xi32, #tpu.memory_space<hbm>>) dst(%arg17 : memref<96xi32, #tpu.memory_space<vmem>>)
        %dma_start3A_264 = arith.constant 0 : i32
        %dma_start3A_265 = arith.constant 0 : i32
        %dma_start3A_266 = tpu.memref_slice %arg2[%dma_start3A_264, %dma_start3A_265] : memref<10240x128xf32, #tpu.memory_space<hbm>> -> memref<10240x128xf32, #tpu.memory_space<hbm>>
        tpu.enqueue_indirect_dma source(%dma_start3A_266 : memref<10240x128xf32, #tpu.memory_space<hbm>>) target(%arg20 : memref<96x128xf32, #tpu.memory_space<vmem>>) offsets(%arg11 : memref<96xi32, #tpu.memory_space<vmem>>) semaphore(%arg30 : memref<!tpu.dma_semaphore, #tpu.memory_space<semaphore_mem>>)
      } else {
      }
      %mul3A_165 = arith.constant 6 : i32
      %mul3A_166 = arith.muli %mul3A_165, %scan3A_81 : i32
      %add3A_167 = arith.constant 3 : i32
      %add3A_168 = arith.addi %mul3A_166, %add3A_167 : i32
      %dma_wait3A_169 = arith.constant 0 : i32
      %dma_wait3A_170 = arith.constant 0 : i32
      %dma_wait3A_171 = tpu.memref_slice %arg2[%dma_wait3A_169, %dma_wait3A_170] : memref<10240x128xf32, #tpu.memory_space<hbm>> -> memref<10240x128xf32, #tpu.memory_space<hbm>>
      tpu.wait_indirect_dma semaphore(%arg29 : memref<!tpu.dma_semaphore, #tpu.memory_space<semaphore_mem>>) src(%dma_wait3A_171 : memref<10240x128xf32, #tpu.memory_space<hbm>>) dst(%arg19 : memref<96x128xf32, #tpu.memory_space<vmem>>)
      %dma_start3A_172 = arith.constant 0 : i32
      %dma_start3A_173 = arith.constant 0 : i32
      %dma_start3A_174 = tpu.memref_slice %arg22[%dma_start3A_172, %dma_start3A_173] : memref<10240x128xf32, #tpu.memory_space<vmem_shared>> -> memref<10240x128xf32, #tpu.memory_space<vmem_shared>>
      tpu.enqueue_indirect_dma source(%arg19 : memref<96x128xf32, #tpu.memory_space<vmem>>) target(%dma_start3A_174 : memref<10240x128xf32, #tpu.memory_space<vmem_shared>>) offsets(%arg16 : memref<96xi32, #tpu.memory_space<vmem>>) semaphore(%arg32 : memref<!tpu.dma_semaphore, #tpu.memory_space<semaphore_mem>>) {add = true}
      %ge3A_175 = arith.constant 1 : i32
      %ge3A_176 = arith.cmpi sge, %add3A_168, %ge3A_175 : i32
      %convert_element_type3A_177 = arith.extui %ge3A_176 : i1 to i32
      %cond3A_178 = arith.constant 0 : i32
      %cond3A_179 = arith.cmpi ne, %convert_element_type3A_177, %cond3A_178 : i32
      scf.if %cond3A_179 {
        %dma_wait3A_252 = arith.constant 0 : i32
        %dma_wait3A_253 = arith.constant 0 : i32
        %dma_wait3A_254 = tpu.memref_slice %arg22[%dma_wait3A_252, %dma_wait3A_253] : memref<10240x128xf32, #tpu.memory_space<vmem_shared>> -> memref<10240x128xf32, #tpu.memory_space<vmem_shared>>
        tpu.wait_indirect_dma semaphore(%arg34 : memref<!tpu.dma_semaphore, #tpu.memory_space<semaphore_mem>>) src(%arg21 : memref<96x128xf32, #tpu.memory_space<vmem>>) dst(%dma_wait3A_254 : memref<10240x128xf32, #tpu.memory_space<vmem_shared>>)
      } else {
      }
      %add3A_180 = arith.constant 5 : i32
      %add3A_181 = arith.addi %add3A_168, %add3A_180 : i32
      %lt3A_182 = arith.constant 108 : i32
      %lt3A_183 = arith.cmpi slt, %add3A_181, %lt3A_182 : i32
      %convert_element_type3A_184 = arith.extui %lt3A_183 : i1 to i32
      %cond3A_185 = arith.constant 0 : i32
      %cond3A_186 = arith.cmpi ne, %convert_element_type3A_184, %cond3A_185 : i32
      scf.if %cond3A_186 {
        %add3A_252 = arith.constant 5 : i32
        %add3A_253 = arith.addi %add3A_168, %add3A_252 : i32
        %mul3A_254 = arith.constant 96 : i32
        %mul3A_255 = arith.muli %add3A_253, %mul3A_254 : i32
        %add3A_256 = arith.addi %mul3A_2, %mul3A_255 : i32
        %dma_start3A_257 = tpu.memref_slice %arg3[%add3A_256] : memref<331776xi32, #tpu.memory_space<hbm>> -> memref<96xi32, #tpu.memory_space<hbm>>
        %dma_start3A_258 = tpu.memref_slice %arg3[%add3A_256] : memref<331776xi32, #tpu.memory_space<hbm>> -> memref<96xi32, #tpu.memory_space<hbm>>
        tpu.enqueue_dma source(%dma_start3A_258 : memref<96xi32, #tpu.memory_space<hbm>>) target(%arg9 : memref<96xi32, #tpu.memory_space<vmem>>) target_semaphore(%arg25 : memref<!tpu.dma_semaphore, #tpu.memory_space<semaphore_mem>>)
        %mul3A_259 = arith.constant 96 : i32
        %mul3A_260 = arith.muli %add3A_253, %mul3A_259 : i32
        %add3A_261 = arith.addi %mul3A_2, %mul3A_260 : i32
        %dma_start3A_262 = tpu.memref_slice %arg4[%add3A_261] : memref<331776xi32, #tpu.memory_space<hbm>> -> memref<96xi32, #tpu.memory_space<hbm>>
        %dma_start3A_263 = tpu.memref_slice %arg4[%add3A_261] : memref<331776xi32, #tpu.memory_space<hbm>> -> memref<96xi32, #tpu.memory_space<hbm>>
        tpu.enqueue_dma source(%dma_start3A_263 : memref<96xi32, #tpu.memory_space<hbm>>) target(%arg15 : memref<96xi32, #tpu.memory_space<vmem>>) target_semaphore(%arg25 : memref<!tpu.dma_semaphore, #tpu.memory_space<semaphore_mem>>)
      } else {
      }
      %add3A_187 = arith.constant 2 : i32
      %add3A_188 = arith.addi %add3A_168, %add3A_187 : i32
      %lt3A_189 = arith.constant 108 : i32
      %lt3A_190 = arith.cmpi slt, %add3A_188, %lt3A_189 : i32
      %convert_element_type3A_191 = arith.extui %lt3A_190 : i1 to i32
      %cond3A_192 = arith.constant 0 : i32
      %cond3A_193 = arith.cmpi ne, %convert_element_type3A_191, %cond3A_192 : i32
      scf.if %cond3A_193 {
        %add3A_252 = arith.constant 2 : i32
        %add3A_253 = arith.addi %add3A_168, %add3A_252 : i32
        %mul3A_254 = arith.constant 96 : i32
        %mul3A_255 = arith.muli %add3A_253, %mul3A_254 : i32
        %add3A_256 = arith.addi %mul3A_2, %mul3A_255 : i32
        %dma_wait3A_257 = tpu.memref_slice %arg3[%add3A_256] : memref<331776xi32, #tpu.memory_space<hbm>> -> memref<96xi32, #tpu.memory_space<hbm>>
        %dma_wait3A_258 = tpu.memref_slice %arg3[%add3A_256] : memref<331776xi32, #tpu.memory_space<hbm>> -> memref<96xi32, #tpu.memory_space<hbm>>
        tpu.wait_dma2 semaphore(%arg28 : memref<!tpu.dma_semaphore, #tpu.memory_space<semaphore_mem>>) src(%dma_wait3A_258 : memref<96xi32, #tpu.memory_space<hbm>>) dst(%arg12 : memref<96xi32, #tpu.memory_space<vmem>>)
        %mul3A_259 = arith.constant 96 : i32
        %mul3A_260 = arith.muli %add3A_253, %mul3A_259 : i32
        %add3A_261 = arith.addi %mul3A_2, %mul3A_260 : i32
        %dma_wait3A_262 = tpu.memref_slice %arg4[%add3A_261] : memref<331776xi32, #tpu.memory_space<hbm>> -> memref<96xi32, #tpu.memory_space<hbm>>
        %dma_wait3A_263 = tpu.memref_slice %arg4[%add3A_261] : memref<331776xi32, #tpu.memory_space<hbm>> -> memref<96xi32, #tpu.memory_space<hbm>>
        tpu.wait_dma2 semaphore(%arg28 : memref<!tpu.dma_semaphore, #tpu.memory_space<semaphore_mem>>) src(%dma_wait3A_263 : memref<96xi32, #tpu.memory_space<hbm>>) dst(%arg18 : memref<96xi32, #tpu.memory_space<vmem>>)
        %dma_start3A_264 = arith.constant 0 : i32
        %dma_start3A_265 = arith.constant 0 : i32
        %dma_start3A_266 = tpu.memref_slice %arg2[%dma_start3A_264, %dma_start3A_265] : memref<10240x128xf32, #tpu.memory_space<hbm>> -> memref<10240x128xf32, #tpu.memory_space<hbm>>
        tpu.enqueue_indirect_dma source(%dma_start3A_266 : memref<10240x128xf32, #tpu.memory_space<hbm>>) target(%arg21 : memref<96x128xf32, #tpu.memory_space<vmem>>) offsets(%arg12 : memref<96xi32, #tpu.memory_space<vmem>>) semaphore(%arg31 : memref<!tpu.dma_semaphore, #tpu.memory_space<semaphore_mem>>)
      } else {
      }
      %mul3A_194 = arith.constant 6 : i32
      %mul3A_195 = arith.muli %mul3A_194, %scan3A_81 : i32
      %add3A_196 = arith.constant 4 : i32
      %add3A_197 = arith.addi %mul3A_195, %add3A_196 : i32
      %dma_wait3A_198 = arith.constant 0 : i32
      %dma_wait3A_199 = arith.constant 0 : i32
      %dma_wait3A_200 = tpu.memref_slice %arg2[%dma_wait3A_198, %dma_wait3A_199] : memref<10240x128xf32, #tpu.memory_space<hbm>> -> memref<10240x128xf32, #tpu.memory_space<hbm>>
      tpu.wait_indirect_dma semaphore(%arg30 : memref<!tpu.dma_semaphore, #tpu.memory_space<semaphore_mem>>) src(%dma_wait3A_200 : memref<10240x128xf32, #tpu.memory_space<hbm>>) dst(%arg20 : memref<96x128xf32, #tpu.memory_space<vmem>>)
      %dma_start3A_201 = arith.constant 0 : i32
      %dma_start3A_202 = arith.constant 0 : i32
      %dma_start3A_203 = tpu.memref_slice %arg22[%dma_start3A_201, %dma_start3A_202] : memref<10240x128xf32, #tpu.memory_space<vmem_shared>> -> memref<10240x128xf32, #tpu.memory_space<vmem_shared>>
      tpu.enqueue_indirect_dma source(%arg20 : memref<96x128xf32, #tpu.memory_space<vmem>>) target(%dma_start3A_203 : memref<10240x128xf32, #tpu.memory_space<vmem_shared>>) offsets(%arg17 : memref<96xi32, #tpu.memory_space<vmem>>) semaphore(%arg33 : memref<!tpu.dma_semaphore, #tpu.memory_space<semaphore_mem>>) {add = true}
      %ge3A_204 = arith.constant 1 : i32
      %ge3A_205 = arith.cmpi sge, %add3A_197, %ge3A_204 : i32
      %convert_element_type3A_206 = arith.extui %ge3A_205 : i1 to i32
      %cond3A_207 = arith.constant 0 : i32
      %cond3A_208 = arith.cmpi ne, %convert_element_type3A_206, %cond3A_207 : i32
      scf.if %cond3A_208 {
        %dma_wait3A_252 = arith.constant 0 : i32
        %dma_wait3A_253 = arith.constant 0 : i32
        %dma_wait3A_254 = tpu.memref_slice %arg22[%dma_wait3A_252, %dma_wait3A_253] : memref<10240x128xf32, #tpu.memory_space<vmem_shared>> -> memref<10240x128xf32, #tpu.memory_space<vmem_shared>>
        tpu.wait_indirect_dma semaphore(%arg32 : memref<!tpu.dma_semaphore, #tpu.memory_space<semaphore_mem>>) src(%arg19 : memref<96x128xf32, #tpu.memory_space<vmem>>) dst(%dma_wait3A_254 : memref<10240x128xf32, #tpu.memory_space<vmem_shared>>)
      } else {
      }
      %add3A_209 = arith.constant 5 : i32
      %add3A_210 = arith.addi %add3A_197, %add3A_209 : i32
      %lt3A_211 = arith.constant 108 : i32
      %lt3A_212 = arith.cmpi slt, %add3A_210, %lt3A_211 : i32
      %convert_element_type3A_213 = arith.extui %lt3A_212 : i1 to i32
      %cond3A_214 = arith.constant 0 : i32
      %cond3A_215 = arith.cmpi ne, %convert_element_type3A_213, %cond3A_214 : i32
      scf.if %cond3A_215 {
        %add3A_252 = arith.constant 5 : i32
        %add3A_253 = arith.addi %add3A_197, %add3A_252 : i32
        %mul3A_254 = arith.constant 96 : i32
        %mul3A_255 = arith.muli %add3A_253, %mul3A_254 : i32
        %add3A_256 = arith.addi %mul3A_2, %mul3A_255 : i32
        %dma_start3A_257 = tpu.memref_slice %arg3[%add3A_256] : memref<331776xi32, #tpu.memory_space<hbm>> -> memref<96xi32, #tpu.memory_space<hbm>>
        %dma_start3A_258 = tpu.memref_slice %arg3[%add3A_256] : memref<331776xi32, #tpu.memory_space<hbm>> -> memref<96xi32, #tpu.memory_space<hbm>>
        tpu.enqueue_dma source(%dma_start3A_258 : memref<96xi32, #tpu.memory_space<hbm>>) target(%arg10 : memref<96xi32, #tpu.memory_space<vmem>>) target_semaphore(%arg26 : memref<!tpu.dma_semaphore, #tpu.memory_space<semaphore_mem>>)
        %mul3A_259 = arith.constant 96 : i32
        %mul3A_260 = arith.muli %add3A_253, %mul3A_259 : i32
        %add3A_261 = arith.addi %mul3A_2, %mul3A_260 : i32
        %dma_start3A_262 = tpu.memref_slice %arg4[%add3A_261] : memref<331776xi32, #tpu.memory_space<hbm>> -> memref<96xi32, #tpu.memory_space<hbm>>
        %dma_start3A_263 = tpu.memref_slice %arg4[%add3A_261] : memref<331776xi32, #tpu.memory_space<hbm>> -> memref<96xi32, #tpu.memory_space<hbm>>
        tpu.enqueue_dma source(%dma_start3A_263 : memref<96xi32, #tpu.memory_space<hbm>>) target(%arg16 : memref<96xi32, #tpu.memory_space<vmem>>) target_semaphore(%arg26 : memref<!tpu.dma_semaphore, #tpu.memory_space<semaphore_mem>>)
      } else {
      }
      %add3A_216 = arith.constant 2 : i32
      %add3A_217 = arith.addi %add3A_197, %add3A_216 : i32
      %lt3A_218 = arith.constant 108 : i32
      %lt3A_219 = arith.cmpi slt, %add3A_217, %lt3A_218 : i32
      %convert_element_type3A_220 = arith.extui %lt3A_219 : i1 to i32
      %cond3A_221 = arith.constant 0 : i32
      %cond3A_222 = arith.cmpi ne, %convert_element_type3A_220, %cond3A_221 : i32
      scf.if %cond3A_222 {
        %add3A_252 = arith.constant 2 : i32
        %add3A_253 = arith.addi %add3A_197, %add3A_252 : i32
        %mul3A_254 = arith.constant 96 : i32
        %mul3A_255 = arith.muli %add3A_253, %mul3A_254 : i32
        %add3A_256 = arith.addi %mul3A_2, %mul3A_255 : i32
        %dma_wait3A_257 = tpu.memref_slice %arg3[%add3A_256] : memref<331776xi32, #tpu.memory_space<hbm>> -> memref<96xi32, #tpu.memory_space<hbm>>
        %dma_wait3A_258 = tpu.memref_slice %arg3[%add3A_256] : memref<331776xi32, #tpu.memory_space<hbm>> -> memref<96xi32, #tpu.memory_space<hbm>>
        tpu.wait_dma2 semaphore(%arg23 : memref<!tpu.dma_semaphore, #tpu.memory_space<semaphore_mem>>) src(%dma_wait3A_258 : memref<96xi32, #tpu.memory_space<hbm>>) dst(%arg7 : memref<96xi32, #tpu.memory_space<vmem>>)
        %mul3A_259 = arith.constant 96 : i32
        %mul3A_260 = arith.muli %add3A_253, %mul3A_259 : i32
        %add3A_261 = arith.addi %mul3A_2, %mul3A_260 : i32
        %dma_wait3A_262 = tpu.memref_slice %arg4[%add3A_261] : memref<331776xi32, #tpu.memory_space<hbm>> -> memref<96xi32, #tpu.memory_space<hbm>>
        %dma_wait3A_263 = tpu.memref_slice %arg4[%add3A_261] : memref<331776xi32, #tpu.memory_space<hbm>> -> memref<96xi32, #tpu.memory_space<hbm>>
        tpu.wait_dma2 semaphore(%arg23 : memref<!tpu.dma_semaphore, #tpu.memory_space<semaphore_mem>>) src(%dma_wait3A_263 : memref<96xi32, #tpu.memory_space<hbm>>) dst(%arg13 : memref<96xi32, #tpu.memory_space<vmem>>)
        %dma_start3A_264 = arith.constant 0 : i32
        %dma_start3A_265 = arith.constant 0 : i32
        %dma_start3A_266 = tpu.memref_slice %arg2[%dma_start3A_264, %dma_start3A_265] : memref<10240x128xf32, #tpu.memory_space<hbm>> -> memref<10240x128xf32, #tpu.memory_space<hbm>>
        tpu.enqueue_indirect_dma source(%dma_start3A_266 : memref<10240x128xf32, #tpu.memory_space<hbm>>) target(%arg19 : memref<96x128xf32, #tpu.memory_space<vmem>>) offsets(%arg7 : memref<96xi32, #tpu.memory_space<vmem>>) semaphore(%arg29 : memref<!tpu.dma_semaphore, #tpu.memory_space<semaphore_mem>>)
      } else {
      }
      %mul3A_223 = arith.constant 6 : i32
      %mul3A_224 = arith.muli %mul3A_223, %scan3A_81 : i32
      %add3A_225 = arith.constant 5 : i32
      %add3A_226 = arith.addi %mul3A_224, %add3A_225 : i32
      %dma_wait3A_227 = arith.constant 0 : i32
      %dma_wait3A_228 = arith.constant 0 : i32
      %dma_wait3A_229 = tpu.memref_slice %arg2[%dma_wait3A_227, %dma_wait3A_228] : memref<10240x128xf32, #tpu.memory_space<hbm>> -> memref<10240x128xf32, #tpu.memory_space<hbm>>
      tpu.wait_indirect_dma semaphore(%arg31 : memref<!tpu.dma_semaphore, #tpu.memory_space<semaphore_mem>>) src(%dma_wait3A_229 : memref<10240x128xf32, #tpu.memory_space<hbm>>) dst(%arg21 : memref<96x128xf32, #tpu.memory_space<vmem>>)
      %dma_start3A_230 = arith.constant 0 : i32
      %dma_start3A_231 = arith.constant 0 : i32
      %dma_start3A_232 = tpu.memref_slice %arg22[%dma_start3A_230, %dma_start3A_231] : memref<10240x128xf32, #tpu.memory_space<vmem_shared>> -> memref<10240x128xf32, #tpu.memory_space<vmem_shared>>
      tpu.enqueue_indirect_dma source(%arg21 : memref<96x128xf32, #tpu.memory_space<vmem>>) target(%dma_start3A_232 : memref<10240x128xf32, #tpu.memory_space<vmem_shared>>) offsets(%arg18 : memref<96xi32, #tpu.memory_space<vmem>>) semaphore(%arg34 : memref<!tpu.dma_semaphore, #tpu.memory_space<semaphore_mem>>) {add = true}
      %ge3A_233 = arith.constant 1 : i32
      %ge3A_234 = arith.cmpi sge, %add3A_226, %ge3A_233 : i32
      %convert_element_type3A_235 = arith.extui %ge3A_234 : i1 to i32
      %cond3A_236 = arith.constant 0 : i32
      %cond3A_237 = arith.cmpi ne, %convert_element_type3A_235, %cond3A_236 : i32
      scf.if %cond3A_237 {
        %dma_wait3A_252 = arith.constant 0 : i32
        %dma_wait3A_253 = arith.constant 0 : i32
        %dma_wait3A_254 = tpu.memref_slice %arg22[%dma_wait3A_252, %dma_wait3A_253] : memref<10240x128xf32, #tpu.memory_space<vmem_shared>> -> memref<10240x128xf32, #tpu.memory_space<vmem_shared>>
        tpu.wait_indirect_dma semaphore(%arg33 : memref<!tpu.dma_semaphore, #tpu.memory_space<semaphore_mem>>) src(%arg20 : memref<96x128xf32, #tpu.memory_space<vmem>>) dst(%dma_wait3A_254 : memref<10240x128xf32, #tpu.memory_space<vmem_shared>>)
      } else {
      }
      %add3A_238 = arith.constant 5 : i32
      %add3A_239 = arith.addi %add3A_226, %add3A_238 : i32
      %lt3A_240 = arith.constant 108 : i32
      %lt3A_241 = arith.cmpi slt, %add3A_239, %lt3A_240 : i32
      %convert_element_type3A_242 = arith.extui %lt3A_241 : i1 to i32
      %cond3A_243 = arith.constant 0 : i32
      %cond3A_244 = arith.cmpi ne, %convert_element_type3A_242, %cond3A_243 : i32
      scf.if %cond3A_244 {
        %add3A_252 = arith.constant 5 : i32
        %add3A_253 = arith.addi %add3A_226, %add3A_252 : i32
        %mul3A_254 = arith.constant 96 : i32
        %mul3A_255 = arith.muli %add3A_253, %mul3A_254 : i32
        %add3A_256 = arith.addi %mul3A_2, %mul3A_255 : i32
        %dma_start3A_257 = tpu.memref_slice %arg3[%add3A_256] : memref<331776xi32, #tpu.memory_space<hbm>> -> memref<96xi32, #tpu.memory_space<hbm>>
        %dma_start3A_258 = tpu.memref_slice %arg3[%add3A_256] : memref<331776xi32, #tpu.memory_space<hbm>> -> memref<96xi32, #tpu.memory_space<hbm>>
        tpu.enqueue_dma source(%dma_start3A_258 : memref<96xi32, #tpu.memory_space<hbm>>) target(%arg11 : memref<96xi32, #tpu.memory_space<vmem>>) target_semaphore(%arg27 : memref<!tpu.dma_semaphore, #tpu.memory_space<semaphore_mem>>)
        %mul3A_259 = arith.constant 96 : i32
        %mul3A_260 = arith.muli %add3A_253, %mul3A_259 : i32
        %add3A_261 = arith.addi %mul3A_2, %mul3A_260 : i32
        %dma_start3A_262 = tpu.memref_slice %arg4[%add3A_261] : memref<331776xi32, #tpu.memory_space<hbm>> -> memref<96xi32, #tpu.memory_space<hbm>>
        %dma_start3A_263 = tpu.memref_slice %arg4[%add3A_261] : memref<331776xi32, #tpu.memory_space<hbm>> -> memref<96xi32, #tpu.memory_space<hbm>>
        tpu.enqueue_dma source(%dma_start3A_263 : memref<96xi32, #tpu.memory_space<hbm>>) target(%arg17 : memref<96xi32, #tpu.memory_space<vmem>>) target_semaphore(%arg27 : memref<!tpu.dma_semaphore, #tpu.memory_space<semaphore_mem>>)
      } else {
      }
      %add3A_245 = arith.constant 2 : i32
      %add3A_246 = arith.addi %add3A_226, %add3A_245 : i32
      %lt3A_247 = arith.constant 108 : i32
      %lt3A_248 = arith.cmpi slt, %add3A_246, %lt3A_247 : i32
      %convert_element_type3A_249 = arith.extui %lt3A_248 : i1 to i32
      %cond3A_250 = arith.constant 0 : i32
      %cond3A_251 = arith.cmpi ne, %convert_element_type3A_249, %cond3A_250 : i32
      scf.if %cond3A_251 {
        %add3A_252 = arith.constant 2 : i32
        %add3A_253 = arith.addi %add3A_226, %add3A_252 : i32
        %mul3A_254 = arith.constant 96 : i32
        %mul3A_255 = arith.muli %add3A_253, %mul3A_254 : i32
        %add3A_256 = arith.addi %mul3A_2, %mul3A_255 : i32
        %dma_wait3A_257 = tpu.memref_slice %arg3[%add3A_256] : memref<331776xi32, #tpu.memory_space<hbm>> -> memref<96xi32, #tpu.memory_space<hbm>>
        %dma_wait3A_258 = tpu.memref_slice %arg3[%add3A_256] : memref<331776xi32, #tpu.memory_space<hbm>> -> memref<96xi32, #tpu.memory_space<hbm>>
        tpu.wait_dma2 semaphore(%arg24 : memref<!tpu.dma_semaphore, #tpu.memory_space<semaphore_mem>>) src(%dma_wait3A_258 : memref<96xi32, #tpu.memory_space<hbm>>) dst(%arg8 : memref<96xi32, #tpu.memory_space<vmem>>)
        %mul3A_259 = arith.constant 96 : i32
        %mul3A_260 = arith.muli %add3A_253, %mul3A_259 : i32
        %add3A_261 = arith.addi %mul3A_2, %mul3A_260 : i32
        %dma_wait3A_262 = tpu.memref_slice %arg4[%add3A_261] : memref<331776xi32, #tpu.memory_space<hbm>> -> memref<96xi32, #tpu.memory_space<hbm>>
        %dma_wait3A_263 = tpu.memref_slice %arg4[%add3A_261] : memref<331776xi32, #tpu.memory_space<hbm>> -> memref<96xi32, #tpu.memory_space<hbm>>
        tpu.wait_dma2 semaphore(%arg24 : memref<!tpu.dma_semaphore, #tpu.memory_space<semaphore_mem>>) src(%dma_wait3A_263 : memref<96xi32, #tpu.memory_space<hbm>>) dst(%arg14 : memref<96xi32, #tpu.memory_space<vmem>>)
        %dma_start3A_264 = arith.constant 0 : i32
        %dma_start3A_265 = arith.constant 0 : i32
        %dma_start3A_266 = tpu.memref_slice %arg2[%dma_start3A_264, %dma_start3A_265] : memref<10240x128xf32, #tpu.memory_space<hbm>> -> memref<10240x128xf32, #tpu.memory_space<hbm>>
        tpu.enqueue_indirect_dma source(%dma_start3A_266 : memref<10240x128xf32, #tpu.memory_space<hbm>>) target(%arg20 : memref<96x128xf32, #tpu.memory_space<vmem>>) offsets(%arg8 : memref<96xi32, #tpu.memory_space<vmem>>) semaphore(%arg30 : memref<!tpu.dma_semaphore, #tpu.memory_space<semaphore_mem>>)
      } else {
      }
    }
    %scan3A_69 = arith.constant 18 : i32
    %dma_wait3A_70 = arith.constant 0 : i32
    %dma_wait3A_71 = arith.constant 0 : i32
    %dma_wait3A_72 = tpu.memref_slice %arg22[%dma_wait3A_70, %dma_wait3A_71] : memref<10240x128xf32, #tpu.memory_space<vmem_shared>> -> memref<10240x128xf32, #tpu.memory_space<vmem_shared>>
    tpu.wait_indirect_dma semaphore(%arg34 : memref<!tpu.dma_semaphore, #tpu.memory_space<semaphore_mem>>) src(%arg21 : memref<96x128xf32, #tpu.memory_space<vmem>>) dst(%dma_wait3A_72 : memref<10240x128xf32, #tpu.memory_space<vmem_shared>>)
    %barrier3A_73 = arith.constant 0 : index
    tpu.barrier barrier_id(%barrier3A_73)
    %mul3A_74 = arith.constant 640 : i32
    %mul3A_75 = arith.muli %arg1, %mul3A_74 : i32
    %mul3A_76 = arith.constant 10240 : i32
    %mul3A_77 = arith.muli %arg0, %mul3A_76 : i32
    %mul3A_78 = arith.constant 640 : i32
    %mul3A_79 = arith.muli %arg1, %mul3A_78 : i32
    %add3A_80 = arith.addi %mul3A_77, %mul3A_79 : i32
    "tpu.region"() ({
      %run_scoped3A = tpu.sem_alloc : memref<!tpu.dma_semaphore, #tpu.memory_space<semaphore_mem>>
      %dma_start3A_81 = arith.constant 0 : i32
      %dma_start3A_82 = tpu.memref_slice %arg6[%add3A_80, %dma_start3A_81] : memref<20480x128xf32, #tpu.memory_space<hbm>> -> memref<640x128xf32, #tpu.memory_space<hbm>>
      %dma_start3A_83 = arith.constant 0 : i32
      %dma_start3A_84 = tpu.memref_slice %arg22[%mul3A_75, %dma_start3A_83] : memref<10240x128xf32, #tpu.memory_space<vmem_shared>> -> memref<640x128xf32, #tpu.memory_space<vmem_shared>>
      tpu.enqueue_dma source(%dma_start3A_84 : memref<640x128xf32, #tpu.memory_space<vmem_shared>>) target(%dma_start3A_82 : memref<640x128xf32, #tpu.memory_space<hbm>>) target_semaphore(%run_scoped3A : memref<!tpu.dma_semaphore, #tpu.memory_space<semaphore_mem>>)
      %dma_wait3A_85 = arith.constant 0 : i32
      %dma_wait3A_86 = tpu.memref_slice %arg6[%add3A_80, %dma_wait3A_85] : memref<20480x128xf32, #tpu.memory_space<hbm>> -> memref<640x128xf32, #tpu.memory_space<hbm>>
      %dma_wait3A_87 = arith.constant 0 : i32
      %dma_wait3A_88 = tpu.memref_slice %arg22[%mul3A_75, %dma_wait3A_87] : memref<10240x128xf32, #tpu.memory_space<vmem_shared>> -> memref<640x128xf32, #tpu.memory_space<vmem_shared>>
      tpu.wait_dma2 semaphore(%run_scoped3A : memref<!tpu.dma_semaphore, #tpu.memory_space<semaphore_mem>>) src(%dma_wait3A_88 : memref<640x128xf32, #tpu.memory_space<vmem_shared>>) dst(%dma_wait3A_86 : memref<640x128xf32, #tpu.memory_space<hbm>>)
      tpu.yield
    }) : () -> ()
    return
  }
}

module attributes {stable_mosaic.version = 14 : i64} {
  func.func @_tc1_body(%arg0: i32, %arg1: memref<1024x128xf32, #tpu.memory_space<vmem>>, %arg2: memref<1024x128xf32, #tpu.memory_space<vmem>>, %arg3: memref<1024x128xf32, #tpu.memory_space<vmem>>, %arg4: memref<128x128xf32, #tpu.memory_space<vmem>>, %arg5: memref<1024x128xf32, #tpu.memory_space<vmem>>, %arg6: memref<1024x128xf32, #tpu.memory_space<vmem>>) attributes {dimension_semantics = [#tpu.dimension_semantics<arbitrary>], iteration_bounds = array<i64: 10>, scalar_prefetch = 0 : i64, scratch_operands = 0 : i64, tpu.core_type = #tpu.core_type<tc>, window_params = [{transform_indices = @transform_0, window_bounds = array<i64: 1024, 128>}, {transform_indices = @transform_1, window_bounds = array<i64: 1024, 128>}, {transform_indices = @transform_2, window_bounds = array<i64: 1024, 128>}, {pipeline_mode = #tpu.pipeline_mode<synchronous>, transform_indices = @transform_3, window_bounds = array<i64: 128, 128>}, {transform_indices = @transform_4, window_bounds = array<i64: 1024, 128>}, {transform_indices = @transform_5, window_bounds = array<i64: 1024, 128>}]} {
    %get3A = arith.constant 0 : index
    %get3A_0 = arith.constant 0 : index
    %get3A_1 = vector.load %arg1[%get3A, %get3A_0] : memref<1024x128xf32, #tpu.memory_space<vmem>>, vector<1024x1xf32>
    %get3A_2 = arith.constant 0 : index
    %get3A_3 = arith.constant 0 : index
    %get3A_4 = vector.load %arg2[%get3A_2, %get3A_3] : memref<1024x128xf32, #tpu.memory_space<vmem>>, vector<1024x1xf32>
    %add3A = arith.addf %get3A_1, %get3A_4 : vector<1024x1xf32>
    %add3A_5 = arith.constant 1.000000e+00 : f32
    %add3A_6 = vector.broadcast %add3A_5 : f32 to vector<1024x1xf32>
    %add3A_7 = arith.addf %add3A, %add3A_6 : vector<1024x1xf32>
    %rsqrt3A = math.rsqrt %add3A_7 : vector<1024x1xf32>
    %broadcast_in_dim3A = vector.shape_cast %rsqrt3A : vector<1024x1xf32> to vector<1024x1xf32>
    %broadcast_in_dim3A_8 = vector.broadcast %broadcast_in_dim3A : vector<1024x1xf32> to vector<1024x128xf32>
    %get3A_9 = arith.constant 0 : index
    %get3A_10 = arith.constant 0 : index
    %get3A_11 = vector.load %arg3[%get3A_9, %get3A_10] : memref<1024x128xf32, #tpu.memory_space<vmem>>, vector<1024x128xf32>
    %get3A_12 = arith.constant 0 : index
    %get3A_13 = arith.constant 0 : index
    %get3A_14 = vector.load %arg4[%get3A_12, %get3A_13] : memref<128x128xf32, #tpu.memory_space<vmem>>, vector<128x128xf32>
    %dot_general3A = arith.constant dense<0.000000e+00> : vector<1024x128xf32>
    %dot_general3A_15 = tpu.matmul %get3A_11, %get3A_14, %dot_general3A {dimension_numbers = #tpu.dot_dimension_numbers<[1], [0], [0], [1], [0, 0, 1, 1], [], []>, transpose_lhs_hint = false} : vector<1024x128xf32>, vector<128x128xf32>, vector<1024x128xf32> -> vector<1024x128xf32>
    %swap3A = arith.constant 0 : index
    %swap3A_16 = arith.constant 0 : index
    %swap3A_17 = vector.load %arg5[%swap3A, %swap3A_16] : memref<1024x128xf32, #tpu.memory_space<vmem>>, vector<1024x128xf32>
    tpu.vector_store %arg5[%swap3A, %swap3A_16], %broadcast_in_dim3A_8 {strides = array<i32>} : memref<1024x128xf32, #tpu.memory_space<vmem>>, vector<1024x128xf32>,
    %mul3A = arith.mulf %broadcast_in_dim3A_8, %dot_general3A_15 : vector<1024x128xf32>
    %swap3A_18 = arith.constant 0 : index
    %swap3A_19 = arith.constant 0 : index
    %swap3A_20 = vector.load %arg6[%swap3A_18, %swap3A_19] : memref<1024x128xf32, #tpu.memory_space<vmem>>, vector<1024x128xf32>
    tpu.vector_store %arg6[%swap3A_18, %swap3A_19], %mul3A {strides = array<i32>} : memref<1024x128xf32, #tpu.memory_space<vmem>>, vector<1024x128xf32>,
    return
  }
  func.func @transform_0(%arg0: i32) -> (i32, i32) {
    %c0_i32 = arith.constant 0 : i32
    %c0_i32_0 = arith.constant 0 : i32
    return %arg0, %c0_i32 : i32, i32
  }
  func.func @transform_1(%arg0: i32) -> (i32, i32) {
    %c0_i32 = arith.constant 0 : i32
    %c0_i32_0 = arith.constant 0 : i32
    return %arg0, %c0_i32 : i32, i32
  }
  func.func @transform_2(%arg0: i32) -> (i32, i32) {
    %c0_i32 = arith.constant 0 : i32
    %c0_i32_0 = arith.constant 0 : i32
    return %arg0, %c0_i32 : i32, i32
  }
  func.func @transform_3(%arg0: i32) -> (i32, i32) {
    %c0_i32 = arith.constant 0 : i32
    %c0_i32_0 = arith.constant 0 : i32
    %c0_i32_1 = arith.constant 0 : i32
    return %c0_i32, %c0_i32_0 : i32, i32
  }
  func.func @transform_4(%arg0: i32) -> (i32, i32) {
    %c0_i32 = arith.constant 0 : i32
    %c0_i32_0 = arith.constant 0 : i32
    return %arg0, %c0_i32 : i32, i32
  }
  func.func @transform_5(%arg0: i32) -> (i32, i32) {
    %c0_i32 = arith.constant 0 : i32
    %c0_i32_0 = arith.constant 0 : i32
    return %arg0, %c0_i32 : i32, i32
  }
}

module attributes {stable_mosaic.version = 14 : i64} {
  func.func @_tc2_body(%arg0: i32, %arg1: memref<1024x128xf32, #tpu.memory_space<vmem>>, %arg2: memref<1024x128xf32, #tpu.memory_space<vmem>>, %arg3: memref<1024x128xf32, #tpu.memory_space<vmem>>, %arg4: memref<1024x128xf32, #tpu.memory_space<vmem>>, %arg5: memref<128x128xf32, #tpu.memory_space<vmem>>, %arg6: memref<1x128xf32, #tpu.memory_space<vmem>>, %arg7: memref<1024x128xf32, #tpu.memory_space<vmem>>) attributes {dimension_semantics = [#tpu.dimension_semantics<arbitrary>], iteration_bounds = array<i64: 10>, scalar_prefetch = 0 : i64, scratch_operands = 0 : i64, tpu.core_type = #tpu.core_type<tc>, window_params = [{transform_indices = @transform_0, window_bounds = array<i64: 1024, 128>}, {transform_indices = @transform_1, window_bounds = array<i64: 1024, 128>}, {transform_indices = @transform_2, window_bounds = array<i64: 1024, 128>}, {transform_indices = @transform_3, window_bounds = array<i64: 1024, 128>}, {pipeline_mode = #tpu.pipeline_mode<synchronous>, transform_indices = @transform_4, window_bounds = array<i64: 128, 128>}, {pipeline_mode = #tpu.pipeline_mode<synchronous>, transform_indices = @transform_5, window_bounds = array<i64: 1, 128>}, {transform_indices = @transform_6, window_bounds = array<i64: 1024, 128>}]} {
    %get3A = arith.constant 0 : index
    %get3A_0 = arith.constant 0 : index
    %get3A_1 = vector.load %arg4[%get3A, %get3A_0] : memref<1024x128xf32, #tpu.memory_space<vmem>>, vector<1024x128xf32>
    %get3A_2 = arith.constant 0 : index
    %get3A_3 = arith.constant 0 : index
    %get3A_4 = vector.load %arg1[%get3A_2, %get3A_3] : memref<1024x128xf32, #tpu.memory_space<vmem>>, vector<1024x128xf32>
    %get3A_5 = arith.constant 0 : index
    %get3A_6 = arith.constant 0 : index
    %get3A_7 = vector.load %arg2[%get3A_5, %get3A_6] : memref<1024x128xf32, #tpu.memory_space<vmem>>, vector<1024x128xf32>
    %add3A = arith.addf %get3A_4, %get3A_7 : vector<1024x128xf32>
    %get3A_8 = arith.constant 0 : index
    %get3A_9 = arith.constant 0 : index
    %get3A_10 = vector.load %arg3[%get3A_8, %get3A_9] : memref<1024x128xf32, #tpu.memory_space<vmem>>, vector<1024x128xf32>
    %add3A_11 = arith.addf %add3A, %get3A_10 : vector<1024x128xf32>
    %mul3A = arith.mulf %get3A_1, %add3A_11 : vector<1024x128xf32>
    %get3A_12 = arith.constant 0 : index
    %get3A_13 = arith.constant 0 : index
    %get3A_14 = vector.load %arg6[%get3A_12, %get3A_13] : memref<1x128xf32, #tpu.memory_space<vmem>>, vector<1x128xf32>
    %add3A_15 = vector.broadcast %get3A_14 : vector<1x128xf32> to vector<1024x128xf32>
    %add3A_16 = arith.addf %mul3A, %add3A_15 : vector<1024x128xf32>
    %max3A = arith.constant 0.000000e+00 : f32
    %max3A_17 = vector.broadcast %max3A : f32 to vector<1024x128xf32>
    %max3A_18 = arith.maximumf %add3A_16, %max3A_17 : vector<1024x128xf32>
    %mul3A_19 = arith.constant 1024 : i32
    %mul3A_20 = arith.muli %arg0, %mul3A_19 : i32
    %iota3A = tpu.iota {dimensions = array<i32: 0>} : vector<1024x128xi32>
    %add3A_21 = vector.broadcast %mul3A_20 : i32 to vector<1024x128xi32>
    %add3A_22 = arith.addi %add3A_21, %iota3A : vector<1024x128xi32>
    %lt3A = arith.constant 10000 : i32
    %lt3A_23 = vector.broadcast %lt3A : i32 to vector<1024x128xi32>
    %lt3A_24 = arith.cmpi slt, %add3A_22, %lt3A_23 : vector<1024x128xi32>
    %jit3A = arith.constant 0.000000e+00 : f32
    %broadcast_in_dim3A = vector.broadcast %jit3A : f32 to vector<1024x128xf32>
    %select_n3A = arith.select %lt3A_24, %max3A_18, %broadcast_in_dim3A : vector<1024x128xi1>, vector<1024x128xf32>
    %get3A_25 = arith.constant 0 : index
    %get3A_26 = arith.constant 0 : index
    %get3A_27 = vector.load %arg4[%get3A_25, %get3A_26] : memref<1024x128xf32, #tpu.memory_space<vmem>>, vector<1024x128xf32>
    %get3A_28 = arith.constant 0 : index
    %get3A_29 = arith.constant 0 : index
    %get3A_30 = vector.load %arg5[%get3A_28, %get3A_29] : memref<128x128xf32, #tpu.memory_space<vmem>>, vector<128x128xf32>
    %dot_general3A = arith.constant dense<0.000000e+00> : vector<1024x128xf32>
    %dot_general3A_31 = tpu.matmul %select_n3A, %get3A_30, %dot_general3A {dimension_numbers = #tpu.dot_dimension_numbers<[1], [0], [0], [1], [0, 0, 1, 1], [], []>, transpose_lhs_hint = false} : vector<1024x128xf32>, vector<128x128xf32>, vector<1024x128xf32> -> vector<1024x128xf32>
    %mul3A_32 = arith.mulf %get3A_27, %dot_general3A_31 : vector<1024x128xf32>
    %swap3A = arith.constant 0 : index
    %swap3A_33 = arith.constant 0 : index
    %swap3A_34 = vector.load %arg7[%swap3A, %swap3A_33] : memref<1024x128xf32, #tpu.memory_space<vmem>>, vector<1024x128xf32>
    tpu.vector_store %arg7[%swap3A, %swap3A_33], %mul3A_32 {strides = array<i32>} : memref<1024x128xf32, #tpu.memory_space<vmem>>, vector<1024x128xf32>,
    return
  }
  func.func @transform_0(%arg0: i32) -> (i32, i32) {
    %c0_i32 = arith.constant 0 : i32
    %c0_i32_0 = arith.constant 0 : i32
    return %arg0, %c0_i32 : i32, i32
  }
  func.func @transform_1(%arg0: i32) -> (i32, i32) {
    %c0_i32 = arith.constant 0 : i32
    %c0_i32_0 = arith.constant 0 : i32
    return %arg0, %c0_i32 : i32, i32
  }
  func.func @transform_2(%arg0: i32) -> (i32, i32) {
    %c0_i32 = arith.constant 0 : i32
    %c0_i32_0 = arith.constant 0 : i32
    return %arg0, %c0_i32 : i32, i32
  }
  func.func @transform_3(%arg0: i32) -> (i32, i32) {
    %c0_i32 = arith.constant 0 : i32
    %c0_i32_0 = arith.constant 0 : i32
    return %arg0, %c0_i32 : i32, i32
  }
  func.func @transform_4(%arg0: i32) -> (i32, i32) {
    %c0_i32 = arith.constant 0 : i32
    %c0_i32_0 = arith.constant 0 : i32
    %c0_i32_1 = arith.constant 0 : i32
    return %c0_i32, %c0_i32_0 : i32, i32
  }
  func.func @transform_5(%arg0: i32) -> (i32, i32) {
    %c0_i32 = arith.constant 0 : i32
    %c0_i32_0 = arith.constant 0 : i32
    %c0_i32_1 = arith.constant 0 : i32
    return %c0_i32, %c0_i32_0 : i32, i32
  }
  func.func @transform_6(%arg0: i32) -> (i32, i32) {
    %c0_i32 = arith.constant 0 : i32
    %c0_i32_0 = arith.constant 0 : i32
    return %arg0, %c0_i32 : i32, i32
  }
}

module attributes {stable_mosaic.version = 14 : i64} {
  func.func @_tc3_body(%arg0: i32, %arg1: memref<2000x128xf32, #tpu.memory_space<vmem>>, %arg2: memref<2000x128xf32, #tpu.memory_space<vmem>>, %arg3: memref<2000x128xf32, #tpu.memory_space<vmem>>, %arg4: memref<2000x128xf32, #tpu.memory_space<vmem>>, %arg5: memref<1x128xf32, #tpu.memory_space<vmem>>, %arg6: memref<2000x128xf32, #tpu.memory_space<vmem>>) attributes {dimension_semantics = [#tpu.dimension_semantics<arbitrary>], iteration_bounds = array<i64: 5>, scalar_prefetch = 0 : i64, scratch_operands = 0 : i64, tpu.core_type = #tpu.core_type<tc>, window_params = [{transform_indices = @transform_0, window_bounds = array<i64: 2000, 128>}, {transform_indices = @transform_1, window_bounds = array<i64: 2000, 128>}, {transform_indices = @transform_2, window_bounds = array<i64: 2000, 128>}, {transform_indices = @transform_3, window_bounds = array<i64: 2000, 128>}, {pipeline_mode = #tpu.pipeline_mode<synchronous>, transform_indices = @transform_4, window_bounds = array<i64: 1, 128>}, {transform_indices = @transform_5, window_bounds = array<i64: 2000, 128>}]} {
    %get3A = arith.constant 0 : index
    %get3A_0 = arith.constant 0 : index
    %get3A_1 = vector.load %arg4[%get3A, %get3A_0] : memref<2000x128xf32, #tpu.memory_space<vmem>>, vector<2000x128xf32>
    %get3A_2 = arith.constant 0 : index
    %get3A_3 = arith.constant 0 : index
    %get3A_4 = vector.load %arg1[%get3A_2, %get3A_3] : memref<2000x128xf32, #tpu.memory_space<vmem>>, vector<2000x128xf32>
    %get3A_5 = arith.constant 0 : index
    %get3A_6 = arith.constant 0 : index
    %get3A_7 = vector.load %arg2[%get3A_5, %get3A_6] : memref<2000x128xf32, #tpu.memory_space<vmem>>, vector<2000x128xf32>
    %add3A = arith.addf %get3A_4, %get3A_7 : vector<2000x128xf32>
    %get3A_8 = arith.constant 0 : index
    %get3A_9 = arith.constant 0 : index
    %get3A_10 = vector.load %arg3[%get3A_8, %get3A_9] : memref<2000x128xf32, #tpu.memory_space<vmem>>, vector<2000x128xf32>
    %add3A_11 = arith.addf %add3A, %get3A_10 : vector<2000x128xf32>
    %mul3A = arith.mulf %get3A_1, %add3A_11 : vector<2000x128xf32>
    %get3A_12 = arith.constant 0 : index
    %get3A_13 = arith.constant 0 : index
    %get3A_14 = vector.load %arg5[%get3A_12, %get3A_13] : memref<1x128xf32, #tpu.memory_space<vmem>>, vector<1x128xf32>
    %add3A_15 = vector.broadcast %get3A_14 : vector<1x128xf32> to vector<2000x128xf32>
    %add3A_16 = arith.addf %mul3A, %add3A_15 : vector<2000x128xf32>
    %max3A = arith.constant 0.000000e+00 : f32
    %max3A_17 = vector.broadcast %max3A : f32 to vector<2000x128xf32>
    %max3A_18 = arith.maximumf %add3A_16, %max3A_17 : vector<2000x128xf32>
    %swap3A = arith.constant 0 : index
    %swap3A_19 = arith.constant 0 : index
    %swap3A_20 = vector.load %arg6[%swap3A, %swap3A_19] : memref<2000x128xf32, #tpu.memory_space<vmem>>, vector<2000x128xf32>
    tpu.vector_store %arg6[%swap3A, %swap3A_19], %max3A_18 {strides = array<i32>} : memref<2000x128xf32, #tpu.memory_space<vmem>>, vector<2000x128xf32>,
    return
  }
  func.func @transform_0(%arg0: i32) -> (i32, i32) {
    %c0_i32 = arith.constant 0 : i32
    %c0_i32_0 = arith.constant 0 : i32
    return %arg0, %c0_i32 : i32, i32
  }
  func.func @transform_1(%arg0: i32) -> (i32, i32) {
    %c0_i32 = arith.constant 0 : i32
    %c0_i32_0 = arith.constant 0 : i32
    return %arg0, %c0_i32 : i32, i32
  }
  func.func @transform_2(%arg0: i32) -> (i32, i32) {
    %c0_i32 = arith.constant 0 : i32
    %c0_i32_0 = arith.constant 0 : i32
    return %arg0, %c0_i32 : i32, i32
  }
  func.func @transform_3(%arg0: i32) -> (i32, i32) {
    %c0_i32 = arith.constant 0 : i32
    %c0_i32_0 = arith.constant 0 : i32
    return %arg0, %c0_i32 : i32, i32
  }
  func.func @transform_4(%arg0: i32) -> (i32, i32) {
    %c0_i32 = arith.constant 0 : i32
    %c0_i32_0 = arith.constant 0 : i32
    %c0_i32_1 = arith.constant 0 : i32
    return %c0_i32, %c0_i32_0 : i32, i32
  }
  func.func @transform_5(%arg0: i32) -> (i32, i32) {
    %c0_i32 = arith.constant 0 : i32
    %c0_i32_0 = arith.constant 0 : i32
    return %arg0, %c0_i32 : i32, i32
  }
}

</mosaic_0001>

<sc_bundles>
// kernel: kernel.11.cloned.1.call-start
scs
__scs_entry_jumppad:
0x0: {  	(pc) =	sbr.rel $0x88, $3  }
0x1: {  	(tag) =	ssettag $0x0;
	lr =	simm.s32 $0x1  }
0x2: {  	[smem:$0x3F9B] =	sst lr;
	_ =	strace $0xD0000000  }
0x3: {  	_ = 	snop  }
0x4: {  	_ = 	snop  }
0x5: {  	_ = 	snop  }
0x6: {  	_ = 	snop  }
0x7: {  	_ = 	snop  }
__scs_overlays_trampoline_lowered:
0x8: {  	[smem:$0x3FAA] =	sst s0  }
0x9: {  	[smem:$0x3FAB] =	sst s1  }
0xa: {  	[smem:$0x3FAC] =	sst s2  }
0xb: {  	[smem:$0x3FAD] =	sst s3  }
0xc: {  	[smem:$0x3FAE] =	sst s4  }
0xd: {  	[smem:$0x3FAF] =	sst s5  }
0xe: {  	[smem:$0x3FB0] =	sst s6  }
0xf: {  	[smem:$0x3FB1] =	sst s7  }
0x10: {  	[smem:$0x3FB2] =	sst s8  }
0x11: {  	[smem:$0x3FB3] =	sst s9;
	s0 =	simm.s32 @!p0 $0x0  }
0x12: {  	s1 =	sld [smem:$0x3F99];
	s0 =	simm.s32 @p0 $0x1  }
0x13: {  	[smem:$0x3FB4] =	sst s0;
	s0 =	simm.s32 @!p1 $0x0  }
0x14: {  	s2 =	sld [smem:$0x3F98];
	s0 =	simm.s32 @p1 $0x1  }
0x15: {  	[smem:$0x3FB5] =	sst s0;
	s0 =	simm.s32 @!p2 $0x0  }
0x16: {  	s3 =	sld [smem:$0x3FDB];
	s0 =	simm.s32 @p2 $0x1  }
0x17: {  	s4 =	simm.s32 $0x1BF5;
	[smem:$0x3FB7] =	sst s0  }
0x18: {  	s0 =	sld [smem:$0x3F9A];
	_ =	swait.ge [sflag:s4], $0x0  }
0x19: {  	s7 =	sld [smem:$0x3F9B]  }
0x1a: {  	s8 =	sadd.s32 $0xFFFFE003, lr  }
0x1b: {  	s9 =	sadd.s32 $0xFFFFFEF7, lr;
	s5 =	simm.s32 $0xFFFFFFFF;
	p2 =	slt.u32 s8, $0xFFFFF086  }
0x1c: {  	p1 =	slt.u32 s9, $0xF7A;
	s5 =	simm.s32 @!p2 $0x0  }
0x1d: {  	s5 =	simm.s32 @p1 $0x1;
	p0 =	seq.s32 s7, s2  }
0x1e: {  	s7 =	smul.u32 @!p0 $0xF7A, s2;
	p2 =	seq.s32 @!p0 s5, $0x0  }
0x1f: {  	s9 =	smul.u32 $0xF7A, s1;
	s8 =	simm.s32 @!p0 $0x1BF5;
	p2 =	por !p2, p0  }
0x20: {  	[sflag:s8] =	ssyncset.s32 @!p0 $0xFFFFF086;
	s6 =	sadd.s32 @!p0 s3, s7;
	s7 =	simm.s32 @!p0 $0x108  }
0x21: {  	s3 =	sadd.s32 s3, s9;
	s6 =	sadd.s32 @!p0 $0x88, s6;
	s7 =	simm.s32 @p2 $0x1082  }
0x22: {  	[simem:s7], [sflag:s8] =	dma.local @!p0 [hbm:s6], $0xF7A  }
0x23: {  	s9 =	sor.u32 $0xD0000000, s2;
	s6 =	simm.s32 $0x108;
	_ =	swait.ge @!p0 [sflag:s8], $0x0  }
0x24: {  	s3 =	sadd.s32 $0x88, s3;
	s6 =	simm.s32 @!p1 $0x1082;
	[sflag:s4] =	ssyncset.s32 $0xFFFFF086  }
0x25: {  	[simem:s6], [sflag:s4] =	dma.local [hbm:s3], $0xF7A  }
0x26: {  	[smem:$0x3F9B] =	sst s1;
	(tag) =	ssettag s2;
	_ =	strace s9  }
0x27: {  	s1 =	sld [smem:$0x3FAB]  }
0x28: {  	s2 =	sld [smem:$0x3FAC]  }
0x29: {  	s4 =	sld [smem:$0x3FAE]  }
0x2a: {  	p0 =	seq.s32 s5, $0x0;
	s5 =	sld [smem:$0x3FAF]  }
0x2b: {  	s6 =	sld [smem:$0x3FB0]  }
0x2c: {  	s7 =	sld [smem:$0x3FB1]  }
0x2d: {  	s3 =	simm.s32 $0x108;
	s8 =	sld [smem:$0x3FB2]  }
0x2e: {  	s3 =	simm.s32 @!p0 $0x1082;
	s9 =	sld [smem:$0x3FB3]  }
0x2f: {  	lr =	sadd.s32 s0, s3;
	s0 =	sld [smem:$0x3FAA]  }
0x30: {  	s3 =	sld [smem:$0x3FAD]  }
0x31: {  	[smem:$0x3FB6] =	sst s10  }
0x32: {  	s10 =	sld [smem:$0x3FB4];
	_ =	sdelay $0x3  }
0x33: {  	p0 =	seq.s32 s10, $0x1;
	s10 =	sld [smem:$0x3FB6];
	_ =	sdelay $0x3  }
0x34: {  	[smem:$0x3FB6] =	sst s10  }
0x35: {  	s10 =	sld [smem:$0x3FB5];
	_ =	sdelay $0x3  }
0x36: {  	p1 =	seq.s32 s10, $0x1;
	s10 =	sld [smem:$0x3FB6];
	_ =	sdelay $0x3  }
0x37: {  	[smem:$0x3FB6] =	sst s10  }
0x38: {  	s10 =	sld [smem:$0x3FB7]  }
0x39: {  	_ = 	snop;
	(pc) =	sbr.ind lr, $3  }
0x3a: {  	_ = 	snop  }
0x3b: {  	_ = 	snop  }
0x3c: {  	p2 =	seq.s32 s10, $0x1;
	s10 =	sld [smem:$0x3FB6]  }
0x3d: {  	_ =	shalt  }
0x3e: {  	_ =	shalt  }
0x3f: {  	_ =	shalt  }
0x40: {  	_ =	shalt  }
0x41: {  	_ =	shalt  }
0x42: {  	_ =	shalt  }
0x43: {  	_ =	shalt  }
0x44: {  	_ =	shalt  }
0x45: {  	_ =	shalt  }
0x46: {  	_ =	shalt  }
0x47: {  	_ =	shalt  }
0x48: {  	_ =	shalt  }
0x49: {  	_ =	shalt  }
0x4a: {  	_ =	shalt  }
0x4b: {  	_ =	shalt  }
0x4c: {  	_ =	shalt  }
0x4d: {  	_ =	shalt  }
0x4e: {  	_ =	shalt  }
0x4f: {  	_ =	shalt  }
0x50: {  	_ =	shalt  }
0x51: {  	_ =	shalt  }
0x52: {  	_ =	shalt  }
0x53: {  	_ =	shalt  }
0x54: {  	_ =	shalt  }
0x55: {  	_ =	shalt  }
0x56: {  	_ =	shalt  }
0x57: {  	_ =	shalt  }
0x58: {  	_ =	shalt  }
0x59: {  	_ =	shalt  }
0x5a: {  	_ =	shalt  }
0x5b: {  	_ =	shalt  }
0x5c: {  	_ =	shalt  }
0x5d: {  	_ =	shalt  }
0x5e: {  	_ =	shalt  }
0x5f: {  	_ =	shalt  }
0x60: {  	_ =	shalt  }
0x61: {  	_ =	shalt  }
0x62: {  	_ =	shalt  }
0x63: {  	_ =	shalt  }
0x64: {  	_ =	shalt  }
0x65: {  	_ =	shalt  }
0x66: {  	_ =	shalt  }
0x67: {  	_ =	shalt  }
0x68: {  	_ =	shalt  }
0x69: {  	_ =	shalt  }
0x6a: {  	_ =	shalt  }
0x6b: {  	_ =	shalt  }
0x6c: {  	_ =	shalt  }
0x6d: {  	_ =	shalt  }
0x6e: {  	_ =	shalt  }
0x6f: {  	_ =	shalt  }
0x70: {  	_ =	shalt  }
0x71: {  	_ =	shalt  }
0x72: {  	_ =	shalt  }
0x73: {  	_ =	shalt  }
0x74: {  	_ =	shalt  }
0x75: {  	_ =	shalt  }
0x76: {  	_ =	shalt  }
0x77: {  	_ =	shalt  }
0x78: {  	_ =	shalt  }
0x79: {  	_ =	shalt  }
0x7a: {  	_ =	shalt  }
0x7b: {  	_ =	shalt  }
0x7c: {  	_ =	shalt  }
0x7d: {  	_ =	shalt  }
0x7e: {  	_ =	shalt  }
0x7f: {  	_ =	shalt  }
0x80: {  	_ =	shalt  }
0x81: {  	_ =	shalt  }
0x82: {  	_ =	shalt  }
0x83: {  	_ =	shalt  }
0x84: {  	_ =	shalt  }
0x85: {  	_ =	shalt  }
0x86: {  	_ =	shalt  }
0x87: {  	_ =	shalt  }
.Lfunc_end0:
.L_simem_size_0:
called_computation.1_lowered:
.L_overlay_start_0:
0x88: {  	s2 =	sld [smem:$0x3FD9]  }
0x89: {  	s3 =	sld [smem:$0x3FFE];
	_ =	sdelay $0x1  }
0x8a: {  	s1 =	srdreg.scid  }
0x8b: {  	s0 =	sand.u32 $0x1, s1  }
0x8c: {  	s17 =	sshll.u32 s0, $0xA;
	s2 =	sadd.s32 s3, s2  }
0x8d: {  	s2 =	sadd.s32 s2, s17  }
0x8e: {  	[smem:$0x3FC2] =	sst s2  }
0x8f: {  	_ = 	snop  }
0x90: {  	s2 =	sld [smem:$0x3FD0];
	(tm) =	ssettm $0x1  }
0x91: {  	s18 =	sld [smem:$0x3FFB];
	_ =	sdelay $0x3  }
0x92: {  	_ =	strace s18  }
0x93: {  	s3 =	sld [smem:$0x3FFC];
	_ =	sdelay $0x3  }
0x94: {  	_ =	strace s3  }
0x95: {  	s3 =	sld [smem:$0x3FFD];
	_ =	sdelay $0x3  }
0x96: {  	_ =	strace s3  }
0x97: {  	_ =	strace $0x8FFFFFFF  }
0x98: {  	s19 =	sld [smem:$0x3FDB];
	_ =	sdelay $0x1  }
0x99: {  	s4 =	simm.s32 $_scs_section_size  }
0x9a: {  	s5 =	simm.s32 $_size__tile_overlayer_lowered;
	s6 =	simm.s32 $_tile_overlayer_lowered  }
0x9b: {  	s22 =	simm.s32 $0x1BFF;
	s21 =	sshll.u32 s6, $0x1;
	s3 =	sadd.s32 s4, s19  }
0x9c: {  	s7 =	simm.s32 $0x0;
	s20 =	sshll.u32 s5, $0x1;
	s5 =	sadd.s32 s21, s3  }
0x9d: {  	[timem:s7], [sflag:s22] =	dma.local [hbm:s5], s20  }
0x9e: {  	_ =	swait.ge [sflag:s22], s20  }
0x9f: {  	s4 =	ssub.s32 $0x0, s20;
	[sflag:s22] =	ssyncset.done $0x0  }
0xa0: {  	[sflag:s22] =	ssyncadd.s32 s4;
	_ =	sdelay $0x1  }
0xa1: {  	s23 =	simm.s32 $0x1B8B  }
0xa2: {  	_ =	swait.ge [sflag:s23], $0x1  }
0xa3: {  	[sflag:s23] =	ssyncset.done $0x0  }
0xa4: {  	s25 =	simm.s32 $0x1B8E;
	s24 =	sld [smem:$0x3FFE];
	[sflag:s23] =	ssyncadd.s32 $0xFFFFFFFF  }
0xa5: {  	s26 =	simm.s32 $execute0_lowered;
	[smem:$0x3FD2] =	sst s25  }
0xa6: {  	s5 =	sshll.u32 s26, $0x1;
	_ =	strace $0x80000049;
	[dreg:$0x1] =	wrdreg $0xFFFFFFFF  }
0xa7: {  	s28 =	simm.s32 $_size_execute0_lowered;
	s3 =	sadd.s32 s3, s5;
	[dreg:$0x0] =	wrdreg $0x0  }
0xa8: {  	s5 =	sshll.u32 s28, $0x1;
	[dreg:$0x2] =	wrdreg s3  }
0xa9: {  	[dreg:$0x3] =	wrdreg s5  }
0xaa: {  	[dreg:$0x4] =	wrdreg $0xC0  }
0xab: {  	_ =	task [dreg:s7], $0x5FFFF  }
0xac: {  	[dreg:$0x1] =	wrdreg $0xFFFFFFFF  }
0xad: {  	[dreg:$0x0] =	wrdreg $0x60  }
0xae: {  	[dreg:$0x2] =	wrdreg s24  }
0xaf: {  	[dreg:$0x3] =	wrdreg s2  }
0xb0: {  	[dreg:$0x4] =	wrdreg $0x96000  }
0xb1: {  	[dreg:$0x5] =	wrdreg $0x9  }
0xb2: {  	_ =	task.clear_ibuf [dreg:s7], $0x6FFFF;
	_ =	strace $0x90000049  }
0xb3: {  	s29 =	simm.s32 $0x9;
	_ =	strace $0x8000004B  }
0xb4: {  	_ =	swait.ge [sflag:s29], $0x1  }
0xb5: {  	[sflag:s29] =	ssyncadd.s32 $0xFFFFFFFF  }
0xb6: {  	_ =	strace $0x9000004B  }
0xb7: {  	_ =	sfence  }
0xb8: {  	s30 =	sld [smem:$0x0];
	_ =	sdelay $0x2  }
0xb9: {  	s31 =	sshll.u32 s1, $0xD;
	s1 =	sshrl.u32 s1, $0x2  }
0xba: {  	s3 =	sand.u32 $0x4000, s31;
	s1 =	sadd.s32 s1, s30  }
0xbb: {  	s0 =	sor.u32 s3, s0;
	s1 =	sshll.u32 s1, $0x11  }
0xbc: {  	s0 =	sor.u32 s1, s0  }
0xbd: {  	s0 =	sadd.s32 $0x8F2B, s0  }
0xbe: {  	[sflag:s0] =	ssyncadd.remote.s32 $0x1  }
0xbf: {  	_ =	sfence.sel $0xFFFF  }
0xc0: {  	[dreg:$0x0] =	wrdreg $0xFFFFFFFF;
	(pc) =	sbr.abs _section_cstart, $3  }
0xc1: {  	[dreg:$0x1] =	wrdreg $0xFFFFFFFF  }
0xc2: {  	_ =	task.clear_ibuf [dreg:s7], $0x2FFFF;
	_ =	strace $0x9FFFFFFF  }
0xc3: {  	(tm) =	ssettm $0x7FFFFFFF  }
tec
execute0_lowered:
.L_overlay_start_1:
0x0: {  	(tag) =	ssettag $0x1  }
0x1: {  	s0 =	rddreg [dreg:$0x0]  }
0x2: {  	s10 =	rddreg [dreg:$0x1]  }
0x3: {  	s3 =	rddreg [dreg:$0x2]  }
0x4: {  	s1 =	srdreg.scid;
	s4 =	simm.s32 $0x0;
	s11 =	stileid.u32  }
0x5: {  	s30 =	simm.s32 $0xD;
	s31 =	simm.s32 $0x3600;
	s28 =	simm.s32 $0x0  }
0x6: {  	s1 =	sand.u32 $0x1, s1;
	[smem:$0x7FF] =	sst s4;
	s2 =	smul.u32 $0x2800, s11  }
0x7: {  	s12 =	sadd.s32 $0x3600, s0;
	s8 =	sadd.s32 $0xE000, s0;
	s26 =	smul.u32 $0x2880, s11  }
0x8: {  	s5 =	sshll.u32 s1, $0x4;
	_ =	strace $0x8000004A;
	s6 =	smul.u32 $0x28000, s1  }
0x9: {  	[dreg:$0x4] =	wrdreg s8;
	s16 =	ssub.s32 $0x2, s1;
	s1 =	smul.u32 $0x28800, s1  }
0xa: {  	s7 =	sor.u32 s11, s5;
	s5 =	sadd.s32 $0x10800, s0;
	s2 =	sadd.s32 s2, s6  }
0xb: {  	s17 =	sshrl.u32 s16, $0x1;
	s7 =	smul.u32 $0x2880, s7;
	s0 =	sadd.s32 s2, s0  }
0xc: {  	s1 =	sadd.s32 s26, s1;
	s2 =	ssub.s32 s16, s17;
	s0 =	sadd.s32 $0x60800, s0  }
0xd: {  	s7 =	sshrl.u32 s7, $0x3;
	s2 =	smax.u32 s2, $0x1;
	[dreg:$0x11] =	wrdreg s0  }
0xe: {  	s14 =	sadd.s32 $0x360, s1;
	s18 =	sadd.s32 s10, s7;
	[dreg:$0x12] =	wrdreg s2  }
0xf: {  	s16 =	sshrl.u32 s14, $0x3;
	s20 =	sadd.s32 s12, s7;
	[dreg:$0x5] =	wrdreg s18  }
0x10: {  	s24 =	smul.u32 $0x50000, s11;
	s17 =	sadd.s32 s16, s12;
	[dreg:$0x6] =	wrdreg s20  }
0x11: {  	s19 =	sor.u32 $0xC, s7;
	s2 =	sadd.s32 s16, s10;
	[dreg:$0x15] =	wrdreg s17  }
0x12: {  	s14 =	simm.s32 $0x200;
	s21 =	sadd.s32 s10, s19;
	[dreg:$0x16] =	wrdreg s2  }
0x13: {  	s22 =	sadd.s32 $0x18, s7;
	s6 =	sadd.s32 s12, s19;
	[dreg:$0x7] =	wrdreg s21  }
0x14: {  	s25 =	sadd.s32 $0x24, s7;
	s23 =	sadd.s32 s10, s22;
	[dreg:$0x8] =	wrdreg s6  }
0x15: {  	s7 =	sadd.s32 $0x30, s7;
	s8 =	sadd.s32 s12, s22;
	[dreg:$0x9] =	wrdreg s23  }
0x16: {  	s16 =	simm.s32 $0x280;
	s9 =	sadd.s32 s10, s25;
	[dreg:$0xa] =	wrdreg s8  }
0x17: {  	s29 =	sadd.s32 s10, s7;
	s7 =	sadd.s32 s12, s7;
	[dreg:$0xb] =	wrdreg s9  }
0x18: {  	s18 =	sadd.s32 $0x300, s1;
	s19 =	sadd.s32 $0x2A0, s1;
	[dreg:$0xd] =	wrdreg s29  }
0x19: {  	s17 =	simm.s32 $0x1;
	s8 =	sadd.s32 s12, s25;
	[dreg:$0xe] =	wrdreg s7  }
0x1a: {  	s6 =	sshrl.u32 s24, $0x2;
	s2 =	sshrl.u32 s19, $0x3;
	s21 =	sadd.s32 $0x1E0, s1  }
0x1b: {  	s24 =	sadd.s32 $0x240, s1;
	s19 =	simm.s32 $0x7;
	s7 =	simm.s32 $0x3  }
0x1c: {  	s9 =	simm.s32 $0x8;
	[dreg:$0xc] =	wrdreg s8;
	s8 =	sshll.u32 s11, $0x6  }
0x1d: {  	s6 =	sadd.s32 s6, s3;
	s11 =	sadd.s32 $0x3C0, s1;
	s22 =	sadd.s32 s2, s12  }
0x1e: {  	s23 =	sadd.s32 s2, s10;
	[dreg:$0x1b] =	wrdreg s24;
	s2 =	smov.u32 s12  }
0x1f: {  	s1 =	simm.s32 $0x580;
	s24 =	simm.s32 $0xC;
	[dreg:$0xf] =	wrdreg s6  }
0x20: {  	s26 =	sor.u32 $0x1C0D, s8;
	s13 =	sshrl.u32 s11, $0x3;
	[dreg:$0x19] =	wrdreg s22  }
0x21: {  	s6 =	sshrl.u32 s21, $0x3;
	[dreg:$0x1a] =	wrdreg s23;
	s21 =	simm.s32 $0x2  }
0x22: {  	s8 =	simm.s32 $0x6600;
	s11 =	simm.s32 $0x4;
	s22 =	simm.s32 $0xB  }
0x23: {  	s23 =	simm.s32 $0x5;
	s15 =	sadd.s32 s13, s12;
	[dreg:$0x10] =	wrdreg s26  }
0x24: {  	s0 =	sadd.s32 s13, s10;
	s25 =	sadd.s32 s6, s12;
	[dreg:$0x13] =	wrdreg s15  }
0x25: {  	s29 =	sadd.s32 s6, s10;
	s13 =	simm.s32 $0x480;
	[dreg:$0x14] =	wrdreg s0  }
.Ltmp0:
0x26: {  	s6 =	simm.s32 $0x9;
	[dreg:$0x1c] =	wrdreg s25;
	(pc) =	sbr.rel .LBB2_1-.Ltmp0, $4  }
0x27: {  	s0 =	sshrl.u32 s18, $0x3;
	[dreg:$0x1d] =	wrdreg s29;
	s15 =	simm.s32 $0x500  }
0x28: {  	s18 =	simm.s32 $0x60;
	s25 =	simm.s32 $0x6;
	s20 =	sadd.s32 s0, s12  }
0x29: {  	s0 =	sadd.s32 s0, s10;
	s12 =	simm.s32 $0x180;
	[dreg:$0x17] =	wrdreg s20  }
0x2a: {  	s10 =	simm.s32 $0xA;
	[dreg:$0x18] =	wrdreg s0;
	s20 =	simm.s32 $0x600  }
.LBB2_4:
0x2b: {  	_ =	swait.ge [sflag:s6], $0x3000  }
0x2c: {  	[sflag:s6] =	ssyncset.done $0x0  }
0x2d: {  	[sflag:s6] =	ssyncadd.s32 $0xFFFFD000  }
0x2e: {  	[spmem:s3] =	stream.indirect.scatter.add.f32 [tilespmem:s8], [sflag:$0xC], $0x80, s1, s18, $0xb8;
	[tilespmem:$0x1D600] =	vst v63  }
0x2f: {  	_ =	swait.ge [sflag:s22], $0x3000  }
0x30: {  	[sflag:s22] =	ssyncset.done $0x0  }
0x31: {  	[sflag:s22] =	ssyncadd.s32 $0xFFFFD000  }
0x32: {  	_ =	swait.ge [sflag:s24], $0x3000  }
0x33: {  	[sflag:s24] =	ssyncset.done $0x0  }
0x34: {  	[sflag:s24] =	ssyncadd.s32 $0xFFFFD000  }
0x35: {  	[bflag:$0x0] =	sbarrier.arrive $0xFFFF  }
0x36: {  	s26 =	rddreg [dreg:$0x10]  }
0x37: {  	s0 =	rddreg [dreg:$0x11]  }
0x38: {  	s30 =	simm.s32 $0xD;
	s28 =	rddreg [dreg:$0x1f]  }
0x39: {  	[hbm:s0], [sflag:s26] =	dma.local [spmem:s28], $0x2800  }
0x3a: {  	_ =	swait.ge [sflag:s30], $0x2800  }
0x3b: {  	s28 =	rddreg [dreg:$0x1e]  }
0x3c: {  	s29 =	rddreg [dreg:$0x12];
	s28 =	sadd.s32 $0x1, s28  }
0x3d: {  	p0 =	sne.s32 s28, s29  }
.Ltmp1:
0x3e: {  	_ = 	snop;
	(pc) =	sbr.rel @!p0 .LBB2_5-.Ltmp1, $3  }
0x3f: {  	_ =	sdelay $0x1  }
0x40: {  	[sflag:s30] =	ssyncset.done $0x0  }
0x41: {  	[sflag:s30] =	ssyncadd.s32 $0xFFFFD800  }
.LBB2_1:
0x42: {  	[dreg:$0x1e] =	wrdreg s28  }
0x43: {  	s0 =	rddreg [dreg:$0x5]  }
0x44: {  	[tilespmem:s4], [sflag:$0x1] =	stream.linear.gather [hbm4b:s0+s4], $0x60, $0x38;
	[tilespmem:$0x1D600] =	vst v63  }
0x45: {  	s29 =	rddreg [dreg:$0x6];
	s28 =	simm.s32 $0x300  }
0x46: {  	[tilespmem:s28], [sflag:$0x1] =	stream.linear.gather [hbm4b:s29+s4], $0x60, $0x38;
	[tilespmem:$0x1D600] =	vst v63  }
0x47: {  	s29 =	rddreg [dreg:$0x7];
	s28 =	simm.s32 $0x80  }
0x48: {  	[tilespmem:s28], [sflag:$0x2] =	stream.linear.gather [hbm4b:s29+s4], $0x60, $0x38;
	[tilespmem:$0x1D600] =	vst v63  }
0x49: {  	s0 =	rddreg [dreg:$0x8];
	s29 =	simm.s32 $0x380  }
0x4a: {  	[tilespmem:s29], [sflag:$0x2] =	stream.linear.gather [hbm4b:s0+s4], $0x60, $0x38;
	[tilespmem:$0x1D600] =	vst v63  }
0x4b: {  	s0 =	rddreg [dreg:$0x9];
	s29 =	simm.s32 $0x100  }
0x4c: {  	[tilespmem:s29], [sflag:$0x3] =	stream.linear.gather [hbm4b:s0+s4], $0x60, $0x38;
	[tilespmem:$0x1D600] =	vst v63  }
0x4d: {  	s0 =	rddreg [dreg:$0xa];
	s29 =	simm.s32 $0x400  }
0x4e: {  	[tilespmem:s29], [sflag:$0x3] =	stream.linear.gather [hbm4b:s0+s4], $0x60, $0x38;
	[tilespmem:$0x1D600] =	vst v63  }
0x4f: {  	s29 =	rddreg [dreg:$0xb]  }
0x50: {  	[tilespmem:s12], [sflag:$0x4] =	stream.linear.gather [hbm4b:s29+s4], $0x60, $0x38;
	[tilespmem:$0x1D600] =	vst v63  }
0x51: {  	s29 =	rddreg [dreg:$0xc]  }
0x52: {  	[tilespmem:s13], [sflag:$0x4] =	stream.linear.gather [hbm4b:s29+s4], $0x60, $0x38;
	[tilespmem:$0x1D600] =	vst v63  }
0x53: {  	s29 =	rddreg [dreg:$0xd]  }
0x54: {  	[tilespmem:s14], [sflag:$0x5] =	stream.linear.gather [hbm4b:s29+s4], $0x60, $0x38;
	[tilespmem:$0x1D600] =	vst v63  }
0x55: {  	s29 =	rddreg [dreg:$0xe]  }
0x56: {  	[tilespmem:s15], [sflag:$0x5] =	stream.linear.gather [hbm4b:s29+s4], $0x60, $0x38;
	[tilespmem:$0x1D600] =	vst v63  }
0x57: {  	s29 =	rddreg [dreg:$0xf]  }
0x58: {  	s0 =	rddreg [dreg:$0x4];
	s29 =	sshrl.u32 s29, $0x3  }
0x59: {  	[dreg:$0x1f] =	wrdreg s29  }
0x5a: {  	[spmem:s29], [sflag:s26] =	dma.local [hbm:s0], $0x2800  }
0x5b: {  	_ =	swait.ge [sflag:s30], $0x2800  }
0x5c: {  	[sflag:s30] =	ssyncset.done $0x0  }
0x5d: {  	[sflag:s30] =	ssyncadd.s32 $0xFFFFD800  }
0x5e: {  	[bflag:$0x0] =	sbarrier.arrive $0xFFFF  }
0x5f: {  	_ =	swait.ge [sflag:s17], $0x60  }
0x60: {  	[sflag:s17] =	ssyncset.done $0x0  }
0x61: {  	[sflag:s17] =	ssyncadd.s32 $0xFFFFFFA0  }
0x62: {  	_ =	swait.ge [sflag:s17], $0x60  }
0x63: {  	[sflag:s17] =	ssyncset.done $0x0  }
0x64: {  	[sflag:s17] =	ssyncadd.s32 $0xFFFFFFA0  }
0x65: {  	[tilespmem:s20], [sflag:$0x7] =	stream.indirect.gather [hbm4b:s5+s18], $0x80, s4, s18, $0xb8;
	[tilespmem:$0x1D600] =	vst v63  }
0x66: {  	_ =	swait.ge [sflag:s21], $0x60  }
0x67: {  	[sflag:s21] =	ssyncset.done $0x0  }
0x68: {  	[sflag:s21] =	ssyncadd.s32 $0xFFFFFFA0  }
0x69: {  	_ =	swait.ge [sflag:s21], $0x60  }
0x6a: {  	[sflag:s21] =	ssyncset.done $0x0  }
0x6b: {  	[sflag:s21] =	ssyncadd.s32 $0xFFFFFFA0  }
0x6c: {  	[tilespmem:s31], [sflag:$0x8] =	stream.indirect.gather [hbm4b:s5+s18], $0x80, s28, s18, $0xb8;
	[tilespmem:$0x1D600] =	vst v63  }
0x6d: {  	s26 =	rddreg [dreg:$0x1b];
	s28 =	simm.s32 $0x0  }
.LBB2_2:
0x6e: {  	_ =	swait.ge [sflag:s19], $0x3000  }
0x6f: {  	p0 =	seq.s32 s28, $0x0;
	[sflag:s19] =	ssyncset.done $0x0  }
0x70: {  	s0 =	simm.s32 $0x300;
	s29 =	simm.s32 @!p0 $0xC;
	[sflag:s19] =	ssyncadd.s32 $0xFFFFD000  }
0x71: {  	[spmem:s3] =	stream.indirect.scatter.add.f32 [tilespmem:s20], [sflag:$0xA], $0x80, s0, s18, $0xb8;
	[tilespmem:$0x1D600] =	vst v63  }
0x72: {  	_ =	swait.ge @!p0 [sflag:s29], $0x3000  }
0x73: {  	[sflag:s29] =	ssyncset.done @!p0 $0x0;
	s30 =	rddreg [dreg:$0x1d]  }
0x74: {  	[sflag:s29] =	ssyncadd.s32 @!p0 $0xFFFFD000;
	s0 =	sadd.s32 s28, s30;
	s30 =	rddreg [dreg:$0x1c]  }
0x75: {  	[tilespmem:s16], [sflag:$0x6] =	stream.linear.gather [hbm4b:s0+s4], $0x60, $0x38;
	[tilespmem:$0x1D600] =	vst v63  }
0x76: {  	s0 =	sadd.s32 s28, s30  }
0x77: {  	[tilespmem:s1], [sflag:$0x6] =	stream.linear.gather [hbm4b:s0+s4], $0x60, $0x38;
	[tilespmem:$0x1D600] =	vst v63  }
0x78: {  	_ =	swait.ge [sflag:s7], $0x60  }
0x79: {  	[sflag:s7] =	ssyncset.done $0x0  }
0x7a: {  	[sflag:s7] =	ssyncadd.s32 $0xFFFFFFA0  }
0x7b: {  	_ =	swait.ge [sflag:s7], $0x60  }
0x7c: {  	[sflag:s7] =	ssyncset.done $0x0  }
0x7d: {  	s30 =	simm.s32 $0x100;
	[sflag:s7] =	ssyncadd.s32 $0xFFFFFFA0  }
0x7e: {  	[tilespmem:s8], [sflag:$0x9] =	stream.indirect.gather [hbm4b:s5+s18], $0x80, s30, s18, $0xb8;
	[tilespmem:$0x1D600] =	vst v63  }
0x7f: {  	_ =	swait.ge [sflag:s9], $0x3000  }
0x80: {  	[sflag:s9] =	ssyncset.done $0x0  }
0x81: {  	s29 =	simm.s32 $0x380;
	[sflag:s9] =	ssyncadd.s32 $0xFFFFD000  }
0x82: {  	[spmem:s3] =	stream.indirect.scatter.add.f32 [tilespmem:s31], [sflag:$0xB], $0x80, s29, s18, $0xb8;
	[tilespmem:$0x1D600] =	vst v63  }
0x83: {  	_ =	swait.ge [sflag:s10], $0x3000  }
0x84: {  	[sflag:s10] =	ssyncset.done $0x0  }
0x85: {  	p0 =	seq.s32 s28, $0x4C8;
	[sflag:s10] =	ssyncadd.s32 $0xFFFFD000  }
0x86: {  	s29 =	sshrl.u32 @!p0 s26, $0x3;
	s0 =	rddreg [dreg:$0x1]  }
0x87: {  	s30 =	sadd.s32 @!p0 s0, s29;
	s0 =	simm.s32 @!p0 $0x0  }
0x88: {  	[tilespmem:s0], [sflag:$0x1] =	stream.linear.gather @!p0 [hbm4b:s30+s0], $0x60, $0x38;
	[tilespmem:$0x1D600] =	vst v63  }
0x89: {  	s29 =	sadd.s32 @!p0 s2, s29;
	s30 =	simm.s32 @!p0 $0x300  }
0x8a: {  	[tilespmem:s30], [sflag:$0x1] =	stream.linear.gather @!p0 [hbm4b:s29+s0], $0x60, $0x38;
	[tilespmem:$0x1D600] =	vst v63  }
0x8b: {  	_ =	swait.ge [sflag:s11], $0x60  }
0x8c: {  	[sflag:s11] =	ssyncset.done $0x0  }
0x8d: {  	[sflag:s11] =	ssyncadd.s32 $0xFFFFFFA0  }
0x8e: {  	_ =	swait.ge [sflag:s11], $0x60  }
0x8f: {  	[sflag:s11] =	ssyncset.done $0x0  }
0x90: {  	[sflag:s11] =	ssyncadd.s32 $0xFFFFFFA0  }
0x91: {  	[tilespmem:s20], [sflag:$0x7] =	stream.indirect.gather [hbm4b:s5+s18], $0x80, s12, s18, $0xb8;
	[tilespmem:$0x1D600] =	vst v63  }
0x92: {  	_ =	swait.ge [sflag:s6], $0x3000  }
0x93: {  	[sflag:s6] =	ssyncset.done $0x0  }
0x94: {  	s30 =	simm.s32 $0x400;
	[sflag:s6] =	ssyncadd.s32 $0xFFFFD000  }
0x95: {  	[spmem:s3] =	stream.indirect.scatter.add.f32 [tilespmem:s8], [sflag:$0xC], $0x80, s30, s18, $0xb8;
	[tilespmem:$0x1D600] =	vst v63  }
0x96: {  	_ =	swait.ge [sflag:s22], $0x3000  }
0x97: {  	[sflag:s22] =	ssyncset.done $0x0;
	s29 =	rddreg [dreg:$0x1a]  }
0x98: {  	s30 =	simm.s32 @!p0 $0x80;
	[sflag:s22] =	ssyncadd.s32 $0xFFFFD000;
	s29 =	sadd.s32 @!p0 s28, s29  }
0x99: {  	[tilespmem:s30], [sflag:$0x2] =	stream.linear.gather @!p0 [hbm4b:s29+s0], $0x60, $0x38;
	[tilespmem:$0x1D600] =	vst v63  }
0x9a: {  	s29 =	rddreg [dreg:$0x19]  }
0x9b: {  	s30 =	simm.s32 @!p0 $0x380;
	s29 =	sadd.s32 @!p0 s28, s29  }
0x9c: {  	[tilespmem:s30], [sflag:$0x2] =	stream.linear.gather @!p0 [hbm4b:s29+s0], $0x60, $0x38;
	[tilespmem:$0x1D600] =	vst v63  }
0x9d: {  	_ =	swait.ge [sflag:s23], $0x60  }
0x9e: {  	[sflag:s23] =	ssyncset.done $0x0  }
0x9f: {  	[sflag:s23] =	ssyncadd.s32 $0xFFFFFFA0  }
0xa0: {  	_ =	swait.ge [sflag:s23], $0x60  }
0xa1: {  	[sflag:s23] =	ssyncset.done $0x0  }
0xa2: {  	[sflag:s23] =	ssyncadd.s32 $0xFFFFFFA0  }
0xa3: {  	[tilespmem:s31], [sflag:$0x8] =	stream.indirect.gather [hbm4b:s5+s18], $0x80, s14, s18, $0xb8;
	[tilespmem:$0x1D600] =	vst v63  }
0xa4: {  	_ =	swait.ge [sflag:s19], $0x3000  }
0xa5: {  	[sflag:s19] =	ssyncset.done $0x0  }
0xa6: {  	[sflag:s19] =	ssyncadd.s32 $0xFFFFD000  }
0xa7: {  	[spmem:s3] =	stream.indirect.scatter.add.f32 [tilespmem:s20], [sflag:$0xA], $0x80, s13, s18, $0xb8;
	[tilespmem:$0x1D600] =	vst v63  }
0xa8: {  	_ =	swait.ge [sflag:s24], $0x3000  }
0xa9: {  	[sflag:s24] =	ssyncset.done $0x0;
	s29 =	rddreg [dreg:$0x18]  }
0xaa: {  	s30 =	simm.s32 @!p0 $0x100;
	[sflag:s24] =	ssyncadd.s32 $0xFFFFD000;
	s29 =	sadd.s32 @!p0 s28, s29  }
0xab: {  	[tilespmem:s30], [sflag:$0x3] =	stream.linear.gather @!p0 [hbm4b:s29+s0], $0x60, $0x38;
	[tilespmem:$0x1D600] =	vst v63  }
0xac: {  	s29 =	rddreg [dreg:$0x17]  }
0xad: {  	s30 =	simm.s32 @!p0 $0x400;
	s29 =	sadd.s32 @!p0 s28, s29  }
0xae: {  	[tilespmem:s30], [sflag:$0x3] =	stream.linear.gather @!p0 [hbm4b:s29+s0], $0x60, $0x38;
	[tilespmem:$0x1D600] =	vst v63  }
0xaf: {  	_ =	swait.ge [sflag:s25], $0x60  }
0xb0: {  	[sflag:s25] =	ssyncset.done $0x0  }
0xb1: {  	[sflag:s25] =	ssyncadd.s32 $0xFFFFFFA0  }
0xb2: {  	_ =	swait.ge [sflag:s25], $0x60  }
0xb3: {  	[sflag:s25] =	ssyncset.done $0x0  }
0xb4: {  	[sflag:s25] =	ssyncadd.s32 $0xFFFFFFA0  }
0xb5: {  	[tilespmem:s8], [sflag:$0x9] =	stream.indirect.gather [hbm4b:s5+s18], $0x80, s16, s18, $0xb8;
	[tilespmem:$0x1D600] =	vst v63  }
0xb6: {  	_ =	swait.ge [sflag:s9], $0x3000  }
0xb7: {  	[sflag:s9] =	ssyncset.done $0x0  }
.Ltmp2:
0xb8: {  	[sflag:s9] =	ssyncadd.s32 $0xFFFFD000;
	(pc) =	sbr.rel @p0 .LBB2_4-.Ltmp2, $4  }
0xb9: {  	[spmem:s3] =	stream.indirect.scatter.add.f32 [tilespmem:s31], [sflag:$0xB], $0x80, s15, s18, $0xb8;
	[tilespmem:$0x1D600] =	vst v63  }
0xba: {  	_ =	swait.ge [sflag:s10], $0x3000  }
0xbb: {  	[sflag:s10] =	ssyncset.done $0x0  }
0xbc: {  	[sflag:s10] =	ssyncadd.s32 $0xFFFFD000  }
0xbd: {  	s0 =	rddreg [dreg:$0x16]  }
0xbe: {  	s29 =	rddreg [dreg:$0x15];
	s0 =	sadd.s32 s28, s0  }
0xbf: {  	[tilespmem:s12], [sflag:$0x4] =	stream.linear.gather [hbm4b:s0+s4], $0x60, $0x38;
	[tilespmem:$0x1D600] =	vst v63  }
0xc0: {  	s0 =	sadd.s32 s28, s29  }
0xc1: {  	[tilespmem:s13], [sflag:$0x4] =	stream.linear.gather [hbm4b:s0+s4], $0x60, $0x38;
	[tilespmem:$0x1D600] =	vst v63  }
0xc2: {  	_ =	swait.ge [sflag:s17], $0x60  }
0xc3: {  	[sflag:s17] =	ssyncset.done $0x0  }
0xc4: {  	[sflag:s17] =	ssyncadd.s32 $0xFFFFFFA0  }
0xc5: {  	_ =	swait.ge [sflag:s17], $0x60  }
0xc6: {  	[sflag:s17] =	ssyncset.done $0x0  }
0xc7: {  	[sflag:s17] =	ssyncadd.s32 $0xFFFFFFA0  }
0xc8: {  	[tilespmem:s20], [sflag:$0x7] =	stream.indirect.gather [hbm4b:s5+s18], $0x80, s4, s18, $0xb8;
	[tilespmem:$0x1D600] =	vst v63  }
0xc9: {  	_ =	swait.ge [sflag:s6], $0x3000  }
0xca: {  	[sflag:s6] =	ssyncset.done $0x0  }
0xcb: {  	[sflag:s6] =	ssyncadd.s32 $0xFFFFD000  }
0xcc: {  	[spmem:s3] =	stream.indirect.scatter.add.f32 [tilespmem:s8], [sflag:$0xC], $0x80, s1, s18, $0xb8;
	[tilespmem:$0x1D600] =	vst v63  }
0xcd: {  	_ =	swait.ge [sflag:s22], $0x3000  }
0xce: {  	[sflag:s22] =	ssyncset.done $0x0;
	s30 =	rddreg [dreg:$0x14]  }
0xcf: {  	s29 =	rddreg [dreg:$0x13];
	[sflag:s22] =	ssyncadd.s32 $0xFFFFD000;
	s0 =	sadd.s32 s28, s30  }
0xd0: {  	[tilespmem:s14], [sflag:$0x5] =	stream.linear.gather [hbm4b:s0+s4], $0x60, $0x38;
	[tilespmem:$0x1D600] =	vst v63  }
0xd1: {  	s0 =	sadd.s32 s28, s29  }
0xd2: {  	[tilespmem:s15], [sflag:$0x5] =	stream.linear.gather [hbm4b:s0+s4], $0x60, $0x38;
	[tilespmem:$0x1D600] =	vst v63  }
0xd3: {  	_ =	swait.ge [sflag:s21], $0x60  }
0xd4: {  	[sflag:s21] =	ssyncset.done $0x0  }
.Ltmp3:
0xd5: {  	[sflag:s21] =	ssyncadd.s32 $0xFFFFFFA0;
	(pc) =	sbr.rel .LBB2_2-.Ltmp3, $4  }
0xd6: {  	_ =	swait.ge [sflag:s21], $0x60  }
0xd7: {  	s26 =	sadd.s32 $0x240, s26;
	[sflag:s21] =	ssyncset.done $0x0  }
0xd8: {  	s30 =	simm.s32 $0x80;
	s28 =	sadd.s32 $0x48, s28;
	[sflag:s21] =	ssyncadd.s32 $0xFFFFFFA0  }
0xd9: {  	[tilespmem:s31], [sflag:$0x8] =	stream.indirect.gather [hbm4b:s5+s18], $0x80, s30, s18, $0xb8;
	[tilespmem:$0x1D600] =	vst v63  }
.LBB2_5:
0xda: {  	_ =	sfence.sel $0x180000  }
0xdb: {  	[bflag:$0x0] =	sbarrier.arrive $0xFFFF  }
0xdc: {  	_ =	strace $0x9000004A  }
0xdd: {  	s0 =	stileid.u32;
	[bflag:$0x2] =	sbarrier.arrive $0xFFFF  }
0xde: {  	p0 =	sne.s32 s0, $0x0;
	s0 =	rddreg [dreg:$0x3]  }
0xdf: {  	s0 =	sadd.s32 @!p0 $0x100000, s0  }
0xe0: {  	[sflag:s0] =	ssyncadd.tile.s32 @!p0 $0x1;
	_ =	shalt  }
.Lfunc_end2:
_tile_overlayer_lowered:
.L_overlay_start_2:
0xe1: {  	(tag) =	ssettag $0x2  }
0xe2: {  	s0 =	rddreg [dreg:$0x0];
	s2 =	stileid.u32  }
0xe3: {  	s1 =	rddreg [dreg:$0x1];
	p0 =	sne.s32 s2, $0x0  }
0xe4: {  	s3 =	rddreg [dreg:$0x2];
	[bflag:$0x3] =	sbarrier.arrive $0xFFFF;
	s2 =	simm.s32 @!p0 $0x1C0D  }
0xe5: {  	[timem:s3], [sflag:s2] =	dma.local @!p0 [hbm:s0], s1  }
0xe6: {  	s0 =	simm.s32 @!p0 $0xD  }
0xe7: {  	_ =	swait.ge @!p0 [sflag:s0], s1  }
0xe8: {  	s1 =	ssub.s32 @!p0 $0x0, s1;
	[sflag:s0] =	ssyncset.done @!p0 $0x0  }
0xe9: {  	[sflag:s0] =	ssyncadd.s32 @!p0 s1  }
0xea: {  	[bflag:$0x3] =	sbarrier.arrive $0xFFFF  }
0xeb: {  	_ =	shalt  }

// kernel: kernel.14.cloned.1.call-start
scs
__scs_entry_jumppad:
0x0: {  	(pc) =	sbr.rel $0x88, $3  }
0x1: {  	(tag) =	ssettag $0x0;
	lr =	simm.s32 $0x1  }
0x2: {  	[smem:$0x3F9B] =	sst lr;
	_ =	strace $0xD0000000  }
0x3: {  	_ = 	snop  }
0x4: {  	_ = 	snop  }
0x5: {  	_ = 	snop  }
0x6: {  	_ = 	snop  }
0x7: {  	_ = 	snop  }
__scs_overlays_trampoline_lowered:
0x8: {  	[smem:$0x3FAA] =	sst s0  }
0x9: {  	[smem:$0x3FAB] =	sst s1  }
0xa: {  	[smem:$0x3FAC] =	sst s2  }
0xb: {  	[smem:$0x3FAD] =	sst s3  }
0xc: {  	[smem:$0x3FAE] =	sst s4  }
0xd: {  	[smem:$0x3FAF] =	sst s5  }
0xe: {  	[smem:$0x3FB0] =	sst s6  }
0xf: {  	[smem:$0x3FB1] =	sst s7  }
0x10: {  	[smem:$0x3FB2] =	sst s8  }
0x11: {  	[smem:$0x3FB3] =	sst s9;
	s0 =	simm.s32 @!p0 $0x0  }
0x12: {  	s1 =	sld [smem:$0x3F99];
	s0 =	simm.s32 @p0 $0x1  }
0x13: {  	[smem:$0x3FB4] =	sst s0;
	s0 =	simm.s32 @!p1 $0x0  }
0x14: {  	s2 =	sld [smem:$0x3F98];
	s0 =	simm.s32 @p1 $0x1  }
0x15: {  	[smem:$0x3FB5] =	sst s0;
	s0 =	simm.s32 @!p2 $0x0  }
0x16: {  	s3 =	sld [smem:$0x3FDB];
	s0 =	simm.s32 @p2 $0x1  }
0x17: {  	s4 =	simm.s32 $0x1BF5;
	[smem:$0x3FB7] =	sst s0  }
0x18: {  	s0 =	sld [smem:$0x3F9A];
	_ =	swait.ge [sflag:s4], $0x0  }
0x19: {  	s7 =	sld [smem:$0x3F9B]  }
0x1a: {  	s8 =	sadd.s32 $0xFFFFE003, lr  }
0x1b: {  	s9 =	sadd.s32 $0xFFFFFEF7, lr;
	s5 =	simm.s32 $0xFFFFFFFF;
	p2 =	slt.u32 s8, $0xFFFFF086  }
0x1c: {  	p1 =	slt.u32 s9, $0xF7A;
	s5 =	simm.s32 @!p2 $0x0  }
0x1d: {  	s5 =	simm.s32 @p1 $0x1;
	p0 =	seq.s32 s7, s2  }
0x1e: {  	s7 =	smul.u32 @!p0 $0xF7A, s2;
	p2 =	seq.s32 @!p0 s5, $0x0  }
0x1f: {  	s9 =	smul.u32 $0xF7A, s1;
	s8 =	simm.s32 @!p0 $0x1BF5;
	p2 =	por !p2, p0  }
0x20: {  	[sflag:s8] =	ssyncset.s32 @!p0 $0xFFFFF086;
	s6 =	sadd.s32 @!p0 s3, s7;
	s7 =	simm.s32 @!p0 $0x108  }
0x21: {  	s3 =	sadd.s32 s3, s9;
	s6 =	sadd.s32 @!p0 $0x88, s6;
	s7 =	simm.s32 @p2 $0x1082  }
0x22: {  	[simem:s7], [sflag:s8] =	dma.local @!p0 [hbm:s6], $0xF7A  }
0x23: {  	s9 =	sor.u32 $0xD0000000, s2;
	s6 =	simm.s32 $0x108;
	_ =	swait.ge @!p0 [sflag:s8], $0x0  }
0x24: {  	s3 =	sadd.s32 $0x88, s3;
	s6 =	simm.s32 @!p1 $0x1082;
	[sflag:s4] =	ssyncset.s32 $0xFFFFF086  }
0x25: {  	[simem:s6], [sflag:s4] =	dma.local [hbm:s3], $0xF7A  }
0x26: {  	[smem:$0x3F9B] =	sst s1;
	(tag) =	ssettag s2;
	_ =	strace s9  }
0x27: {  	s1 =	sld [smem:$0x3FAB]  }
0x28: {  	s2 =	sld [smem:$0x3FAC]  }
0x29: {  	s4 =	sld [smem:$0x3FAE]  }
0x2a: {  	p0 =	seq.s32 s5, $0x0;
	s5 =	sld [smem:$0x3FAF]  }
0x2b: {  	s6 =	sld [smem:$0x3FB0]  }
0x2c: {  	s7 =	sld [smem:$0x3FB1]  }
0x2d: {  	s3 =	simm.s32 $0x108;
	s8 =	sld [smem:$0x3FB2]  }
0x2e: {  	s3 =	simm.s32 @!p0 $0x1082;
	s9 =	sld [smem:$0x3FB3]  }
0x2f: {  	lr =	sadd.s32 s0, s3;
	s0 =	sld [smem:$0x3FAA]  }
0x30: {  	s3 =	sld [smem:$0x3FAD]  }
0x31: {  	[smem:$0x3FB6] =	sst s10  }
0x32: {  	s10 =	sld [smem:$0x3FB4];
	_ =	sdelay $0x3  }
0x33: {  	p0 =	seq.s32 s10, $0x1;
	s10 =	sld [smem:$0x3FB6];
	_ =	sdelay $0x3  }
0x34: {  	[smem:$0x3FB6] =	sst s10  }
0x35: {  	s10 =	sld [smem:$0x3FB5];
	_ =	sdelay $0x3  }
0x36: {  	p1 =	seq.s32 s10, $0x1;
	s10 =	sld [smem:$0x3FB6];
	_ =	sdelay $0x3  }
0x37: {  	[smem:$0x3FB6] =	sst s10  }
0x38: {  	s10 =	sld [smem:$0x3FB7]  }
0x39: {  	_ = 	snop;
	(pc) =	sbr.ind lr, $3  }
0x3a: {  	_ = 	snop  }
0x3b: {  	_ = 	snop  }
0x3c: {  	p2 =	seq.s32 s10, $0x1;
	s10 =	sld [smem:$0x3FB6]  }
0x3d: {  	_ =	shalt  }
0x3e: {  	_ =	shalt  }
0x3f: {  	_ =	shalt  }
0x40: {  	_ =	shalt  }
0x41: {  	_ =	shalt  }
0x42: {  	_ =	shalt  }
0x43: {  	_ =	shalt  }
0x44: {  	_ =	shalt  }
0x45: {  	_ =	shalt  }
0x46: {  	_ =	shalt  }
0x47: {  	_ =	shalt  }
0x48: {  	_ =	shalt  }
0x49: {  	_ =	shalt  }
0x4a: {  	_ =	shalt  }
0x4b: {  	_ =	shalt  }
0x4c: {  	_ =	shalt  }
0x4d: {  	_ =	shalt  }
0x4e: {  	_ =	shalt  }
0x4f: {  	_ =	shalt  }
0x50: {  	_ =	shalt  }
0x51: {  	_ =	shalt  }
0x52: {  	_ =	shalt  }
0x53: {  	_ =	shalt  }
0x54: {  	_ =	shalt  }
0x55: {  	_ =	shalt  }
0x56: {  	_ =	shalt  }
0x57: {  	_ =	shalt  }
0x58: {  	_ =	shalt  }
0x59: {  	_ =	shalt  }
0x5a: {  	_ =	shalt  }
0x5b: {  	_ =	shalt  }
0x5c: {  	_ =	shalt  }
0x5d: {  	_ =	shalt  }
0x5e: {  	_ =	shalt  }
0x5f: {  	_ =	shalt  }
0x60: {  	_ =	shalt  }
0x61: {  	_ =	shalt  }
0x62: {  	_ =	shalt  }
0x63: {  	_ =	shalt  }
0x64: {  	_ =	shalt  }
0x65: {  	_ =	shalt  }
0x66: {  	_ =	shalt  }
0x67: {  	_ =	shalt  }
0x68: {  	_ =	shalt  }
0x69: {  	_ =	shalt  }
0x6a: {  	_ =	shalt  }
0x6b: {  	_ =	shalt  }
0x6c: {  	_ =	shalt  }
0x6d: {  	_ =	shalt  }
0x6e: {  	_ =	shalt  }
0x6f: {  	_ =	shalt  }
0x70: {  	_ =	shalt  }
0x71: {  	_ =	shalt  }
0x72: {  	_ =	shalt  }
0x73: {  	_ =	shalt  }
0x74: {  	_ =	shalt  }
0x75: {  	_ =	shalt  }
0x76: {  	_ =	shalt  }
0x77: {  	_ =	shalt  }
0x78: {  	_ =	shalt  }
0x79: {  	_ =	shalt  }
0x7a: {  	_ =	shalt  }
0x7b: {  	_ =	shalt  }
0x7c: {  	_ =	shalt  }
0x7d: {  	_ =	shalt  }
0x7e: {  	_ =	shalt  }
0x7f: {  	_ =	shalt  }
0x80: {  	_ =	shalt  }
0x81: {  	_ =	shalt  }
0x82: {  	_ =	shalt  }
0x83: {  	_ =	shalt  }
0x84: {  	_ =	shalt  }
0x85: {  	_ =	shalt  }
0x86: {  	_ =	shalt  }
0x87: {  	_ =	shalt  }
.Lfunc_end0:
.L_simem_size_0:
called_computation.2_lowered:
.L_overlay_start_0:
0x88: {  	s2 =	sld [smem:$0x3FD9]  }
0x89: {  	s3 =	sld [smem:$0x3FFE];
	_ =	sdelay $0x1  }
0x8a: {  	s1 =	srdreg.scid  }
0x8b: {  	s0 =	sand.u32 $0x1, s1  }
0x8c: {  	s17 =	sshll.u32 s0, $0xA;
	s2 =	sadd.s32 s3, s2  }
0x8d: {  	s2 =	sadd.s32 s2, s17  }
0x8e: {  	[smem:$0x3FC2] =	sst s2  }
0x8f: {  	_ = 	snop  }
0x90: {  	s2 =	sld [smem:$0x3FD0];
	(tm) =	ssettm $0x1  }
0x91: {  	s18 =	sld [smem:$0x3FFB];
	_ =	sdelay $0x3  }
0x92: {  	_ =	strace s18  }
0x93: {  	s3 =	sld [smem:$0x3FFC];
	_ =	sdelay $0x3  }
0x94: {  	_ =	strace s3  }
0x95: {  	s3 =	sld [smem:$0x3FFD];
	_ =	sdelay $0x3  }
0x96: {  	_ =	strace s3  }
0x97: {  	_ =	strace $0x8FFFFFFF  }
0x98: {  	s19 =	sld [smem:$0x3FDB];
	_ =	sdelay $0x1  }
0x99: {  	s4 =	simm.s32 $_scs_section_size  }
0x9a: {  	s5 =	simm.s32 $_size__tile_overlayer_lowered;
	s6 =	simm.s32 $_tile_overlayer_lowered  }
0x9b: {  	s22 =	simm.s32 $0x1BFF;
	s21 =	sshll.u32 s6, $0x1;
	s3 =	sadd.s32 s4, s19  }
0x9c: {  	s7 =	simm.s32 $0x0;
	s20 =	sshll.u32 s5, $0x1;
	s5 =	sadd.s32 s21, s3  }
0x9d: {  	[timem:s7], [sflag:s22] =	dma.local [hbm:s5], s20  }
0x9e: {  	_ =	swait.ge [sflag:s22], s20  }
0x9f: {  	s4 =	ssub.s32 $0x0, s20;
	[sflag:s22] =	ssyncset.done $0x0  }
0xa0: {  	[sflag:s22] =	ssyncadd.s32 s4;
	_ =	sdelay $0x1  }
0xa1: {  	s23 =	simm.s32 $0x1B8B  }
0xa2: {  	_ =	swait.ge [sflag:s23], $0x1  }
0xa3: {  	[sflag:s23] =	ssyncset.done $0x0  }
0xa4: {  	s25 =	simm.s32 $0x1B8E;
	s24 =	sld [smem:$0x3FFE];
	[sflag:s23] =	ssyncadd.s32 $0xFFFFFFFF  }
0xa5: {  	s26 =	simm.s32 $execute0_lowered;
	[smem:$0x3FD2] =	sst s25  }
0xa6: {  	s5 =	sshll.u32 s26, $0x1;
	_ =	strace $0x8000004C;
	[dreg:$0x1] =	wrdreg $0xFFFFFFFF  }
0xa7: {  	s28 =	simm.s32 $_size_execute0_lowered;
	s3 =	sadd.s32 s3, s5;
	[dreg:$0x0] =	wrdreg $0x0  }
0xa8: {  	s5 =	sshll.u32 s28, $0x1;
	[dreg:$0x2] =	wrdreg s3  }
0xa9: {  	[dreg:$0x3] =	wrdreg s5  }
0xaa: {  	[dreg:$0x4] =	wrdreg $0xC0  }
0xab: {  	_ =	task [dreg:s7], $0x5FFFF  }
0xac: {  	[dreg:$0x1] =	wrdreg $0xFFFFFFFF  }
0xad: {  	[dreg:$0x0] =	wrdreg $0x60  }
0xae: {  	[dreg:$0x2] =	wrdreg s24  }
0xaf: {  	[dreg:$0x3] =	wrdreg s2  }
0xb0: {  	[dreg:$0x4] =	wrdreg $0x96000  }
0xb1: {  	[dreg:$0x5] =	wrdreg $0x9  }
0xb2: {  	_ =	task.clear_ibuf [dreg:s7], $0x6FFFF;
	_ =	strace $0x9000004C  }
0xb3: {  	s29 =	simm.s32 $0x9;
	_ =	strace $0x8000004E  }
0xb4: {  	_ =	swait.ge [sflag:s29], $0x1  }
0xb5: {  	[sflag:s29] =	ssyncadd.s32 $0xFFFFFFFF  }
0xb6: {  	_ =	strace $0x9000004E  }
0xb7: {  	_ =	sfence  }
0xb8: {  	s30 =	sld [smem:$0x0];
	_ =	sdelay $0x2  }
0xb9: {  	s31 =	sshll.u32 s1, $0xD;
	s1 =	sshrl.u32 s1, $0x2  }
0xba: {  	s3 =	sand.u32 $0x4000, s31;
	s1 =	sadd.s32 s1, s30  }
0xbb: {  	s0 =	sor.u32 s3, s0;
	s1 =	sshll.u32 s1, $0x11  }
0xbc: {  	s0 =	sor.u32 s1, s0  }
0xbd: {  	s0 =	sadd.s32 $0x8F2B, s0  }
0xbe: {  	[sflag:s0] =	ssyncadd.remote.s32 $0x1  }
0xbf: {  	_ =	sfence.sel $0xFFFF  }
0xc0: {  	[dreg:$0x0] =	wrdreg $0xFFFFFFFF;
	(pc) =	sbr.abs _section_cstart, $3  }
0xc1: {  	[dreg:$0x1] =	wrdreg $0xFFFFFFFF  }
0xc2: {  	_ =	task.clear_ibuf [dreg:s7], $0x2FFFF;
	_ =	strace $0x9FFFFFFF  }
0xc3: {  	(tm) =	ssettm $0x7FFFFFFF  }
tec
execute0_lowered:
.L_overlay_start_1:
0x0: {  	(tag) =	ssettag $0x1  }
0x1: {  	s0 =	rddreg [dreg:$0x0]  }
0x2: {  	s10 =	rddreg [dreg:$0x1]  }
0x3: {  	s3 =	rddreg [dreg:$0x2]  }
0x4: {  	s1 =	srdreg.scid;
	s4 =	simm.s32 $0x0;
	s11 =	stileid.u32  }
0x5: {  	s30 =	simm.s32 $0xD;
	s31 =	simm.s32 $0x3600;
	s28 =	simm.s32 $0x0  }
0x6: {  	s1 =	sand.u32 $0x1, s1;
	[smem:$0x7FF] =	sst s4;
	s2 =	smul.u32 $0x2800, s11  }
0x7: {  	s12 =	sadd.s32 $0x3600, s0;
	s8 =	sadd.s32 $0xE000, s0;
	s26 =	smul.u32 $0x2880, s11  }
0x8: {  	s5 =	sshll.u32 s1, $0x4;
	_ =	strace $0x8000004D;
	s6 =	smul.u32 $0x28000, s1  }
0x9: {  	[dreg:$0x4] =	wrdreg s8;
	s16 =	ssub.s32 $0x2, s1;
	s1 =	smul.u32 $0x28800, s1  }
0xa: {  	s7 =	sor.u32 s11, s5;
	s5 =	sadd.s32 $0x10800, s0;
	s2 =	sadd.s32 s2, s6  }
0xb: {  	s17 =	sshrl.u32 s16, $0x1;
	s7 =	smul.u32 $0x2880, s7;
	s0 =	sadd.s32 s2, s0  }
0xc: {  	s1 =	sadd.s32 s26, s1;
	s2 =	ssub.s32 s16, s17;
	s0 =	sadd.s32 $0x60800, s0  }
0xd: {  	s7 =	sshrl.u32 s7, $0x3;
	s2 =	smax.u32 s2, $0x1;
	[dreg:$0x11] =	wrdreg s0  }
0xe: {  	s14 =	sadd.s32 $0x360, s1;
	s18 =	sadd.s32 s10, s7;
	[dreg:$0x12] =	wrdreg s2  }
0xf: {  	s16 =	sshrl.u32 s14, $0x3;
	s20 =	sadd.s32 s12, s7;
	[dreg:$0x5] =	wrdreg s18  }
0x10: {  	s24 =	smul.u32 $0x50000, s11;
	s17 =	sadd.s32 s16, s12;
	[dreg:$0x6] =	wrdreg s20  }
0x11: {  	s19 =	sor.u32 $0xC, s7;
	s2 =	sadd.s32 s16, s10;
	[dreg:$0x15] =	wrdreg s17  }
0x12: {  	s14 =	simm.s32 $0x200;
	s21 =	sadd.s32 s10, s19;
	[dreg:$0x16] =	wrdreg s2  }
0x13: {  	s22 =	sadd.s32 $0x18, s7;
	s6 =	sadd.s32 s12, s19;
	[dreg:$0x7] =	wrdreg s21  }
0x14: {  	s25 =	sadd.s32 $0x24, s7;
	s23 =	sadd.s32 s10, s22;
	[dreg:$0x8] =	wrdreg s6  }
0x15: {  	s7 =	sadd.s32 $0x30, s7;
	s8 =	sadd.s32 s12, s22;
	[dreg:$0x9] =	wrdreg s23  }
0x16: {  	s16 =	simm.s32 $0x280;
	s9 =	sadd.s32 s10, s25;
	[dreg:$0xa] =	wrdreg s8  }
0x17: {  	s29 =	sadd.s32 s10, s7;
	s7 =	sadd.s32 s12, s7;
	[dreg:$0xb] =	wrdreg s9  }
0x18: {  	s18 =	sadd.s32 $0x300, s1;
	s19 =	sadd.s32 $0x2A0, s1;
	[dreg:$0xd] =	wrdreg s29  }
0x19: {  	s17 =	simm.s32 $0x1;
	s8 =	sadd.s32 s12, s25;
	[dreg:$0xe] =	wrdreg s7  }
0x1a: {  	s6 =	sshrl.u32 s24, $0x2;
	s2 =	sshrl.u32 s19, $0x3;
	s21 =	sadd.s32 $0x1E0, s1  }
0x1b: {  	s24 =	sadd.s32 $0x240, s1;
	s19 =	simm.s32 $0x7;
	s7 =	simm.s32 $0x3  }
0x1c: {  	s9 =	simm.s32 $0x8;
	[dreg:$0xc] =	wrdreg s8;
	s8 =	sshll.u32 s11, $0x6  }
0x1d: {  	s6 =	sadd.s32 s6, s3;
	s11 =	sadd.s32 $0x3C0, s1;
	s22 =	sadd.s32 s2, s12  }
0x1e: {  	s23 =	sadd.s32 s2, s10;
	[dreg:$0x1b] =	wrdreg s24;
	s2 =	smov.u32 s12  }
0x1f: {  	s1 =	simm.s32 $0x580;
	s24 =	simm.s32 $0xC;
	[dreg:$0xf] =	wrdreg s6  }
0x20: {  	s26 =	sor.u32 $0x1C0D, s8;
	s13 =	sshrl.u32 s11, $0x3;
	[dreg:$0x19] =	wrdreg s22  }
0x21: {  	s6 =	sshrl.u32 s21, $0x3;
	[dreg:$0x1a] =	wrdreg s23;
	s21 =	simm.s32 $0x2  }
0x22: {  	s8 =	simm.s32 $0x6600;
	s11 =	simm.s32 $0x4;
	s22 =	simm.s32 $0xB  }
0x23: {  	s23 =	simm.s32 $0x5;
	s15 =	sadd.s32 s13, s12;
	[dreg:$0x10] =	wrdreg s26  }
0x24: {  	s0 =	sadd.s32 s13, s10;
	s25 =	sadd.s32 s6, s12;
	[dreg:$0x13] =	wrdreg s15  }
0x25: {  	s29 =	sadd.s32 s6, s10;
	s13 =	simm.s32 $0x480;
	[dreg:$0x14] =	wrdreg s0  }
.Ltmp0:
0x26: {  	s6 =	simm.s32 $0x9;
	[dreg:$0x1c] =	wrdreg s25;
	(pc) =	sbr.rel .LBB2_1-.Ltmp0, $4  }
0x27: {  	s0 =	sshrl.u32 s18, $0x3;
	[dreg:$0x1d] =	wrdreg s29;
	s15 =	simm.s32 $0x500  }
0x28: {  	s18 =	simm.s32 $0x60;
	s25 =	simm.s32 $0x6;
	s20 =	sadd.s32 s0, s12  }
0x29: {  	s0 =	sadd.s32 s0, s10;
	s12 =	simm.s32 $0x180;
	[dreg:$0x17] =	wrdreg s20  }
0x2a: {  	s10 =	simm.s32 $0xA;
	[dreg:$0x18] =	wrdreg s0;
	s20 =	simm.s32 $0x600  }
.LBB2_4:
0x2b: {  	_ =	swait.ge [sflag:s6], $0x3000  }
0x2c: {  	[sflag:s6] =	ssyncset.done $0x0  }
0x2d: {  	[sflag:s6] =	ssyncadd.s32 $0xFFFFD000  }
0x2e: {  	[spmem:s3] =	stream.indirect.scatter.add.f32 [tilespmem:s8], [sflag:$0xC], $0x80, s1, s18, $0xb8;
	[tilespmem:$0x1D600] =	vst v63  }
0x2f: {  	_ =	swait.ge [sflag:s22], $0x3000  }
0x30: {  	[sflag:s22] =	ssyncset.done $0x0  }
0x31: {  	[sflag:s22] =	ssyncadd.s32 $0xFFFFD000  }
0x32: {  	_ =	swait.ge [sflag:s24], $0x3000  }
0x33: {  	[sflag:s24] =	ssyncset.done $0x0  }
0x34: {  	[sflag:s24] =	ssyncadd.s32 $0xFFFFD000  }
0x35: {  	[bflag:$0x0] =	sbarrier.arrive $0xFFFF  }
0x36: {  	s26 =	rddreg [dreg:$0x10]  }
0x37: {  	s0 =	rddreg [dreg:$0x11]  }
0x38: {  	s30 =	simm.s32 $0xD;
	s28 =	rddreg [dreg:$0x1f]  }
0x39: {  	[hbm:s0], [sflag:s26] =	dma.local [spmem:s28], $0x2800  }
0x3a: {  	_ =	swait.ge [sflag:s30], $0x2800  }
0x3b: {  	s28 =	rddreg [dreg:$0x1e]  }
0x3c: {  	s29 =	rddreg [dreg:$0x12];
	s28 =	sadd.s32 $0x1, s28  }
0x3d: {  	p0 =	sne.s32 s28, s29  }
.Ltmp1:
0x3e: {  	_ = 	snop;
	(pc) =	sbr.rel @!p0 .LBB2_5-.Ltmp1, $3  }
0x3f: {  	_ =	sdelay $0x1  }
0x40: {  	[sflag:s30] =	ssyncset.done $0x0  }
0x41: {  	[sflag:s30] =	ssyncadd.s32 $0xFFFFD800  }
.LBB2_1:
0x42: {  	[dreg:$0x1e] =	wrdreg s28  }
0x43: {  	s0 =	rddreg [dreg:$0x5]  }
0x44: {  	[tilespmem:s4], [sflag:$0x1] =	stream.linear.gather [hbm4b:s0+s4], $0x60, $0x38;
	[tilespmem:$0x1D600] =	vst v63  }
0x45: {  	s29 =	rddreg [dreg:$0x6];
	s28 =	simm.s32 $0x300  }
0x46: {  	[tilespmem:s28], [sflag:$0x1] =	stream.linear.gather [hbm4b:s29+s4], $0x60, $0x38;
	[tilespmem:$0x1D600] =	vst v63  }
0x47: {  	s29 =	rddreg [dreg:$0x7];
	s28 =	simm.s32 $0x80  }
0x48: {  	[tilespmem:s28], [sflag:$0x2] =	stream.linear.gather [hbm4b:s29+s4], $0x60, $0x38;
	[tilespmem:$0x1D600] =	vst v63  }
0x49: {  	s0 =	rddreg [dreg:$0x8];
	s29 =	simm.s32 $0x380  }
0x4a: {  	[tilespmem:s29], [sflag:$0x2] =	stream.linear.gather [hbm4b:s0+s4], $0x60, $0x38;
	[tilespmem:$0x1D600] =	vst v63  }
0x4b: {  	s0 =	rddreg [dreg:$0x9];
	s29 =	simm.s32 $0x100  }
0x4c: {  	[tilespmem:s29], [sflag:$0x3] =	stream.linear.gather [hbm4b:s0+s4], $0x60, $0x38;
	[tilespmem:$0x1D600] =	vst v63  }
0x4d: {  	s0 =	rddreg [dreg:$0xa];
	s29 =	simm.s32 $0x400  }
0x4e: {  	[tilespmem:s29], [sflag:$0x3] =	stream.linear.gather [hbm4b:s0+s4], $0x60, $0x38;
	[tilespmem:$0x1D600] =	vst v63  }
0x4f: {  	s29 =	rddreg [dreg:$0xb]  }
0x50: {  	[tilespmem:s12], [sflag:$0x4] =	stream.linear.gather [hbm4b:s29+s4], $0x60, $0x38;
	[tilespmem:$0x1D600] =	vst v63  }
0x51: {  	s29 =	rddreg [dreg:$0xc]  }
0x52: {  	[tilespmem:s13], [sflag:$0x4] =	stream.linear.gather [hbm4b:s29+s4], $0x60, $0x38;
	[tilespmem:$0x1D600] =	vst v63  }
0x53: {  	s29 =	rddreg [dreg:$0xd]  }
0x54: {  	[tilespmem:s14], [sflag:$0x5] =	stream.linear.gather [hbm4b:s29+s4], $0x60, $0x38;
	[tilespmem:$0x1D600] =	vst v63  }
0x55: {  	s29 =	rddreg [dreg:$0xe]  }
0x56: {  	[tilespmem:s15], [sflag:$0x5] =	stream.linear.gather [hbm4b:s29+s4], $0x60, $0x38;
	[tilespmem:$0x1D600] =	vst v63  }
0x57: {  	s29 =	rddreg [dreg:$0xf]  }
0x58: {  	s0 =	rddreg [dreg:$0x4];
	s29 =	sshrl.u32 s29, $0x3  }
0x59: {  	[dreg:$0x1f] =	wrdreg s29  }
0x5a: {  	[spmem:s29], [sflag:s26] =	dma.local [hbm:s0], $0x2800  }
0x5b: {  	_ =	swait.ge [sflag:s30], $0x2800  }
0x5c: {  	[sflag:s30] =	ssyncset.done $0x0  }
0x5d: {  	[sflag:s30] =	ssyncadd.s32 $0xFFFFD800  }
0x5e: {  	[bflag:$0x0] =	sbarrier.arrive $0xFFFF  }
0x5f: {  	_ =	swait.ge [sflag:s17], $0x60  }
0x60: {  	[sflag:s17] =	ssyncset.done $0x0  }
0x61: {  	[sflag:s17] =	ssyncadd.s32 $0xFFFFFFA0  }
0x62: {  	_ =	swait.ge [sflag:s17], $0x60  }
0x63: {  	[sflag:s17] =	ssyncset.done $0x0  }
0x64: {  	[sflag:s17] =	ssyncadd.s32 $0xFFFFFFA0  }
0x65: {  	[tilespmem:s20], [sflag:$0x7] =	stream.indirect.gather [hbm4b:s5+s18], $0x80, s4, s18, $0xb8;
	[tilespmem:$0x1D600] =	vst v63  }
0x66: {  	_ =	swait.ge [sflag:s21], $0x60  }
0x67: {  	[sflag:s21] =	ssyncset.done $0x0  }
0x68: {  	[sflag:s21] =	ssyncadd.s32 $0xFFFFFFA0  }
0x69: {  	_ =	swait.ge [sflag:s21], $0x60  }
0x6a: {  	[sflag:s21] =	ssyncset.done $0x0  }
0x6b: {  	[sflag:s21] =	ssyncadd.s32 $0xFFFFFFA0  }
0x6c: {  	[tilespmem:s31], [sflag:$0x8] =	stream.indirect.gather [hbm4b:s5+s18], $0x80, s28, s18, $0xb8;
	[tilespmem:$0x1D600] =	vst v63  }
0x6d: {  	s26 =	rddreg [dreg:$0x1b];
	s28 =	simm.s32 $0x0  }
.LBB2_2:
0x6e: {  	_ =	swait.ge [sflag:s19], $0x3000  }
0x6f: {  	p0 =	seq.s32 s28, $0x0;
	[sflag:s19] =	ssyncset.done $0x0  }
0x70: {  	s0 =	simm.s32 $0x300;
	s29 =	simm.s32 @!p0 $0xC;
	[sflag:s19] =	ssyncadd.s32 $0xFFFFD000  }
0x71: {  	[spmem:s3] =	stream.indirect.scatter.add.f32 [tilespmem:s20], [sflag:$0xA], $0x80, s0, s18, $0xb8;
	[tilespmem:$0x1D600] =	vst v63  }
0x72: {  	_ =	swait.ge @!p0 [sflag:s29], $0x3000  }
0x73: {  	[sflag:s29] =	ssyncset.done @!p0 $0x0;
	s30 =	rddreg [dreg:$0x1d]  }
0x74: {  	[sflag:s29] =	ssyncadd.s32 @!p0 $0xFFFFD000;
	s0 =	sadd.s32 s28, s30;
	s30 =	rddreg [dreg:$0x1c]  }
0x75: {  	[tilespmem:s16], [sflag:$0x6] =	stream.linear.gather [hbm4b:s0+s4], $0x60, $0x38;
	[tilespmem:$0x1D600] =	vst v63  }
0x76: {  	s0 =	sadd.s32 s28, s30  }
0x77: {  	[tilespmem:s1], [sflag:$0x6] =	stream.linear.gather [hbm4b:s0+s4], $0x60, $0x38;
	[tilespmem:$0x1D600] =	vst v63  }
0x78: {  	_ =	swait.ge [sflag:s7], $0x60  }
0x79: {  	[sflag:s7] =	ssyncset.done $0x0  }
0x7a: {  	[sflag:s7] =	ssyncadd.s32 $0xFFFFFFA0  }
0x7b: {  	_ =	swait.ge [sflag:s7], $0x60  }
0x7c: {  	[sflag:s7] =	ssyncset.done $0x0  }
0x7d: {  	s30 =	simm.s32 $0x100;
	[sflag:s7] =	ssyncadd.s32 $0xFFFFFFA0  }
0x7e: {  	[tilespmem:s8], [sflag:$0x9] =	stream.indirect.gather [hbm4b:s5+s18], $0x80, s30, s18, $0xb8;
	[tilespmem:$0x1D600] =	vst v63  }
0x7f: {  	_ =	swait.ge [sflag:s9], $0x3000  }
0x80: {  	[sflag:s9] =	ssyncset.done $0x0  }
0x81: {  	s29 =	simm.s32 $0x380;
	[sflag:s9] =	ssyncadd.s32 $0xFFFFD000  }
0x82: {  	[spmem:s3] =	stream.indirect.scatter.add.f32 [tilespmem:s31], [sflag:$0xB], $0x80, s29, s18, $0xb8;
	[tilespmem:$0x1D600] =	vst v63  }
0x83: {  	_ =	swait.ge [sflag:s10], $0x3000  }
0x84: {  	[sflag:s10] =	ssyncset.done $0x0  }
0x85: {  	p0 =	seq.s32 s28, $0x4C8;
	[sflag:s10] =	ssyncadd.s32 $0xFFFFD000  }
0x86: {  	s29 =	sshrl.u32 @!p0 s26, $0x3;
	s0 =	rddreg [dreg:$0x1]  }
0x87: {  	s30 =	sadd.s32 @!p0 s0, s29;
	s0 =	simm.s32 @!p0 $0x0  }
0x88: {  	[tilespmem:s0], [sflag:$0x1] =	stream.linear.gather @!p0 [hbm4b:s30+s0], $0x60, $0x38;
	[tilespmem:$0x1D600] =	vst v63  }
0x89: {  	s29 =	sadd.s32 @!p0 s2, s29;
	s30 =	simm.s32 @!p0 $0x300  }
0x8a: {  	[tilespmem:s30], [sflag:$0x1] =	stream.linear.gather @!p0 [hbm4b:s29+s0], $0x60, $0x38;
	[tilespmem:$0x1D600] =	vst v63  }
0x8b: {  	_ =	swait.ge [sflag:s11], $0x60  }
0x8c: {  	[sflag:s11] =	ssyncset.done $0x0  }
0x8d: {  	[sflag:s11] =	ssyncadd.s32 $0xFFFFFFA0  }
0x8e: {  	_ =	swait.ge [sflag:s11], $0x60  }
0x8f: {  	[sflag:s11] =	ssyncset.done $0x0  }
0x90: {  	[sflag:s11] =	ssyncadd.s32 $0xFFFFFFA0  }
0x91: {  	[tilespmem:s20], [sflag:$0x7] =	stream.indirect.gather [hbm4b:s5+s18], $0x80, s12, s18, $0xb8;
	[tilespmem:$0x1D600] =	vst v63  }
0x92: {  	_ =	swait.ge [sflag:s6], $0x3000  }
0x93: {  	[sflag:s6] =	ssyncset.done $0x0  }
0x94: {  	s30 =	simm.s32 $0x400;
	[sflag:s6] =	ssyncadd.s32 $0xFFFFD000  }
0x95: {  	[spmem:s3] =	stream.indirect.scatter.add.f32 [tilespmem:s8], [sflag:$0xC], $0x80, s30, s18, $0xb8;
	[tilespmem:$0x1D600] =	vst v63  }
0x96: {  	_ =	swait.ge [sflag:s22], $0x3000  }
0x97: {  	[sflag:s22] =	ssyncset.done $0x0;
	s29 =	rddreg [dreg:$0x1a]  }
0x98: {  	s30 =	simm.s32 @!p0 $0x80;
	[sflag:s22] =	ssyncadd.s32 $0xFFFFD000;
	s29 =	sadd.s32 @!p0 s28, s29  }
0x99: {  	[tilespmem:s30], [sflag:$0x2] =	stream.linear.gather @!p0 [hbm4b:s29+s0], $0x60, $0x38;
	[tilespmem:$0x1D600] =	vst v63  }
0x9a: {  	s29 =	rddreg [dreg:$0x19]  }
0x9b: {  	s30 =	simm.s32 @!p0 $0x380;
	s29 =	sadd.s32 @!p0 s28, s29  }
0x9c: {  	[tilespmem:s30], [sflag:$0x2] =	stream.linear.gather @!p0 [hbm4b:s29+s0], $0x60, $0x38;
	[tilespmem:$0x1D600] =	vst v63  }
0x9d: {  	_ =	swait.ge [sflag:s23], $0x60  }
0x9e: {  	[sflag:s23] =	ssyncset.done $0x0  }
0x9f: {  	[sflag:s23] =	ssyncadd.s32 $0xFFFFFFA0  }
0xa0: {  	_ =	swait.ge [sflag:s23], $0x60  }
0xa1: {  	[sflag:s23] =	ssyncset.done $0x0  }
0xa2: {  	[sflag:s23] =	ssyncadd.s32 $0xFFFFFFA0  }
0xa3: {  	[tilespmem:s31], [sflag:$0x8] =	stream.indirect.gather [hbm4b:s5+s18], $0x80, s14, s18, $0xb8;
	[tilespmem:$0x1D600] =	vst v63  }
0xa4: {  	_ =	swait.ge [sflag:s19], $0x3000  }
0xa5: {  	[sflag:s19] =	ssyncset.done $0x0  }
0xa6: {  	[sflag:s19] =	ssyncadd.s32 $0xFFFFD000  }
0xa7: {  	[spmem:s3] =	stream.indirect.scatter.add.f32 [tilespmem:s20], [sflag:$0xA], $0x80, s13, s18, $0xb8;
	[tilespmem:$0x1D600] =	vst v63  }
0xa8: {  	_ =	swait.ge [sflag:s24], $0x3000  }
0xa9: {  	[sflag:s24] =	ssyncset.done $0x0;
	s29 =	rddreg [dreg:$0x18]  }
0xaa: {  	s30 =	simm.s32 @!p0 $0x100;
	[sflag:s24] =	ssyncadd.s32 $0xFFFFD000;
	s29 =	sadd.s32 @!p0 s28, s29  }
0xab: {  	[tilespmem:s30], [sflag:$0x3] =	stream.linear.gather @!p0 [hbm4b:s29+s0], $0x60, $0x38;
	[tilespmem:$0x1D600] =	vst v63  }
0xac: {  	s29 =	rddreg [dreg:$0x17]  }
0xad: {  	s30 =	simm.s32 @!p0 $0x400;
	s29 =	sadd.s32 @!p0 s28, s29  }
0xae: {  	[tilespmem:s30], [sflag:$0x3] =	stream.linear.gather @!p0 [hbm4b:s29+s0], $0x60, $0x38;
	[tilespmem:$0x1D600] =	vst v63  }
0xaf: {  	_ =	swait.ge [sflag:s25], $0x60  }
0xb0: {  	[sflag:s25] =	ssyncset.done $0x0  }
0xb1: {  	[sflag:s25] =	ssyncadd.s32 $0xFFFFFFA0  }
0xb2: {  	_ =	swait.ge [sflag:s25], $0x60  }
0xb3: {  	[sflag:s25] =	ssyncset.done $0x0  }
0xb4: {  	[sflag:s25] =	ssyncadd.s32 $0xFFFFFFA0  }
0xb5: {  	[tilespmem:s8], [sflag:$0x9] =	stream.indirect.gather [hbm4b:s5+s18], $0x80, s16, s18, $0xb8;
	[tilespmem:$0x1D600] =	vst v63  }
0xb6: {  	_ =	swait.ge [sflag:s9], $0x3000  }
0xb7: {  	[sflag:s9] =	ssyncset.done $0x0  }
.Ltmp2:
0xb8: {  	[sflag:s9] =	ssyncadd.s32 $0xFFFFD000;
	(pc) =	sbr.rel @p0 .LBB2_4-.Ltmp2, $4  }
0xb9: {  	[spmem:s3] =	stream.indirect.scatter.add.f32 [tilespmem:s31], [sflag:$0xB], $0x80, s15, s18, $0xb8;
	[tilespmem:$0x1D600] =	vst v63  }
0xba: {  	_ =	swait.ge [sflag:s10], $0x3000  }
0xbb: {  	[sflag:s10] =	ssyncset.done $0x0  }
0xbc: {  	[sflag:s10] =	ssyncadd.s32 $0xFFFFD000  }
0xbd: {  	s0 =	rddreg [dreg:$0x16]  }
0xbe: {  	s29 =	rddreg [dreg:$0x15];
	s0 =	sadd.s32 s28, s0  }
0xbf: {  	[tilespmem:s12], [sflag:$0x4] =	stream.linear.gather [hbm4b:s0+s4], $0x60, $0x38;
	[tilespmem:$0x1D600] =	vst v63  }
0xc0: {  	s0 =	sadd.s32 s28, s29  }
0xc1: {  	[tilespmem:s13], [sflag:$0x4] =	stream.linear.gather [hbm4b:s0+s4], $0x60, $0x38;
	[tilespmem:$0x1D600] =	vst v63  }
0xc2: {  	_ =	swait.ge [sflag:s17], $0x60  }
0xc3: {  	[sflag:s17] =	ssyncset.done $0x0  }
0xc4: {  	[sflag:s17] =	ssyncadd.s32 $0xFFFFFFA0  }
0xc5: {  	_ =	swait.ge [sflag:s17], $0x60  }
0xc6: {  	[sflag:s17] =	ssyncset.done $0x0  }
0xc7: {  	[sflag:s17] =	ssyncadd.s32 $0xFFFFFFA0  }
0xc8: {  	[tilespmem:s20], [sflag:$0x7] =	stream.indirect.gather [hbm4b:s5+s18], $0x80, s4, s18, $0xb8;
	[tilespmem:$0x1D600] =	vst v63  }
0xc9: {  	_ =	swait.ge [sflag:s6], $0x3000  }
0xca: {  	[sflag:s6] =	ssyncset.done $0x0  }
0xcb: {  	[sflag:s6] =	ssyncadd.s32 $0xFFFFD000  }
0xcc: {  	[spmem:s3] =	stream.indirect.scatter.add.f32 [tilespmem:s8], [sflag:$0xC], $0x80, s1, s18, $0xb8;
	[tilespmem:$0x1D600] =	vst v63  }
0xcd: {  	_ =	swait.ge [sflag:s22], $0x3000  }
0xce: {  	[sflag:s22] =	ssyncset.done $0x0;
	s30 =	rddreg [dreg:$0x14]  }
0xcf: {  	s29 =	rddreg [dreg:$0x13];
	[sflag:s22] =	ssyncadd.s32 $0xFFFFD000;
	s0 =	sadd.s32 s28, s30  }
0xd0: {  	[tilespmem:s14], [sflag:$0x5] =	stream.linear.gather [hbm4b:s0+s4], $0x60, $0x38;
	[tilespmem:$0x1D600] =	vst v63  }
0xd1: {  	s0 =	sadd.s32 s28, s29  }
0xd2: {  	[tilespmem:s15], [sflag:$0x5] =	stream.linear.gather [hbm4b:s0+s4], $0x60, $0x38;
	[tilespmem:$0x1D600] =	vst v63  }
0xd3: {  	_ =	swait.ge [sflag:s21], $0x60  }
0xd4: {  	[sflag:s21] =	ssyncset.done $0x0  }
.Ltmp3:
0xd5: {  	[sflag:s21] =	ssyncadd.s32 $0xFFFFFFA0;
	(pc) =	sbr.rel .LBB2_2-.Ltmp3, $4  }
0xd6: {  	_ =	swait.ge [sflag:s21], $0x60  }
0xd7: {  	s26 =	sadd.s32 $0x240, s26;
	[sflag:s21] =	ssyncset.done $0x0  }
0xd8: {  	s30 =	simm.s32 $0x80;
	s28 =	sadd.s32 $0x48, s28;
	[sflag:s21] =	ssyncadd.s32 $0xFFFFFFA0  }
0xd9: {  	[tilespmem:s31], [sflag:$0x8] =	stream.indirect.gather [hbm4b:s5+s18], $0x80, s30, s18, $0xb8;
	[tilespmem:$0x1D600] =	vst v63  }
.LBB2_5:
0xda: {  	_ =	sfence.sel $0x180000  }
0xdb: {  	[bflag:$0x0] =	sbarrier.arrive $0xFFFF  }
0xdc: {  	_ =	strace $0x9000004D  }
0xdd: {  	s0 =	stileid.u32;
	[bflag:$0x2] =	sbarrier.arrive $0xFFFF  }
0xde: {  	p0 =	sne.s32 s0, $0x0;
	s0 =	rddreg [dreg:$0x3]  }
0xdf: {  	s0 =	sadd.s32 @!p0 $0x100000, s0  }
0xe0: {  	[sflag:s0] =	ssyncadd.tile.s32 @!p0 $0x1;
	_ =	shalt  }
.Lfunc_end2:
_tile_overlayer_lowered:
.L_overlay_start_2:
0xe1: {  	(tag) =	ssettag $0x2  }
0xe2: {  	s0 =	rddreg [dreg:$0x0];
	s2 =	stileid.u32  }
0xe3: {  	s1 =	rddreg [dreg:$0x1];
	p0 =	sne.s32 s2, $0x0  }
0xe4: {  	s3 =	rddreg [dreg:$0x2];
	[bflag:$0x3] =	sbarrier.arrive $0xFFFF;
	s2 =	simm.s32 @!p0 $0x1C0D  }
0xe5: {  	[timem:s3], [sflag:s2] =	dma.local @!p0 [hbm:s0], s1  }
0xe6: {  	s0 =	simm.s32 @!p0 $0xD  }
0xe7: {  	_ =	swait.ge @!p0 [sflag:s0], s1  }
0xe8: {  	s1 =	ssub.s32 @!p0 $0x0, s1;
	[sflag:s0] =	ssyncset.done @!p0 $0x0  }
0xe9: {  	[sflag:s0] =	ssyncadd.s32 @!p0 s1  }
0xea: {  	[bflag:$0x3] =	sbarrier.arrive $0xFFFF  }
0xeb: {  	_ =	shalt  }

// kernel: kernel.8.cloned.1.call-start
scs
__scs_entry_jumppad:
0x0: {  	(pc) =	sbr.rel $0x88, $3  }
0x1: {  	(tag) =	ssettag $0x0;
	lr =	simm.s32 $0x1  }
0x2: {  	[smem:$0x3F9B] =	sst lr;
	_ =	strace $0xD0000000  }
0x3: {  	_ = 	snop  }
0x4: {  	_ = 	snop  }
0x5: {  	_ = 	snop  }
0x6: {  	_ = 	snop  }
0x7: {  	_ = 	snop  }
__scs_overlays_trampoline_lowered:
0x8: {  	[smem:$0x3FAA] =	sst s0  }
0x9: {  	[smem:$0x3FAB] =	sst s1  }
0xa: {  	[smem:$0x3FAC] =	sst s2  }
0xb: {  	[smem:$0x3FAD] =	sst s3  }
0xc: {  	[smem:$0x3FAE] =	sst s4  }
0xd: {  	[smem:$0x3FAF] =	sst s5  }
0xe: {  	[smem:$0x3FB0] =	sst s6  }
0xf: {  	[smem:$0x3FB1] =	sst s7  }
0x10: {  	[smem:$0x3FB2] =	sst s8  }
0x11: {  	[smem:$0x3FB3] =	sst s9;
	s0 =	simm.s32 @!p0 $0x0  }
0x12: {  	s1 =	sld [smem:$0x3F99];
	s0 =	simm.s32 @p0 $0x1  }
0x13: {  	[smem:$0x3FB4] =	sst s0;
	s0 =	simm.s32 @!p1 $0x0  }
0x14: {  	s2 =	sld [smem:$0x3F98];
	s0 =	simm.s32 @p1 $0x1  }
0x15: {  	[smem:$0x3FB5] =	sst s0;
	s0 =	simm.s32 @!p2 $0x0  }
0x16: {  	s3 =	sld [smem:$0x3FDB];
	s0 =	simm.s32 @p2 $0x1  }
0x17: {  	s4 =	simm.s32 $0x1BF5;
	[smem:$0x3FB7] =	sst s0  }
0x18: {  	s0 =	sld [smem:$0x3F9A];
	_ =	swait.ge [sflag:s4], $0x0  }
0x19: {  	s7 =	sld [smem:$0x3F9B]  }
0x1a: {  	s8 =	sadd.s32 $0xFFFFE003, lr  }
0x1b: {  	s9 =	sadd.s32 $0xFFFFFEF7, lr;
	s5 =	simm.s32 $0xFFFFFFFF;
	p2 =	slt.u32 s8, $0xFFFFF086  }
0x1c: {  	p1 =	slt.u32 s9, $0xF7A;
	s5 =	simm.s32 @!p2 $0x0  }
0x1d: {  	s5 =	simm.s32 @p1 $0x1;
	p0 =	seq.s32 s7, s2  }
0x1e: {  	s7 =	smul.u32 @!p0 $0xF7A, s2;
	p2 =	seq.s32 @!p0 s5, $0x0  }
0x1f: {  	s9 =	smul.u32 $0xF7A, s1;
	s8 =	simm.s32 @!p0 $0x1BF5;
	p2 =	por !p2, p0  }
0x20: {  	[sflag:s8] =	ssyncset.s32 @!p0 $0xFFFFF086;
	s6 =	sadd.s32 @!p0 s3, s7;
	s7 =	simm.s32 @!p0 $0x108  }
0x21: {  	s3 =	sadd.s32 s3, s9;
	s6 =	sadd.s32 @!p0 $0x88, s6;
	s7 =	simm.s32 @p2 $0x1082  }
0x22: {  	[simem:s7], [sflag:s8] =	dma.local @!p0 [hbm:s6], $0xF7A  }
0x23: {  	s9 =	sor.u32 $0xD0000000, s2;
	s6 =	simm.s32 $0x108;
	_ =	swait.ge @!p0 [sflag:s8], $0x0  }
0x24: {  	s3 =	sadd.s32 $0x88, s3;
	s6 =	simm.s32 @!p1 $0x1082;
	[sflag:s4] =	ssyncset.s32 $0xFFFFF086  }
0x25: {  	[simem:s6], [sflag:s4] =	dma.local [hbm:s3], $0xF7A  }
0x26: {  	[smem:$0x3F9B] =	sst s1;
	(tag) =	ssettag s2;
	_ =	strace s9  }
0x27: {  	s1 =	sld [smem:$0x3FAB]  }
0x28: {  	s2 =	sld [smem:$0x3FAC]  }
0x29: {  	s4 =	sld [smem:$0x3FAE]  }
0x2a: {  	p0 =	seq.s32 s5, $0x0;
	s5 =	sld [smem:$0x3FAF]  }
0x2b: {  	s6 =	sld [smem:$0x3FB0]  }
0x2c: {  	s7 =	sld [smem:$0x3FB1]  }
0x2d: {  	s3 =	simm.s32 $0x108;
	s8 =	sld [smem:$0x3FB2]  }
0x2e: {  	s3 =	simm.s32 @!p0 $0x1082;
	s9 =	sld [smem:$0x3FB3]  }
0x2f: {  	lr =	sadd.s32 s0, s3;
	s0 =	sld [smem:$0x3FAA]  }
0x30: {  	s3 =	sld [smem:$0x3FAD]  }
0x31: {  	[smem:$0x3FB6] =	sst s10  }
0x32: {  	s10 =	sld [smem:$0x3FB4];
	_ =	sdelay $0x3  }
0x33: {  	p0 =	seq.s32 s10, $0x1;
	s10 =	sld [smem:$0x3FB6];
	_ =	sdelay $0x3  }
0x34: {  	[smem:$0x3FB6] =	sst s10  }
0x35: {  	s10 =	sld [smem:$0x3FB5];
	_ =	sdelay $0x3  }
0x36: {  	p1 =	seq.s32 s10, $0x1;
	s10 =	sld [smem:$0x3FB6];
	_ =	sdelay $0x3  }
0x37: {  	[smem:$0x3FB6] =	sst s10  }
0x38: {  	s10 =	sld [smem:$0x3FB7]  }
0x39: {  	_ = 	snop;
	(pc) =	sbr.ind lr, $3  }
0x3a: {  	_ = 	snop  }
0x3b: {  	_ = 	snop  }
0x3c: {  	p2 =	seq.s32 s10, $0x1;
	s10 =	sld [smem:$0x3FB6]  }
0x3d: {  	_ =	shalt  }
0x3e: {  	_ =	shalt  }
0x3f: {  	_ =	shalt  }
0x40: {  	_ =	shalt  }
0x41: {  	_ =	shalt  }
0x42: {  	_ =	shalt  }
0x43: {  	_ =	shalt  }
0x44: {  	_ =	shalt  }
0x45: {  	_ =	shalt  }
0x46: {  	_ =	shalt  }
0x47: {  	_ =	shalt  }
0x48: {  	_ =	shalt  }
0x49: {  	_ =	shalt  }
0x4a: {  	_ =	shalt  }
0x4b: {  	_ =	shalt  }
0x4c: {  	_ =	shalt  }
0x4d: {  	_ =	shalt  }
0x4e: {  	_ =	shalt  }
0x4f: {  	_ =	shalt  }
0x50: {  	_ =	shalt  }
0x51: {  	_ =	shalt  }
0x52: {  	_ =	shalt  }
0x53: {  	_ =	shalt  }
0x54: {  	_ =	shalt  }
0x55: {  	_ =	shalt  }
0x56: {  	_ =	shalt  }
0x57: {  	_ =	shalt  }
0x58: {  	_ =	shalt  }
0x59: {  	_ =	shalt  }
0x5a: {  	_ =	shalt  }
0x5b: {  	_ =	shalt  }
0x5c: {  	_ =	shalt  }
0x5d: {  	_ =	shalt  }
0x5e: {  	_ =	shalt  }
0x5f: {  	_ =	shalt  }
0x60: {  	_ =	shalt  }
0x61: {  	_ =	shalt  }
0x62: {  	_ =	shalt  }
0x63: {  	_ =	shalt  }
0x64: {  	_ =	shalt  }
0x65: {  	_ =	shalt  }
0x66: {  	_ =	shalt  }
0x67: {  	_ =	shalt  }
0x68: {  	_ =	shalt  }
0x69: {  	_ =	shalt  }
0x6a: {  	_ =	shalt  }
0x6b: {  	_ =	shalt  }
0x6c: {  	_ =	shalt  }
0x6d: {  	_ =	shalt  }
0x6e: {  	_ =	shalt  }
0x6f: {  	_ =	shalt  }
0x70: {  	_ =	shalt  }
0x71: {  	_ =	shalt  }
0x72: {  	_ =	shalt  }
0x73: {  	_ =	shalt  }
0x74: {  	_ =	shalt  }
0x75: {  	_ =	shalt  }
0x76: {  	_ =	shalt  }
0x77: {  	_ =	shalt  }
0x78: {  	_ =	shalt  }
0x79: {  	_ =	shalt  }
0x7a: {  	_ =	shalt  }
0x7b: {  	_ =	shalt  }
0x7c: {  	_ =	shalt  }
0x7d: {  	_ =	shalt  }
0x7e: {  	_ =	shalt  }
0x7f: {  	_ =	shalt  }
0x80: {  	_ =	shalt  }
0x81: {  	_ =	shalt  }
0x82: {  	_ =	shalt  }
0x83: {  	_ =	shalt  }
0x84: {  	_ =	shalt  }
0x85: {  	_ =	shalt  }
0x86: {  	_ =	shalt  }
0x87: {  	_ =	shalt  }
.Lfunc_end0:
.L_simem_size_0:
called_computation_lowered:
.L_overlay_start_0:
0x88: {  	s2 =	sld [smem:$0x3FD9]  }
0x89: {  	s3 =	sld [smem:$0x3FFE];
	_ =	sdelay $0x1  }
0x8a: {  	s1 =	srdreg.scid  }
0x8b: {  	s0 =	sand.u32 $0x1, s1  }
0x8c: {  	s16 =	sshll.u32 s0, $0xA;
	s2 =	sadd.s32 s3, s2  }
0x8d: {  	s2 =	sadd.s32 s2, s16  }
0x8e: {  	[smem:$0x3FC2] =	sst s2  }
0x8f: {  	_ = 	snop  }
0x90: {  	(tm) =	ssettm $0x1  }
0x91: {  	s17 =	sld [smem:$0x3FFB];
	_ =	sdelay $0x3  }
0x92: {  	_ =	strace s17  }
0x93: {  	s2 =	sld [smem:$0x3FFC];
	_ =	sdelay $0x3  }
0x94: {  	_ =	strace s2  }
0x95: {  	s2 =	sld [smem:$0x3FFD];
	_ =	sdelay $0x3  }
0x96: {  	_ =	strace s2  }
0x97: {  	_ =	strace $0x8FFFFFFF  }
0x98: {  	s18 =	sld [smem:$0x3FDB];
	_ =	sdelay $0x1  }
0x99: {  	s19 =	simm.s32 $_scs_section_size  }
0x9a: {  	s4 =	simm.s32 $_size__tile_overlayer_lowered;
	s5 =	simm.s32 $_tile_overlayer_lowered  }
0x9b: {  	s22 =	simm.s32 $0x1BFF;
	s21 =	sshll.u32 s5, $0x1;
	s2 =	sadd.s32 s19, s18  }
0x9c: {  	s6 =	simm.s32 $0x0;
	s20 =	sshll.u32 s4, $0x1;
	s4 =	sadd.s32 s21, s2  }
0x9d: {  	[timem:s6], [sflag:s22] =	dma.local [hbm:s4], s20  }
0x9e: {  	_ =	swait.ge [sflag:s22], s20  }
0x9f: {  	s3 =	ssub.s32 $0x0, s20;
	[sflag:s22] =	ssyncset.done $0x0  }
0xa0: {  	[sflag:s22] =	ssyncadd.s32 s3;
	_ =	sdelay $0x1  }
0xa1: {  	s23 =	simm.s32 $0x1B8B  }
0xa2: {  	_ =	swait.ge [sflag:s23], $0x1  }
0xa3: {  	[sflag:s23] =	ssyncset.done $0x0  }
0xa4: {  	s25 =	simm.s32 $0x1B8E;
	s24 =	sld [smem:$0x3FFE];
	[sflag:s23] =	ssyncadd.s32 $0xFFFFFFFF  }
0xa5: {  	s26 =	simm.s32 $execute0_lowered;
	[smem:$0x3FD2] =	sst s25  }
0xa6: {  	s4 =	sshll.u32 s26, $0x1;
	_ =	strace $0x80000046;
	[dreg:$0x1] =	wrdreg $0xFFFFFFFF  }
0xa7: {  	s28 =	simm.s32 $_size_execute0_lowered;
	s2 =	sadd.s32 s2, s4;
	[dreg:$0x0] =	wrdreg $0x0  }
0xa8: {  	s4 =	sshll.u32 s28, $0x1;
	[dreg:$0x2] =	wrdreg s2  }
0xa9: {  	[dreg:$0x3] =	wrdreg s4  }
0xaa: {  	[dreg:$0x4] =	wrdreg $0xC0  }
0xab: {  	_ =	task [dreg:s6], $0x5FFFF  }
0xac: {  	[dreg:$0x1] =	wrdreg $0xFFFFFFFF  }
0xad: {  	[dreg:$0x0] =	wrdreg $0x60  }
0xae: {  	[dreg:$0x2] =	wrdreg s24  }
0xaf: {  	[dreg:$0x3] =	wrdreg $0x41800  }
0xb0: {  	[dreg:$0x4] =	wrdreg $0x9  }
0xb1: {  	_ =	task.clear_ibuf [dreg:s6], $0x5FFFF;
	_ =	strace $0x90000046  }
0xb2: {  	s29 =	simm.s32 $0x9;
	_ =	strace $0x80000048  }
0xb3: {  	_ =	swait.ge [sflag:s29], $0x1  }
0xb4: {  	[sflag:s29] =	ssyncadd.s32 $0xFFFFFFFF  }
0xb5: {  	_ =	strace $0x90000048  }
0xb6: {  	_ =	sfence  }
0xb7: {  	s30 =	sld [smem:$0x0];
	_ =	sdelay $0x2  }
0xb8: {  	s31 =	sshll.u32 s1, $0xD;
	s1 =	sshrl.u32 s1, $0x2  }
0xb9: {  	s3 =	sand.u32 $0x4000, s31;
	s1 =	sadd.s32 s1, s30  }
0xba: {  	s0 =	sor.u32 s3, s0;
	s1 =	sshll.u32 s1, $0x11  }
0xbb: {  	s0 =	sor.u32 s1, s0  }
0xbc: {  	s0 =	sadd.s32 $0x8F2B, s0  }
0xbd: {  	[sflag:s0] =	ssyncadd.remote.s32 $0x1  }
0xbe: {  	_ =	sfence.sel $0xFFFF  }
0xbf: {  	[dreg:$0x0] =	wrdreg $0xFFFFFFFF;
	(pc) =	sbr.abs _section_cstart, $3  }
0xc0: {  	[dreg:$0x1] =	wrdreg $0xFFFFFFFF  }
0xc1: {  	_ =	task.clear_ibuf [dreg:s6], $0x2FFFF;
	_ =	strace $0x9FFFFFFF  }
0xc2: {  	(tm) =	ssettm $0x7FFFFFFF  }
0xc3: {  	_ =	shalt  }
tec
execute0_lowered:
.L_overlay_start_1:
0x0: {  	(tag) =	ssettag $0x1  }
0x1: {  	s6 =	rddreg [dreg:$0x0]  }
0x2: {  	s2 =	rddreg [dreg:$0x1]  }
0x3: {  	s0 =	rddreg [dreg:$0x2]  }
0x4: {  	s4 =	srdreg.scid;
	s1 =	stileid.u32;
	s3 =	simm.s32 $0x0  }
0x5: {  	s18 =	simm.s32 $0x80;
	s21 =	simm.s32 $0x1;
	s22 =	simm.s32 $0x100  }
0x6: {  	s23 =	simm.s32 $0x2;
	s24 =	simm.s32 $0x4;
	s25 =	simm.s32 $0x3  }
0x7: {  	s28 =	simm.s32 $0x6;
	s29 =	simm.s32 $0x0;
	s5 =	smul.u32 $0x2800, s1  }
0x8: {  	s7 =	sand.u32 $0x1, s4;
	[smem:$0x7FF] =	sst s3;
	s11 =	smul.u32 $0x50000, s1  }
0x9: {  	s15 =	sadd.s32 $0x3600, s6;
	s13 =	smul.u32 $0x2880, s1;
	s19 =	sshll.u32 s1, $0x6  }
0xa: {  	s8 =	smul.u32 $0x28000, s7;
	s4 =	sshll.u32 s7, $0x4;
	_ =	strace $0x80000047  }
0xb: {  	s26 =	ssub.s32 $0x2, s7;
	s12 =	smul.u32 $0x28800, s7;
	s19 =	sor.u32 $0x1C07, s19  }
0xc: {  	s9 =	sor.u32 s1, s4;
	s4 =	sadd.s32 $0xD800, s6;
	s10 =	sshrl.u32 s26, $0x1  }
0xd: {  	s30 =	sshrl.u32 s11, $0x2;
	s8 =	sadd.s32 s5, s8;
	s9 =	smul.u32 $0x2880, s9  }
0xe: {  	s5 =	sadd.s32 $0xE000, s6;
	s10 =	ssub.s32 s26, s10;
	s20 =	sadd.s32 s30, s2  }
0xf: {  	s13 =	sadd.s32 s13, s12;
	s26 =	simm.s32 $0x5;
	s8 =	sadd.s32 s8, s6  }
0x10: {  	s14 =	sadd.s32 $0x380, s13;
	s16 =	sadd.s32 $0x300, s13;
	s17 =	sadd.s32 $0x280, s13  }
0x11: {  	s20 =	sshrl.u32 s20, $0x3;
	s9 =	sshrl.u32 s9, $0x3;
	s8 =	sadd.s32 $0x10800, s8  }
.Ltmp0:
0x12: {  	s14 =	sshrl.u32 s14, $0x3;
	s16 =	sshrl.u32 s16, $0x3;
	(pc) =	sbr.rel .LBB2_1-.Ltmp0, $4  }
0x13: {  	s31 =	sshrl.u32 s17, $0x3;
	s17 =	simm.s32 $0x7;
	s6 =	sadd.s32 s15, s9  }
0x14: {  	s9 =	smax.u32 s10, $0x1;
	s13 =	sadd.s32 s14, s15;
	s14 =	sadd.s32 s16, s15  }
0x15: {  	s15 =	sadd.s32 s31, s15;
	s16 =	simm.s32 $0x180;
	s7 =	sadd.s32 $0x10, s6  }
0x16: {  	s10 =	sadd.s32 $0x20, s6;
	s11 =	sadd.s32 $0x30, s6;
	s12 =	sadd.s32 $0x40, s6  }
.LBB2_4:
0x17: {  	_ =	swait.ge [sflag:s25], $0x80  }
0x18: {  	[sflag:s25] =	ssyncset.done $0x0  }
0x19: {  	[sflag:s25] =	ssyncadd.s32 $0xFFFFFF80  }
0x1a: {  	[spmem:s2] =	stream.indirect.scatter.add.f32 [tilespmem:s16], [sflag:$0x6], $0x80, s22, s18, $0xb8;
	[tilespmem:$0x18180] =	vst v63  }
0x1b: {  	_ =	swait.ge [sflag:s26], $0x4000  }
0x1c: {  	[sflag:s26] =	ssyncset.done $0x0  }
0x1d: {  	[sflag:s26] =	ssyncadd.s32 $0xFFFFC000  }
0x1e: {  	_ =	swait.ge [sflag:s28], $0x4000  }
0x1f: {  	s29 =	sadd.s32 $0x1, s29;
	[sflag:s28] =	ssyncset.done $0x0  }
0x20: {  	p0 =	sne.s32 s29, s9;
	[sflag:s28] =	ssyncadd.s32 $0xFFFFC000  }
.Ltmp1:
0x21: {  	[bflag:$0x0] =	sbarrier.arrive $0xFFFF;
	(pc) =	sbr.rel @!p0 .LBB2_5-.Ltmp1, $4  }
0x22: {  	[hbm:s8], [sflag:s19] =	dma.local [spmem:s20], $0x2800  }
0x23: {  	_ =	swait.ge [sflag:s17], $0x2800  }
0x24: {  	[sflag:s17] =	ssyncset.done $0x0  }
0x25: {  	[sflag:s17] =	ssyncadd.s32 $0xFFFFD800  }
.LBB2_1:
0x26: {  	[tilespmem:s16], [sflag:$0x7] =	stream.linear.gather [hbm4b:s4+s3], $0x4000, $0x38;
	[tilespmem:$0x18180] =	vst v63  }
0x27: {  	_ =	swait.ge [sflag:s17], $0x4000  }
0x28: {  	[sflag:s17] =	ssyncset.done $0x0  }
0x29: {  	[sflag:s17] =	ssyncadd.s32 $0xFFFFC000  }
0x2a: {  	[tilespmem:s3], [sflag:$0x1] =	stream.linear.gather [hbm4b:s6+s3], $0x80, $0x38;
	[tilespmem:$0x18180] =	vst v63  }
0x2b: {  	_ = 	snop  }
0x2c: {  	[tilespmem:s18], [sflag:$0x2] =	stream.linear.gather [hbm4b:s7+s3], $0x80, $0x38;
	[tilespmem:$0x18180] =	vst v63  }
0x2d: {  	[spmem:s20], [sflag:s19] =	dma.local [hbm:s5], $0x2800  }
0x2e: {  	_ =	swait.ge [sflag:s17], $0x2800  }
0x2f: {  	[sflag:s17] =	ssyncset.done $0x0  }
0x30: {  	[sflag:s17] =	ssyncadd.s32 $0xFFFFD800  }
0x31: {  	[bflag:$0x0] =	sbarrier.arrive $0xFFFF  }
0x32: {  	_ =	swait.ge [sflag:s21], $0x80  }
0x33: {  	[sflag:s21] =	ssyncset.done $0x0  }
0x34: {  	[sflag:s21] =	ssyncadd.s32 $0xFFFFFF80  }
0x35: {  	[spmem:s2] =	stream.indirect.scatter.add.f32 [tilespmem:s16], [sflag:$0x4], $0x80, s3, s18, $0xb8;
	[tilespmem:$0x18180] =	vst v63  }
0x36: {  	_ = 	snop  }
0x37: {  	[tilespmem:s22], [sflag:$0x3] =	stream.linear.gather [hbm4b:s10+s3], $0x80, $0x38;
	[tilespmem:$0x18180] =	vst v63  }
0x38: {  	_ =	swait.ge [sflag:s23], $0x80  }
0x39: {  	[sflag:s23] =	ssyncset.done $0x0  }
0x3a: {  	[sflag:s23] =	ssyncadd.s32 $0xFFFFFF80  }
0x3b: {  	[spmem:s2] =	stream.indirect.scatter.add.f32 [tilespmem:s16], [sflag:$0x5], $0x80, s18, s18, $0xb8;
	[tilespmem:$0x18180] =	vst v63  }
0x3c: {  	_ =	swait.ge [sflag:s24], $0x4000  }
0x3d: {  	[sflag:s24] =	ssyncset.done $0x0  }
0x3e: {  	[sflag:s24] =	ssyncadd.s32 $0xFFFFC000  }
0x3f: {  	[tilespmem:s3], [sflag:$0x1] =	stream.linear.gather [hbm4b:s11+s3], $0x80, $0x38;
	[tilespmem:$0x18180] =	vst v63  }
0x40: {  	_ =	swait.ge [sflag:s25], $0x80  }
0x41: {  	[sflag:s25] =	ssyncset.done $0x0  }
0x42: {  	[sflag:s25] =	ssyncadd.s32 $0xFFFFFF80  }
0x43: {  	[spmem:s2] =	stream.indirect.scatter.add.f32 [tilespmem:s16], [sflag:$0x6], $0x80, s22, s18, $0xb8;
	[tilespmem:$0x18180] =	vst v63  }
0x44: {  	_ =	swait.ge [sflag:s26], $0x4000  }
0x45: {  	[sflag:s26] =	ssyncset.done $0x0  }
0x46: {  	s30 =	simm.s32 $0x0;
	[sflag:s26] =	ssyncadd.s32 $0xFFFFC000  }
0x47: {  	[tilespmem:s18], [sflag:$0x2] =	stream.linear.gather [hbm4b:s12+s3], $0x80, $0x38;
	[tilespmem:$0x18180] =	vst v63  }
.LBB2_2:
0x48: {  	_ =	swait.ge [sflag:s21], $0x80  }
0x49: {  	[sflag:s21] =	ssyncset.done $0x0  }
0x4a: {  	[sflag:s21] =	ssyncadd.s32 $0xFFFFFF80  }
0x4b: {  	[spmem:s2] =	stream.indirect.scatter.add.f32 [tilespmem:s16], [sflag:$0x4], $0x80, s3, s18, $0xb8;
	[tilespmem:$0x18180] =	vst v63  }
0x4c: {  	_ =	swait.ge [sflag:s28], $0x4000  }
0x4d: {  	[sflag:s28] =	ssyncset.done $0x0  }
0x4e: {  	s31 =	sadd.s32 s30, s15;
	[sflag:s28] =	ssyncadd.s32 $0xFFFFC000  }
0x4f: {  	[tilespmem:s22], [sflag:$0x3] =	stream.linear.gather [hbm4b:s31+s3], $0x80, $0x38;
	[tilespmem:$0x18180] =	vst v63  }
0x50: {  	_ =	swait.ge [sflag:s23], $0x80  }
0x51: {  	p0 =	seq.s32 s30, $0x4B0;
	[sflag:s23] =	ssyncset.done $0x0  }
.Ltmp2:
0x52: {  	[sflag:s23] =	ssyncadd.s32 $0xFFFFFF80;
	(pc) =	sbr.rel @p0 .LBB2_4-.Ltmp2, $4  }
0x53: {  	[spmem:s2] =	stream.indirect.scatter.add.f32 [tilespmem:s16], [sflag:$0x5], $0x80, s18, s18, $0xb8;
	[tilespmem:$0x18180] =	vst v63  }
0x54: {  	_ =	swait.ge [sflag:s24], $0x4000  }
0x55: {  	[sflag:s24] =	ssyncset.done $0x0  }
0x56: {  	[sflag:s24] =	ssyncadd.s32 $0xFFFFC000  }
0x57: {  	s31 =	sadd.s32 s30, s14  }
0x58: {  	[tilespmem:s3], [sflag:$0x1] =	stream.linear.gather [hbm4b:s31+s3], $0x80, $0x38;
	[tilespmem:$0x18180] =	vst v63  }
0x59: {  	_ =	swait.ge [sflag:s25], $0x80  }
0x5a: {  	[sflag:s25] =	ssyncset.done $0x0  }
0x5b: {  	[sflag:s25] =	ssyncadd.s32 $0xFFFFFF80  }
0x5c: {  	[spmem:s2] =	stream.indirect.scatter.add.f32 [tilespmem:s16], [sflag:$0x6], $0x80, s22, s18, $0xb8;
	[tilespmem:$0x18180] =	vst v63  }
.Ltmp3:
0x5d: {  	_ = 	snop;
	(pc) =	sbr.rel .LBB2_2-.Ltmp3, $4  }
0x5e: {  	_ =	swait.ge [sflag:s26], $0x4000  }
0x5f: {  	[sflag:s26] =	ssyncset.done $0x0  }
0x60: {  	s31 =	sadd.s32 s30, s13;
	s30 =	sadd.s32 $0x30, s30;
	[sflag:s26] =	ssyncadd.s32 $0xFFFFC000  }
0x61: {  	[tilespmem:s18], [sflag:$0x2] =	stream.linear.gather [hbm4b:s31+s3], $0x80, $0x38;
	[tilespmem:$0x18180] =	vst v63  }
.LBB2_5:
0x62: {  	_ =	sfence.sel $0x180000  }
0x63: {  	[bflag:$0x0] =	sbarrier.arrive $0xFFFF  }
0x64: {  	p0 =	sne.s32 s1, $0x0;
	_ =	strace $0x90000047  }
0x65: {  	s0 =	sadd.s32 @!p0 $0x100000, s0;
	[bflag:$0x2] =	sbarrier.arrive $0xFFFF  }
0x66: {  	[sflag:s0] =	ssyncadd.tile.s32 @!p0 $0x1;
	_ =	shalt  }
.Lfunc_end2:
_tile_overlayer_lowered:
.L_overlay_start_2:
0x67: {  	(tag) =	ssettag $0x2  }
0x68: {  	s0 =	rddreg [dreg:$0x0];
	s2 =	stileid.u32  }
0x69: {  	s1 =	rddreg [dreg:$0x1];
	p0 =	sne.s32 s2, $0x0  }
0x6a: {  	s3 =	rddreg [dreg:$0x2];
	[bflag:$0x3] =	sbarrier.arrive $0xFFFF;
	s2 =	simm.s32 @!p0 $0x1C07  }
0x6b: {  	[timem:s3], [sflag:s2] =	dma.local @!p0 [hbm:s0], s1  }
0x6c: {  	s0 =	simm.s32 @!p0 $0x7  }
0x6d: {  	_ =	swait.ge @!p0 [sflag:s0], s1  }
0x6e: {  	s1 =	ssub.s32 @!p0 $0x0, s1;
	[sflag:s0] =	ssyncset.done @!p0 $0x0  }
0x6f: {  	[sflag:s0] =	ssyncadd.s32 @!p0 s1  }
0x70: {  	[bflag:$0x3] =	sbarrier.arrive $0xFFFF  }
0x71: {  	_ =	shalt  }

</sc_bundles>
